<compile_context>
chip_gen: v7x
topology: tpu7x:2x2x1
jax: 0.10.2.dev20260603
libtpu: 0.0.44.dev20260713+nightly
codegen_flags: <defaults>
</compile_context>

<pallas_src>
import functools

import jax
import jax.numpy as jnp
from jax.experimental import pallas as pl
from jax.experimental.pallas import tpu as pltpu
from jax.experimental.pallas import tpu_sc as plsc

NB_OBJECTS = 5
DIM_BODY = 10
DIM_OBJECT = 15
DIM_EDGE = 32
HID = 256
D_PHI_OUT = 64
RHO_HID = 256
D_ACT = 4
TILE_B = 2048


def _mlp_kernel(obs_ref, pool_ref, w1_ref, b1_ref, w2_ref, b2_ref,
                rw1_ref, rb1_ref, mw_ref, mb_ref, lw_ref, lb_ref,
                mean_ref, logstd_ref):
    f32 = jnp.float32
    dot = functools.partial(jnp.dot, preferred_element_type=f32)

    t_body = dot(obs_ref[:, :DIM_BODY], w1_ref[:DIM_BODY, :]) + b1_ref[0, :]
    w1_obj = w1_ref[DIM_BODY:DIM_BODY + DIM_OBJECT, :]
    w1_ef = w1_ref[DIM_BODY + DIM_OBJECT:, :]
    w2 = w2_ref[:, :]
    b2 = b2_ref[0, :]

    agg = jnp.zeros((TILE_B, D_PHI_OUT), dtype=f32)
    for i in range(NB_OBJECTS):
        lo = DIM_BODY + DIM_OBJECT * i
        obj = obs_ref[:, lo:lo + DIM_OBJECT]
        h1 = jax.nn.relu(t_body + dot(obj, w1_obj) + dot(pool_ref[i], w1_ef))
        agg = agg + jax.nn.relu(dot(h1, w2) + b2)

    r = jax.nn.relu(dot(agg, rw1_ref[:, :]) + rb1_ref[0, :])
    mean_ref[:, :] = dot(r, mw_ref[:, :]) + mb_ref[0, :]
    logstd_ref[:, :] = jnp.clip(dot(r, lw_ref[:, :]) + lb_ref[0, :],
                                -20.0, 2.0)


def _sc_pool(edge_features):
    n_edges, B, d = edge_features.shape
    info = plsc.get_sparse_core_info()
    nw = info.num_cores * info.num_subcores
    bpw = B // nw
    chunk = 16
    nck = bpw // chunk
    mesh = plsc.VectorSubcoreMesh(core_axis_name="c", subcore_axis_name="s")

    @functools.partial(
        pl.kernel, mesh=mesh,
        out_type=jax.ShapeDtypeStruct((NB_OBJECTS, B, d), jnp.float32),
        scratch_types=[
            pltpu.VMEM((4, chunk, d), jnp.float32),
            pltpu.VMEM((chunk, d), jnp.float32),
        ],
    )
    def pool(ef_hbm, out_hbm, bufs, obuf):
        wid = (jax.lax.axis_index("s") * info.num_cores
               + jax.lax.axis_index("c"))
        base = wid * bpw

        @pl.loop(0, nck)
        def _(ck):
            lo = base + ck * chunk
            for i in range(NB_OBJECTS):
                for e in range(4):
                    pltpu.sync_copy(
                        ef_hbm.at[4 * i + e, pl.ds(lo, chunk), :],
                        bufs.at[e])
                obuf[...] = jnp.maximum(
                    jnp.maximum(bufs[0], bufs[1]),
                    jnp.maximum(bufs[2], bufs[3]))
                pltpu.sync_copy(obuf, out_hbm.at[i, pl.ds(lo, chunk), :])

    return pool(edge_features)


def kernel(obs, edge_features, phi_w1, phi_b1, phi_w2, phi_b2,
           rho_w1, rho_b1, mean_w, mean_b, logstd_w, logstd_b):
    B = obs.shape[0]
    grid = (B // TILE_B,)

    pooled = _sc_pool(edge_features)

    def rep(shape):
        return pl.BlockSpec(shape, lambda jj: (0,) * len(shape))

    out_shape = (
        jax.ShapeDtypeStruct((B, D_ACT), jnp.float32),
        jax.ShapeDtypeStruct((B, D_ACT), jnp.float32),
    )
    io_spec = pl.BlockSpec((TILE_B, D_ACT), lambda jj: (jj, 0))
    return pl.pallas_call(
        _mlp_kernel,
        grid=grid,
        in_specs=[
            pl.BlockSpec((TILE_B, obs.shape[1]), lambda jj: (jj, 0)),
            pl.BlockSpec((NB_OBJECTS, TILE_B, DIM_EDGE),
                         lambda jj: (0, jj, 0)),
            rep(phi_w1.shape),
            rep((1, HID)),
            rep(phi_w2.shape),
            rep((1, D_PHI_OUT)),
            rep(rho_w1.shape),
            rep((1, RHO_HID)),
            rep(mean_w.shape),
            rep((1, D_ACT)),
            rep(logstd_w.shape),
            rep((1, D_ACT)),
        ],
        out_specs=(io_spec, io_spec),
        out_shape=out_shape,
        compiler_params=pltpu.CompilerParams(
            dimension_semantics=("arbitrary",),
        ),
    )(obs, pooled,
      phi_w1, phi_b1.reshape(1, HID),
      phi_w2, phi_b2.reshape(1, D_PHI_OUT),
      rho_w1, rho_b1.reshape(1, RHO_HID),
      mean_w, mean_b.reshape(1, D_ACT),
      logstd_w, logstd_b.reshape(1, D_ACT))

# --- scband reference (transcript-rebuilt; emitter-appended) ---
"""Pipeline reference for scband-gnn-actor-84585085928080 (READ-ONLY COPY).

The authoritative reference and input builder live on the scoring server;
editing this copy changes nothing except your own understanding.
"""

import jax, jax.numpy as jnp
import numpy as np

NB_OBJECTS = 5
DIM_BODY = 10
DIM_OBJECT = 15
DIM_EDGE = 32
D_PHI_IN = 57
HID = 256
D_PHI_OUT = 64
D_RHO_IN = 64
RHO_HID = 256
D_ACT = 4
B = 16384
EDGE_IDS = np.arange(20).reshape(5, 4)


def setup_inputs(seed: int = 0) -> dict:
    key = jax.random.key(seed)
    ks = jax.random.split(key, 14)
    inp = {}
    inp["obs"] = jax.random.normal(ks[0], (B, DIM_BODY + NB_OBJECTS * DIM_OBJECT), dtype=jnp.float32)
    inp["edge_features"] = jax.random.normal(ks[1], (20, B, DIM_EDGE), dtype=jnp.float32)
    inp["phi_w1"] = jax.random.normal(ks[2], (D_PHI_IN, HID), dtype=jnp.float32) * 0.05
    inp["phi_b1"] = jnp.zeros((HID,), dtype=jnp.float32)
    inp["phi_w2"] = jax.random.normal(ks[3], (HID, D_PHI_OUT), dtype=jnp.float32) * 0.05
    inp["phi_b2"] = jnp.zeros((D_PHI_OUT,), dtype=jnp.float32)
    inp["rho_w1"] = jax.random.normal(ks[4], (D_RHO_IN, RHO_HID), dtype=jnp.float32) * 0.05
    inp["rho_b1"] = jnp.zeros((RHO_HID,), dtype=jnp.float32)
    inp["mean_w"] = jax.random.normal(ks[5], (RHO_HID, D_ACT), dtype=jnp.float32) * 0.05
    inp["mean_b"] = jnp.zeros((D_ACT,), dtype=jnp.float32)
    inp["logstd_w"] = jax.random.normal(ks[6], (RHO_HID, D_ACT), dtype=jnp.float32) * 0.05
    inp["logstd_b"] = jnp.zeros((D_ACT,), dtype=jnp.float32)
    return inp


def reference(obs, edge_features, phi_w1, phi_b1, phi_w2, phi_b2, rho_w1, rho_b1, mean_w, mean_b, logstd_w, logstd_b):
    obs_body = obs[:, :DIM_BODY]
    parts = []
    for i in range(NB_OBJECTS):
        obj = obs[:, DIM_BODY + DIM_OBJECT * i: DIM_BODY + DIM_OBJECT * (i + 1)]
        ef = jnp.max(jnp.take(edge_features, jnp.asarray(EDGE_IDS[i]), axis=0), axis=0)
        parts.append(jnp.concatenate([obs_body, obj, ef], axis=1))
    inp = jnp.stack(parts, axis=0)  # [5, B, 57]
    h = jax.nn.relu(inp @ phi_w1 + phi_b1)
    h = jax.nn.relu(h @ phi_w2 + phi_b2)
    agg = jnp.sum(h, axis=0)  # [B, 64]
    r = jax.nn.relu(agg @ rho_w1 + rho_b1)
    mean = r @ mean_w + mean_b
    logstd = jnp.clip(r @ logstd_w + logstd_b, -20.0, 2.0)
    return (mean, logstd)

if __name__ == "__main__":
    import jax
    _d = setup_inputs()
    print(jax.jit(kernel)(*tuple(_d.values())))

</pallas_src>

<mosaic_0001>
#map = affine_map<(d0, d1) -> (0, 0, 0)>
module attributes {stable_mosaic.version = 14 : i64} {
  func.func @pool(%arg0: i32, %arg1: i32, %arg2: memref<20x16384x32xf32, #tpu.memory_space<hbm>>, %arg3: memref<5x16384x32xf32, #tpu.memory_space<hbm>>, %arg4: memref<4x16x32xf32, #tpu.memory_space<vmem>>, %arg5: memref<16x32xf32, #tpu.memory_space<vmem>>) attributes {dimension_semantics = [#tpu.dimension_semantics<core_parallel>, #tpu.dimension_semantics<subcore_parallel>], iteration_bounds = array<i64: 2, 16>, scalar_prefetch = 0 : i64, scratch_operands = 2 : i64, tpu.core_type = #tpu.core_type<sc_vector_subcore>, window_params = [{transform_indices = #map}, {transform_indices = #map}]} {
    %mul3A = arith.constant 2 : i32
    %mul3A_0 = arith.muli %arg1, %mul3A : i32
    %add3A = arith.addi %mul3A_0, %arg0 : i32
    %mul3A_1 = arith.constant 512 : i32
    %mul3A_2 = arith.muli %add3A, %mul3A_1 : i32
    %scan3A = arith.constant 0 : i32
    %scan3A_3 = arith.constant 32 : i32
    %scan3A_4 = arith.addi %scan3A, %scan3A_3 : i32
    %scan3A_5 = arith.constant 1 : i32
    scf.for %scan3A_7 = %scan3A to %scan3A_4 step %scan3A_5  : i32 {
      %mul3A_8 = arith.constant 1 : i32
      %mul3A_9 = arith.muli %scan3A_7, %mul3A_8 : i32
      %add3A_10 = arith.constant 0 : i32
      %add3A_11 = arith.addi %add3A_10, %mul3A_9 : i32
      %mul3A_12 = arith.constant 16 : i32
      %mul3A_13 = arith.muli %add3A_11, %mul3A_12 : i32
      %add3A_14 = arith.addi %mul3A_2, %mul3A_13 : i32
      %run_scoped3A = arith.constant 0 : i32
      %run_scoped3A_15 = arith.constant 0 : i32
      "tpu.region"() ({
        %run_scoped3A_216 = tpu.sem_alloc : memref<!tpu.dma_semaphore, #tpu.memory_space<semaphore_mem>>
        %dma_start3A = arith.constant 0 : i32
        %dma_start3A_217 = arith.constant 0 : i32
        %dma_start3A_218 = tpu.memref_slice %arg4[%run_scoped3A_15, %dma_start3A, %dma_start3A_217] : memref<4x16x32xf32, #tpu.memory_space<vmem>> -> memref<1x16x32xf32, #tpu.memory_space<vmem>>
        %dma_start3A_219 = tpu.memref_squeeze %dma_start3A_218 : memref<1x16x32xf32, #tpu.memory_space<vmem>> -> memref<16x32xf32, #tpu.memory_space<vmem>>
        %dma_start3A_220 = arith.constant 0 : i32
        %dma_start3A_221 = tpu.memref_slice %arg2[%run_scoped3A, %add3A_14, %dma_start3A_220] : memref<20x16384x32xf32, #tpu.memory_space<hbm>> -> memref<1x16x32xf32, #tpu.memory_space<hbm>>
        %dma_start3A_222 = tpu.memref_squeeze %dma_start3A_221 : memref<1x16x32xf32, #tpu.memory_space<hbm>> -> memref<16x32xf32, #tpu.memory_space<hbm>>
        %dma_start3A_223 = arith.constant 0 : i32
        %dma_start3A_224 = arith.constant 0 : i32
        %dma_start3A_225 = tpu.memref_slice %arg4[%run_scoped3A_15, %dma_start3A_223, %dma_start3A_224] : memref<4x16x32xf32, #tpu.memory_space<vmem>> -> memref<1x16x32xf32, #tpu.memory_space<vmem>>
        %dma_start3A_226 = tpu.memref_squeeze %dma_start3A_225 : memref<1x16x32xf32, #tpu.memory_space<vmem>> -> memref<16x32xf32, #tpu.memory_space<vmem>>
        %dma_start3A_227 = arith.constant 0 : i32
        %dma_start3A_228 = tpu.memref_slice %arg2[%run_scoped3A, %add3A_14, %dma_start3A_227] : memref<20x16384x32xf32, #tpu.memory_space<hbm>> -> memref<1x16x32xf32, #tpu.memory_space<hbm>>
        %dma_start3A_229 = tpu.memref_squeeze %dma_start3A_228 : memref<1x16x32xf32, #tpu.memory_space<hbm>> -> memref<16x32xf32, #tpu.memory_space<hbm>>
        tpu.enqueue_dma source(%dma_start3A_229 : memref<16x32xf32, #tpu.memory_space<hbm>>) target(%dma_start3A_226 : memref<16x32xf32, #tpu.memory_space<vmem>>) target_semaphore(%run_scoped3A_216 : memref<!tpu.dma_semaphore, #tpu.memory_space<semaphore_mem>>)
        %dma_wait3A = arith.constant 0 : i32
        %dma_wait3A_230 = arith.constant 0 : i32
        %dma_wait3A_231 = tpu.memref_slice %arg4[%run_scoped3A_15, %dma_wait3A, %dma_wait3A_230] : memref<4x16x32xf32, #tpu.memory_space<vmem>> -> memref<1x16x32xf32, #tpu.memory_space<vmem>>
        %dma_wait3A_232 = tpu.memref_squeeze %dma_wait3A_231 : memref<1x16x32xf32, #tpu.memory_space<vmem>> -> memref<16x32xf32, #tpu.memory_space<vmem>>
        %dma_wait3A_233 = arith.constant 0 : i32
        %dma_wait3A_234 = tpu.memref_slice %arg2[%run_scoped3A, %add3A_14, %dma_wait3A_233] : memref<20x16384x32xf32, #tpu.memory_space<hbm>> -> memref<1x16x32xf32, #tpu.memory_space<hbm>>
        %dma_wait3A_235 = tpu.memref_squeeze %dma_wait3A_234 : memref<1x16x32xf32, #tpu.memory_space<hbm>> -> memref<16x32xf32, #tpu.memory_space<hbm>>
        %dma_wait3A_236 = arith.constant 0 : i32
        %dma_wait3A_237 = arith.constant 0 : i32
        %dma_wait3A_238 = tpu.memref_slice %arg4[%run_scoped3A_15, %dma_wait3A_236, %dma_wait3A_237] : memref<4x16x32xf32, #tpu.memory_space<vmem>> -> memref<1x16x32xf32, #tpu.memory_space<vmem>>
        %dma_wait3A_239 = tpu.memref_squeeze %dma_wait3A_238 : memref<1x16x32xf32, #tpu.memory_space<vmem>> -> memref<16x32xf32, #tpu.memory_space<vmem>>
        %dma_wait3A_240 = arith.constant 0 : i32
        %dma_wait3A_241 = tpu.memref_slice %arg2[%run_scoped3A, %add3A_14, %dma_wait3A_240] : memref<20x16384x32xf32, #tpu.memory_space<hbm>> -> memref<1x16x32xf32, #tpu.memory_space<hbm>>
        %dma_wait3A_242 = tpu.memref_squeeze %dma_wait3A_241 : memref<1x16x32xf32, #tpu.memory_space<hbm>> -> memref<16x32xf32, #tpu.memory_space<hbm>>
        tpu.wait_dma2 semaphore(%run_scoped3A_216 : memref<!tpu.dma_semaphore, #tpu.memory_space<semaphore_mem>>) src(%dma_wait3A_242 : memref<16x32xf32, #tpu.memory_space<hbm>>) dst(%dma_wait3A_239 : memref<16x32xf32, #tpu.memory_space<vmem>>)
        tpu.yield
      }) : () -> ()
      %run_scoped3A_16 = arith.constant 1 : i32
      %run_scoped3A_17 = arith.constant 1 : i32
      "tpu.region"() ({
        %run_scoped3A_216 = tpu.sem_alloc : memref<!tpu.dma_semaphore, #tpu.memory_space<semaphore_mem>>
        %dma_start3A = arith.constant 0 : i32
        %dma_start3A_217 = arith.constant 0 : i32
        %dma_start3A_218 = tpu.memref_slice %arg4[%run_scoped3A_17, %dma_start3A, %dma_start3A_217] : memref<4x16x32xf32, #tpu.memory_space<vmem>> -> memref<1x16x32xf32, #tpu.memory_space<vmem>>
        %dma_start3A_219 = tpu.memref_squeeze %dma_start3A_218 : memref<1x16x32xf32, #tpu.memory_space<vmem>> -> memref<16x32xf32, #tpu.memory_space<vmem>>
        %dma_start3A_220 = arith.constant 0 : i32
        %dma_start3A_221 = tpu.memref_slice %arg2[%run_scoped3A_16, %add3A_14, %dma_start3A_220] : memref<20x16384x32xf32, #tpu.memory_space<hbm>> -> memref<1x16x32xf32, #tpu.memory_space<hbm>>
        %dma_start3A_222 = tpu.memref_squeeze %dma_start3A_221 : memref<1x16x32xf32, #tpu.memory_space<hbm>> -> memref<16x32xf32, #tpu.memory_space<hbm>>
        %dma_start3A_223 = arith.constant 0 : i32
        %dma_start3A_224 = arith.constant 0 : i32
        %dma_start3A_225 = tpu.memref_slice %arg4[%run_scoped3A_17, %dma_start3A_223, %dma_start3A_224] : memref<4x16x32xf32, #tpu.memory_space<vmem>> -> memref<1x16x32xf32, #tpu.memory_space<vmem>>
        %dma_start3A_226 = tpu.memref_squeeze %dma_start3A_225 : memref<1x16x32xf32, #tpu.memory_space<vmem>> -> memref<16x32xf32, #tpu.memory_space<vmem>>
        %dma_start3A_227 = arith.constant 0 : i32
        %dma_start3A_228 = tpu.memref_slice %arg2[%run_scoped3A_16, %add3A_14, %dma_start3A_227] : memref<20x16384x32xf32, #tpu.memory_space<hbm>> -> memref<1x16x32xf32, #tpu.memory_space<hbm>>
        %dma_start3A_229 = tpu.memref_squeeze %dma_start3A_228 : memref<1x16x32xf32, #tpu.memory_space<hbm>> -> memref<16x32xf32, #tpu.memory_space<hbm>>
        tpu.enqueue_dma source(%dma_start3A_229 : memref<16x32xf32, #tpu.memory_space<hbm>>) target(%dma_start3A_226 : memref<16x32xf32, #tpu.memory_space<vmem>>) target_semaphore(%run_scoped3A_216 : memref<!tpu.dma_semaphore, #tpu.memory_space<semaphore_mem>>)
        %dma_wait3A = arith.constant 0 : i32
        %dma_wait3A_230 = arith.constant 0 : i32
        %dma_wait3A_231 = tpu.memref_slice %arg4[%run_scoped3A_17, %dma_wait3A, %dma_wait3A_230] : memref<4x16x32xf32, #tpu.memory_space<vmem>> -> memref<1x16x32xf32, #tpu.memory_space<vmem>>
        %dma_wait3A_232 = tpu.memref_squeeze %dma_wait3A_231 : memref<1x16x32xf32, #tpu.memory_space<vmem>> -> memref<16x32xf32, #tpu.memory_space<vmem>>
        %dma_wait3A_233 = arith.constant 0 : i32
        %dma_wait3A_234 = tpu.memref_slice %arg2[%run_scoped3A_16, %add3A_14, %dma_wait3A_233] : memref<20x16384x32xf32, #tpu.memory_space<hbm>> -> memref<1x16x32xf32, #tpu.memory_space<hbm>>
        %dma_wait3A_235 = tpu.memref_squeeze %dma_wait3A_234 : memref<1x16x32xf32, #tpu.memory_space<hbm>> -> memref<16x32xf32, #tpu.memory_space<hbm>>
        %dma_wait3A_236 = arith.constant 0 : i32
        %dma_wait3A_237 = arith.constant 0 : i32
        %dma_wait3A_238 = tpu.memref_slice %arg4[%run_scoped3A_17, %dma_wait3A_236, %dma_wait3A_237] : memref<4x16x32xf32, #tpu.memory_space<vmem>> -> memref<1x16x32xf32, #tpu.memory_space<vmem>>
        %dma_wait3A_239 = tpu.memref_squeeze %dma_wait3A_238 : memref<1x16x32xf32, #tpu.memory_space<vmem>> -> memref<16x32xf32, #tpu.memory_space<vmem>>
        %dma_wait3A_240 = arith.constant 0 : i32
        %dma_wait3A_241 = tpu.memref_slice %arg2[%run_scoped3A_16, %add3A_14, %dma_wait3A_240] : memref<20x16384x32xf32, #tpu.memory_space<hbm>> -> memref<1x16x32xf32, #tpu.memory_space<hbm>>
        %dma_wait3A_242 = tpu.memref_squeeze %dma_wait3A_241 : memref<1x16x32xf32, #tpu.memory_space<hbm>> -> memref<16x32xf32, #tpu.memory_space<hbm>>
        tpu.wait_dma2 semaphore(%run_scoped3A_216 : memref<!tpu.dma_semaphore, #tpu.memory_space<semaphore_mem>>) src(%dma_wait3A_242 : memref<16x32xf32, #tpu.memory_space<hbm>>) dst(%dma_wait3A_239 : memref<16x32xf32, #tpu.memory_space<vmem>>)
        tpu.yield
      }) : () -> ()
      %run_scoped3A_18 = arith.constant 2 : i32
      %run_scoped3A_19 = arith.constant 2 : i32
      "tpu.region"() ({
        %run_scoped3A_216 = tpu.sem_alloc : memref<!tpu.dma_semaphore, #tpu.memory_space<semaphore_mem>>
        %dma_start3A = arith.constant 0 : i32
        %dma_start3A_217 = arith.constant 0 : i32
        %dma_start3A_218 = tpu.memref_slice %arg4[%run_scoped3A_19, %dma_start3A, %dma_start3A_217] : memref<4x16x32xf32, #tpu.memory_space<vmem>> -> memref<1x16x32xf32, #tpu.memory_space<vmem>>
        %dma_start3A_219 = tpu.memref_squeeze %dma_start3A_218 : memref<1x16x32xf32, #tpu.memory_space<vmem>> -> memref<16x32xf32, #tpu.memory_space<vmem>>
        %dma_start3A_220 = arith.constant 0 : i32
        %dma_start3A_221 = tpu.memref_slice %arg2[%run_scoped3A_18, %add3A_14, %dma_start3A_220] : memref<20x16384x32xf32, #tpu.memory_space<hbm>> -> memref<1x16x32xf32, #tpu.memory_space<hbm>>
        %dma_start3A_222 = tpu.memref_squeeze %dma_start3A_221 : memref<1x16x32xf32, #tpu.memory_space<hbm>> -> memref<16x32xf32, #tpu.memory_space<hbm>>
        %dma_start3A_223 = arith.constant 0 : i32
        %dma_start3A_224 = arith.constant 0 : i32
        %dma_start3A_225 = tpu.memref_slice %arg4[%run_scoped3A_19, %dma_start3A_223, %dma_start3A_224] : memref<4x16x32xf32, #tpu.memory_space<vmem>> -> memref<1x16x32xf32, #tpu.memory_space<vmem>>
        %dma_start3A_226 = tpu.memref_squeeze %dma_start3A_225 : memref<1x16x32xf32, #tpu.memory_space<vmem>> -> memref<16x32xf32, #tpu.memory_space<vmem>>
        %dma_start3A_227 = arith.constant 0 : i32
        %dma_start3A_228 = tpu.memref_slice %arg2[%run_scoped3A_18, %add3A_14, %dma_start3A_227] : memref<20x16384x32xf32, #tpu.memory_space<hbm>> -> memref<1x16x32xf32, #tpu.memory_space<hbm>>
        %dma_start3A_229 = tpu.memref_squeeze %dma_start3A_228 : memref<1x16x32xf32, #tpu.memory_space<hbm>> -> memref<16x32xf32, #tpu.memory_space<hbm>>
        tpu.enqueue_dma source(%dma_start3A_229 : memref<16x32xf32, #tpu.memory_space<hbm>>) target(%dma_start3A_226 : memref<16x32xf32, #tpu.memory_space<vmem>>) target_semaphore(%run_scoped3A_216 : memref<!tpu.dma_semaphore, #tpu.memory_space<semaphore_mem>>)
        %dma_wait3A = arith.constant 0 : i32
        %dma_wait3A_230 = arith.constant 0 : i32
        %dma_wait3A_231 = tpu.memref_slice %arg4[%run_scoped3A_19, %dma_wait3A, %dma_wait3A_230] : memref<4x16x32xf32, #tpu.memory_space<vmem>> -> memref<1x16x32xf32, #tpu.memory_space<vmem>>
        %dma_wait3A_232 = tpu.memref_squeeze %dma_wait3A_231 : memref<1x16x32xf32, #tpu.memory_space<vmem>> -> memref<16x32xf32, #tpu.memory_space<vmem>>
        %dma_wait3A_233 = arith.constant 0 : i32
        %dma_wait3A_234 = tpu.memref_slice %arg2[%run_scoped3A_18, %add3A_14, %dma_wait3A_233] : memref<20x16384x32xf32, #tpu.memory_space<hbm>> -> memref<1x16x32xf32, #tpu.memory_space<hbm>>
        %dma_wait3A_235 = tpu.memref_squeeze %dma_wait3A_234 : memref<1x16x32xf32, #tpu.memory_space<hbm>> -> memref<16x32xf32, #tpu.memory_space<hbm>>
        %dma_wait3A_236 = arith.constant 0 : i32
        %dma_wait3A_237 = arith.constant 0 : i32
        %dma_wait3A_238 = tpu.memref_slice %arg4[%run_scoped3A_19, %dma_wait3A_236, %dma_wait3A_237] : memref<4x16x32xf32, #tpu.memory_space<vmem>> -> memref<1x16x32xf32, #tpu.memory_space<vmem>>
        %dma_wait3A_239 = tpu.memref_squeeze %dma_wait3A_238 : memref<1x16x32xf32, #tpu.memory_space<vmem>> -> memref<16x32xf32, #tpu.memory_space<vmem>>
        %dma_wait3A_240 = arith.constant 0 : i32
        %dma_wait3A_241 = tpu.memref_slice %arg2[%run_scoped3A_18, %add3A_14, %dma_wait3A_240] : memref<20x16384x32xf32, #tpu.memory_space<hbm>> -> memref<1x16x32xf32, #tpu.memory_space<hbm>>
        %dma_wait3A_242 = tpu.memref_squeeze %dma_wait3A_241 : memref<1x16x32xf32, #tpu.memory_space<hbm>> -> memref<16x32xf32, #tpu.memory_space<hbm>>
        tpu.wait_dma2 semaphore(%run_scoped3A_216 : memref<!tpu.dma_semaphore, #tpu.memory_space<semaphore_mem>>) src(%dma_wait3A_242 : memref<16x32xf32, #tpu.memory_space<hbm>>) dst(%dma_wait3A_239 : memref<16x32xf32, #tpu.memory_space<vmem>>)
        tpu.yield
      }) : () -> ()
      %run_scoped3A_20 = arith.constant 3 : i32
      %run_scoped3A_21 = arith.constant 3 : i32
      "tpu.region"() ({
        %run_scoped3A_216 = tpu.sem_alloc : memref<!tpu.dma_semaphore, #tpu.memory_space<semaphore_mem>>
        %dma_start3A = arith.constant 0 : i32
        %dma_start3A_217 = arith.constant 0 : i32
        %dma_start3A_218 = tpu.memref_slice %arg4[%run_scoped3A_21, %dma_start3A, %dma_start3A_217] : memref<4x16x32xf32, #tpu.memory_space<vmem>> -> memref<1x16x32xf32, #tpu.memory_space<vmem>>
        %dma_start3A_219 = tpu.memref_squeeze %dma_start3A_218 : memref<1x16x32xf32, #tpu.memory_space<vmem>> -> memref<16x32xf32, #tpu.memory_space<vmem>>
        %dma_start3A_220 = arith.constant 0 : i32
        %dma_start3A_221 = tpu.memref_slice %arg2[%run_scoped3A_20, %add3A_14, %dma_start3A_220] : memref<20x16384x32xf32, #tpu.memory_space<hbm>> -> memref<1x16x32xf32, #tpu.memory_space<hbm>>
        %dma_start3A_222 = tpu.memref_squeeze %dma_start3A_221 : memref<1x16x32xf32, #tpu.memory_space<hbm>> -> memref<16x32xf32, #tpu.memory_space<hbm>>
        %dma_start3A_223 = arith.constant 0 : i32
        %dma_start3A_224 = arith.constant 0 : i32
        %dma_start3A_225 = tpu.memref_slice %arg4[%run_scoped3A_21, %dma_start3A_223, %dma_start3A_224] : memref<4x16x32xf32, #tpu.memory_space<vmem>> -> memref<1x16x32xf32, #tpu.memory_space<vmem>>
        %dma_start3A_226 = tpu.memref_squeeze %dma_start3A_225 : memref<1x16x32xf32, #tpu.memory_space<vmem>> -> memref<16x32xf32, #tpu.memory_space<vmem>>
        %dma_start3A_227 = arith.constant 0 : i32
        %dma_start3A_228 = tpu.memref_slice %arg2[%run_scoped3A_20, %add3A_14, %dma_start3A_227] : memref<20x16384x32xf32, #tpu.memory_space<hbm>> -> memref<1x16x32xf32, #tpu.memory_space<hbm>>
        %dma_start3A_229 = tpu.memref_squeeze %dma_start3A_228 : memref<1x16x32xf32, #tpu.memory_space<hbm>> -> memref<16x32xf32, #tpu.memory_space<hbm>>
        tpu.enqueue_dma source(%dma_start3A_229 : memref<16x32xf32, #tpu.memory_space<hbm>>) target(%dma_start3A_226 : memref<16x32xf32, #tpu.memory_space<vmem>>) target_semaphore(%run_scoped3A_216 : memref<!tpu.dma_semaphore, #tpu.memory_space<semaphore_mem>>)
        %dma_wait3A = arith.constant 0 : i32
        %dma_wait3A_230 = arith.constant 0 : i32
        %dma_wait3A_231 = tpu.memref_slice %arg4[%run_scoped3A_21, %dma_wait3A, %dma_wait3A_230] : memref<4x16x32xf32, #tpu.memory_space<vmem>> -> memref<1x16x32xf32, #tpu.memory_space<vmem>>
        %dma_wait3A_232 = tpu.memref_squeeze %dma_wait3A_231 : memref<1x16x32xf32, #tpu.memory_space<vmem>> -> memref<16x32xf32, #tpu.memory_space<vmem>>
        %dma_wait3A_233 = arith.constant 0 : i32
        %dma_wait3A_234 = tpu.memref_slice %arg2[%run_scoped3A_20, %add3A_14, %dma_wait3A_233] : memref<20x16384x32xf32, #tpu.memory_space<hbm>> -> memref<1x16x32xf32, #tpu.memory_space<hbm>>
        %dma_wait3A_235 = tpu.memref_squeeze %dma_wait3A_234 : memref<1x16x32xf32, #tpu.memory_space<hbm>> -> memref<16x32xf32, #tpu.memory_space<hbm>>
        %dma_wait3A_236 = arith.constant 0 : i32
        %dma_wait3A_237 = arith.constant 0 : i32
        %dma_wait3A_238 = tpu.memref_slice %arg4[%run_scoped3A_21, %dma_wait3A_236, %dma_wait3A_237] : memref<4x16x32xf32, #tpu.memory_space<vmem>> -> memref<1x16x32xf32, #tpu.memory_space<vmem>>
        %dma_wait3A_239 = tpu.memref_squeeze %dma_wait3A_238 : memref<1x16x32xf32, #tpu.memory_space<vmem>> -> memref<16x32xf32, #tpu.memory_space<vmem>>
        %dma_wait3A_240 = arith.constant 0 : i32
        %dma_wait3A_241 = tpu.memref_slice %arg2[%run_scoped3A_20, %add3A_14, %dma_wait3A_240] : memref<20x16384x32xf32, #tpu.memory_space<hbm>> -> memref<1x16x32xf32, #tpu.memory_space<hbm>>
        %dma_wait3A_242 = tpu.memref_squeeze %dma_wait3A_241 : memref<1x16x32xf32, #tpu.memory_space<hbm>> -> memref<16x32xf32, #tpu.memory_space<hbm>>
        tpu.wait_dma2 semaphore(%run_scoped3A_216 : memref<!tpu.dma_semaphore, #tpu.memory_space<semaphore_mem>>) src(%dma_wait3A_242 : memref<16x32xf32, #tpu.memory_space<hbm>>) dst(%dma_wait3A_239 : memref<16x32xf32, #tpu.memory_space<vmem>>)
        tpu.yield
      }) : () -> ()
      %get3A = arith.constant 0 : i32
      %get3A_22 = arith.index_cast %get3A : i32 to index
      %get3A_23 = arith.constant 0 : index
      %get3A_24 = arith.constant 0 : index
      %get3A_25 = tpu.vector_load %arg4[%get3A_22, %get3A_23, %get3A_24] {strides = array<i32>} : memref<4x16x32xf32, #tpu.memory_space<vmem>>, vector<1x16x32xf32>,
      %get3A_26 = vector.shape_cast %get3A_25 : vector<1x16x32xf32> to vector<16x32xf32>
      %get3A_27 = arith.constant 1 : i32
      %get3A_28 = arith.index_cast %get3A_27 : i32 to index
      %get3A_29 = arith.constant 0 : index
      %get3A_30 = arith.constant 0 : index
      %get3A_31 = tpu.vector_load %arg4[%get3A_28, %get3A_29, %get3A_30] {strides = array<i32>} : memref<4x16x32xf32, #tpu.memory_space<vmem>>, vector<1x16x32xf32>,
      %get3A_32 = vector.shape_cast %get3A_31 : vector<1x16x32xf32> to vector<16x32xf32>
      %max3A = arith.maximumf %get3A_26, %get3A_32 : vector<16x32xf32>
      %get3A_33 = arith.constant 2 : i32
      %get3A_34 = arith.index_cast %get3A_33 : i32 to index
      %get3A_35 = arith.constant 0 : index
      %get3A_36 = arith.constant 0 : index
      %get3A_37 = tpu.vector_load %arg4[%get3A_34, %get3A_35, %get3A_36] {strides = array<i32>} : memref<4x16x32xf32, #tpu.memory_space<vmem>>, vector<1x16x32xf32>,
      %get3A_38 = vector.shape_cast %get3A_37 : vector<1x16x32xf32> to vector<16x32xf32>
      %get3A_39 = arith.constant 3 : i32
      %get3A_40 = arith.index_cast %get3A_39 : i32 to index
      %get3A_41 = arith.constant 0 : index
      %get3A_42 = arith.constant 0 : index
      %get3A_43 = tpu.vector_load %arg4[%get3A_40, %get3A_41, %get3A_42] {strides = array<i32>} : memref<4x16x32xf32, #tpu.memory_space<vmem>>, vector<1x16x32xf32>,
      %get3A_44 = vector.shape_cast %get3A_43 : vector<1x16x32xf32> to vector<16x32xf32>
      %max3A_45 = arith.maximumf %get3A_38, %get3A_44 : vector<16x32xf32>
      %max3A_46 = arith.maximumf %max3A, %max3A_45 : vector<16x32xf32>
      %swap3A = arith.constant 0 : index
      %swap3A_47 = arith.constant 0 : index
      %swap3A_48 = tpu.vector_load %arg5[%swap3A, %swap3A_47] {strides = array<i32>} : memref<16x32xf32, #tpu.memory_space<vmem>>, vector<16x32xf32>,
      %swap3A_49 = vector.shape_cast %swap3A_48 : vector<16x32xf32> to vector<16x32xf32>
      %swap3A_50 = vector.shape_cast %max3A_46 : vector<16x32xf32> to vector<16x32xf32>
      tpu.vector_store %arg5[%swap3A, %swap3A_47], %swap3A_50 {strides = array<i32>} : memref<16x32xf32, #tpu.memory_space<vmem>>, vector<16x32xf32>,
      %run_scoped3A_51 = arith.constant 0 : i32
      "tpu.region"() ({
        %run_scoped3A_216 = tpu.sem_alloc : memref<!tpu.dma_semaphore, #tpu.memory_space<semaphore_mem>>
        %dma_start3A = arith.constant 0 : i32
        %dma_start3A_217 = tpu.memref_slice %arg3[%run_scoped3A_51, %add3A_14, %dma_start3A] : memref<5x16384x32xf32, #tpu.memory_space<hbm>> -> memref<1x16x32xf32, #tpu.memory_space<hbm>>
        %dma_start3A_218 = tpu.memref_squeeze %dma_start3A_217 : memref<1x16x32xf32, #tpu.memory_space<hbm>> -> memref<16x32xf32, #tpu.memory_space<hbm>>
        %dma_start3A_219 = arith.constant 0 : i32
        %dma_start3A_220 = tpu.memref_slice %arg3[%run_scoped3A_51, %add3A_14, %dma_start3A_219] : memref<5x16384x32xf32, #tpu.memory_space<hbm>> -> memref<1x16x32xf32, #tpu.memory_space<hbm>>
        %dma_start3A_221 = tpu.memref_squeeze %dma_start3A_220 : memref<1x16x32xf32, #tpu.memory_space<hbm>> -> memref<16x32xf32, #tpu.memory_space<hbm>>
        tpu.enqueue_dma source(%arg5 : memref<16x32xf32, #tpu.memory_space<vmem>>) target(%dma_start3A_221 : memref<16x32xf32, #tpu.memory_space<hbm>>) target_semaphore(%run_scoped3A_216 : memref<!tpu.dma_semaphore, #tpu.memory_space<semaphore_mem>>)
        %dma_wait3A = arith.constant 0 : i32
        %dma_wait3A_222 = tpu.memref_slice %arg3[%run_scoped3A_51, %add3A_14, %dma_wait3A] : memref<5x16384x32xf32, #tpu.memory_space<hbm>> -> memref<1x16x32xf32, #tpu.memory_space<hbm>>
        %dma_wait3A_223 = tpu.memref_squeeze %dma_wait3A_222 : memref<1x16x32xf32, #tpu.memory_space<hbm>> -> memref<16x32xf32, #tpu.memory_space<hbm>>
        %dma_wait3A_224 = arith.constant 0 : i32
        %dma_wait3A_225 = tpu.memref_slice %arg3[%run_scoped3A_51, %add3A_14, %dma_wait3A_224] : memref<5x16384x32xf32, #tpu.memory_space<hbm>> -> memref<1x16x32xf32, #tpu.memory_space<hbm>>
        %dma_wait3A_226 = tpu.memref_squeeze %dma_wait3A_225 : memref<1x16x32xf32, #tpu.memory_space<hbm>> -> memref<16x32xf32, #tpu.memory_space<hbm>>
        tpu.wait_dma2 semaphore(%run_scoped3A_216 : memref<!tpu.dma_semaphore, #tpu.memory_space<semaphore_mem>>) src(%arg5 : memref<16x32xf32, #tpu.memory_space<vmem>>) dst(%dma_wait3A_226 : memref<16x32xf32, #tpu.memory_space<hbm>>)
        tpu.yield
      }) : () -> ()
      %run_scoped3A_52 = arith.constant 4 : i32
      %run_scoped3A_53 = arith.constant 0 : i32
      "tpu.region"() ({
        %run_scoped3A_216 = tpu.sem_alloc : memref<!tpu.dma_semaphore, #tpu.memory_space<semaphore_mem>>
        %dma_start3A = arith.constant 0 : i32
        %dma_start3A_217 = arith.constant 0 : i32
        %dma_start3A_218 = tpu.memref_slice %arg4[%run_scoped3A_53, %dma_start3A, %dma_start3A_217] : memref<4x16x32xf32, #tpu.memory_space<vmem>> -> memref<1x16x32xf32, #tpu.memory_space<vmem>>
        %dma_start3A_219 = tpu.memref_squeeze %dma_start3A_218 : memref<1x16x32xf32, #tpu.memory_space<vmem>> -> memref<16x32xf32, #tpu.memory_space<vmem>>
        %dma_start3A_220 = arith.constant 0 : i32
        %dma_start3A_221 = tpu.memref_slice %arg2[%run_scoped3A_52, %add3A_14, %dma_start3A_220] : memref<20x16384x32xf32, #tpu.memory_space<hbm>> -> memref<1x16x32xf32, #tpu.memory_space<hbm>>
        %dma_start3A_222 = tpu.memref_squeeze %dma_start3A_221 : memref<1x16x32xf32, #tpu.memory_space<hbm>> -> memref<16x32xf32, #tpu.memory_space<hbm>>
        %dma_start3A_223 = arith.constant 0 : i32
        %dma_start3A_224 = arith.constant 0 : i32
        %dma_start3A_225 = tpu.memref_slice %arg4[%run_scoped3A_53, %dma_start3A_223, %dma_start3A_224] : memref<4x16x32xf32, #tpu.memory_space<vmem>> -> memref<1x16x32xf32, #tpu.memory_space<vmem>>
        %dma_start3A_226 = tpu.memref_squeeze %dma_start3A_225 : memref<1x16x32xf32, #tpu.memory_space<vmem>> -> memref<16x32xf32, #tpu.memory_space<vmem>>
        %dma_start3A_227 = arith.constant 0 : i32
        %dma_start3A_228 = tpu.memref_slice %arg2[%run_scoped3A_52, %add3A_14, %dma_start3A_227] : memref<20x16384x32xf32, #tpu.memory_space<hbm>> -> memref<1x16x32xf32, #tpu.memory_space<hbm>>
        %dma_start3A_229 = tpu.memref_squeeze %dma_start3A_228 : memref<1x16x32xf32, #tpu.memory_space<hbm>> -> memref<16x32xf32, #tpu.memory_space<hbm>>
        tpu.enqueue_dma source(%dma_start3A_229 : memref<16x32xf32, #tpu.memory_space<hbm>>) target(%dma_start3A_226 : memref<16x32xf32, #tpu.memory_space<vmem>>) target_semaphore(%run_scoped3A_216 : memref<!tpu.dma_semaphore, #tpu.memory_space<semaphore_mem>>)
        %dma_wait3A = arith.constant 0 : i32
        %dma_wait3A_230 = arith.constant 0 : i32
        %dma_wait3A_231 = tpu.memref_slice %arg4[%run_scoped3A_53, %dma_wait3A, %dma_wait3A_230] : memref<4x16x32xf32, #tpu.memory_space<vmem>> -> memref<1x16x32xf32, #tpu.memory_space<vmem>>
        %dma_wait3A_232 = tpu.memref_squeeze %dma_wait3A_231 : memref<1x16x32xf32, #tpu.memory_space<vmem>> -> memref<16x32xf32, #tpu.memory_space<vmem>>
        %dma_wait3A_233 = arith.constant 0 : i32
        %dma_wait3A_234 = tpu.memref_slice %arg2[%run_scoped3A_52, %add3A_14, %dma_wait3A_233] : memref<20x16384x32xf32, #tpu.memory_space<hbm>> -> memref<1x16x32xf32, #tpu.memory_space<hbm>>
        %dma_wait3A_235 = tpu.memref_squeeze %dma_wait3A_234 : memref<1x16x32xf32, #tpu.memory_space<hbm>> -> memref<16x32xf32, #tpu.memory_space<hbm>>
        %dma_wait3A_236 = arith.constant 0 : i32
        %dma_wait3A_237 = arith.constant 0 : i32
        %dma_wait3A_238 = tpu.memref_slice %arg4[%run_scoped3A_53, %dma_wait3A_236, %dma_wait3A_237] : memref<4x16x32xf32, #tpu.memory_space<vmem>> -> memref<1x16x32xf32, #tpu.memory_space<vmem>>
        %dma_wait3A_239 = tpu.memref_squeeze %dma_wait3A_238 : memref<1x16x32xf32, #tpu.memory_space<vmem>> -> memref<16x32xf32, #tpu.memory_space<vmem>>
        %dma_wait3A_240 = arith.constant 0 : i32
        %dma_wait3A_241 = tpu.memref_slice %arg2[%run_scoped3A_52, %add3A_14, %dma_wait3A_240] : memref<20x16384x32xf32, #tpu.memory_space<hbm>> -> memref<1x16x32xf32, #tpu.memory_space<hbm>>
        %dma_wait3A_242 = tpu.memref_squeeze %dma_wait3A_241 : memref<1x16x32xf32, #tpu.memory_space<hbm>> -> memref<16x32xf32, #tpu.memory_space<hbm>>
        tpu.wait_dma2 semaphore(%run_scoped3A_216 : memref<!tpu.dma_semaphore, #tpu.memory_space<semaphore_mem>>) src(%dma_wait3A_242 : memref<16x32xf32, #tpu.memory_space<hbm>>) dst(%dma_wait3A_239 : memref<16x32xf32, #tpu.memory_space<vmem>>)
        tpu.yield
      }) : () -> ()
      %run_scoped3A_54 = arith.constant 5 : i32
      %run_scoped3A_55 = arith.constant 1 : i32
      "tpu.region"() ({
        %run_scoped3A_216 = tpu.sem_alloc : memref<!tpu.dma_semaphore, #tpu.memory_space<semaphore_mem>>
        %dma_start3A = arith.constant 0 : i32
        %dma_start3A_217 = arith.constant 0 : i32
        %dma_start3A_218 = tpu.memref_slice %arg4[%run_scoped3A_55, %dma_start3A, %dma_start3A_217] : memref<4x16x32xf32, #tpu.memory_space<vmem>> -> memref<1x16x32xf32, #tpu.memory_space<vmem>>
        %dma_start3A_219 = tpu.memref_squeeze %dma_start3A_218 : memref<1x16x32xf32, #tpu.memory_space<vmem>> -> memref<16x32xf32, #tpu.memory_space<vmem>>
        %dma_start3A_220 = arith.constant 0 : i32
        %dma_start3A_221 = tpu.memref_slice %arg2[%run_scoped3A_54, %add3A_14, %dma_start3A_220] : memref<20x16384x32xf32, #tpu.memory_space<hbm>> -> memref<1x16x32xf32, #tpu.memory_space<hbm>>
        %dma_start3A_222 = tpu.memref_squeeze %dma_start3A_221 : memref<1x16x32xf32, #tpu.memory_space<hbm>> -> memref<16x32xf32, #tpu.memory_space<hbm>>
        %dma_start3A_223 = arith.constant 0 : i32
        %dma_start3A_224 = arith.constant 0 : i32
        %dma_start3A_225 = tpu.memref_slice %arg4[%run_scoped3A_55, %dma_start3A_223, %dma_start3A_224] : memref<4x16x32xf32, #tpu.memory_space<vmem>> -> memref<1x16x32xf32, #tpu.memory_space<vmem>>
        %dma_start3A_226 = tpu.memref_squeeze %dma_start3A_225 : memref<1x16x32xf32, #tpu.memory_space<vmem>> -> memref<16x32xf32, #tpu.memory_space<vmem>>
        %dma_start3A_227 = arith.constant 0 : i32
        %dma_start3A_228 = tpu.memref_slice %arg2[%run_scoped3A_54, %add3A_14, %dma_start3A_227] : memref<20x16384x32xf32, #tpu.memory_space<hbm>> -> memref<1x16x32xf32, #tpu.memory_space<hbm>>
        %dma_start3A_229 = tpu.memref_squeeze %dma_start3A_228 : memref<1x16x32xf32, #tpu.memory_space<hbm>> -> memref<16x32xf32, #tpu.memory_space<hbm>>
        tpu.enqueue_dma source(%dma_start3A_229 : memref<16x32xf32, #tpu.memory_space<hbm>>) target(%dma_start3A_226 : memref<16x32xf32, #tpu.memory_space<vmem>>) target_semaphore(%run_scoped3A_216 : memref<!tpu.dma_semaphore, #tpu.memory_space<semaphore_mem>>)
        %dma_wait3A = arith.constant 0 : i32
        %dma_wait3A_230 = arith.constant 0 : i32
        %dma_wait3A_231 = tpu.memref_slice %arg4[%run_scoped3A_55, %dma_wait3A, %dma_wait3A_230] : memref<4x16x32xf32, #tpu.memory_space<vmem>> -> memref<1x16x32xf32, #tpu.memory_space<vmem>>
        %dma_wait3A_232 = tpu.memref_squeeze %dma_wait3A_231 : memref<1x16x32xf32, #tpu.memory_space<vmem>> -> memref<16x32xf32, #tpu.memory_space<vmem>>
        %dma_wait3A_233 = arith.constant 0 : i32
        %dma_wait3A_234 = tpu.memref_slice %arg2[%run_scoped3A_54, %add3A_14, %dma_wait3A_233] : memref<20x16384x32xf32, #tpu.memory_space<hbm>> -> memref<1x16x32xf32, #tpu.memory_space<hbm>>
        %dma_wait3A_235 = tpu.memref_squeeze %dma_wait3A_234 : memref<1x16x32xf32, #tpu.memory_space<hbm>> -> memref<16x32xf32, #tpu.memory_space<hbm>>
        %dma_wait3A_236 = arith.constant 0 : i32
        %dma_wait3A_237 = arith.constant 0 : i32
        %dma_wait3A_238 = tpu.memref_slice %arg4[%run_scoped3A_55, %dma_wait3A_236, %dma_wait3A_237] : memref<4x16x32xf32, #tpu.memory_space<vmem>> -> memref<1x16x32xf32, #tpu.memory_space<vmem>>
        %dma_wait3A_239 = tpu.memref_squeeze %dma_wait3A_238 : memref<1x16x32xf32, #tpu.memory_space<vmem>> -> memref<16x32xf32, #tpu.memory_space<vmem>>
        %dma_wait3A_240 = arith.constant 0 : i32
        %dma_wait3A_241 = tpu.memref_slice %arg2[%run_scoped3A_54, %add3A_14, %dma_wait3A_240] : memref<20x16384x32xf32, #tpu.memory_space<hbm>> -> memref<1x16x32xf32, #tpu.memory_space<hbm>>
        %dma_wait3A_242 = tpu.memref_squeeze %dma_wait3A_241 : memref<1x16x32xf32, #tpu.memory_space<hbm>> -> memref<16x32xf32, #tpu.memory_space<hbm>>
        tpu.wait_dma2 semaphore(%run_scoped3A_216 : memref<!tpu.dma_semaphore, #tpu.memory_space<semaphore_mem>>) src(%dma_wait3A_242 : memref<16x32xf32, #tpu.memory_space<hbm>>) dst(%dma_wait3A_239 : memref<16x32xf32, #tpu.memory_space<vmem>>)
        tpu.yield
      }) : () -> ()
      %run_scoped3A_56 = arith.constant 6 : i32
      %run_scoped3A_57 = arith.constant 2 : i32
      "tpu.region"() ({
        %run_scoped3A_216 = tpu.sem_alloc : memref<!tpu.dma_semaphore, #tpu.memory_space<semaphore_mem>>
        %dma_start3A = arith.constant 0 : i32
        %dma_start3A_217 = arith.constant 0 : i32
        %dma_start3A_218 = tpu.memref_slice %arg4[%run_scoped3A_57, %dma_start3A, %dma_start3A_217] : memref<4x16x32xf32, #tpu.memory_space<vmem>> -> memref<1x16x32xf32, #tpu.memory_space<vmem>>
        %dma_start3A_219 = tpu.memref_squeeze %dma_start3A_218 : memref<1x16x32xf32, #tpu.memory_space<vmem>> -> memref<16x32xf32, #tpu.memory_space<vmem>>
        %dma_start3A_220 = arith.constant 0 : i32
        %dma_start3A_221 = tpu.memref_slice %arg2[%run_scoped3A_56, %add3A_14, %dma_start3A_220] : memref<20x16384x32xf32, #tpu.memory_space<hbm>> -> memref<1x16x32xf32, #tpu.memory_space<hbm>>
        %dma_start3A_222 = tpu.memref_squeeze %dma_start3A_221 : memref<1x16x32xf32, #tpu.memory_space<hbm>> -> memref<16x32xf32, #tpu.memory_space<hbm>>
        %dma_start3A_223 = arith.constant 0 : i32
        %dma_start3A_224 = arith.constant 0 : i32
        %dma_start3A_225 = tpu.memref_slice %arg4[%run_scoped3A_57, %dma_start3A_223, %dma_start3A_224] : memref<4x16x32xf32, #tpu.memory_space<vmem>> -> memref<1x16x32xf32, #tpu.memory_space<vmem>>
        %dma_start3A_226 = tpu.memref_squeeze %dma_start3A_225 : memref<1x16x32xf32, #tpu.memory_space<vmem>> -> memref<16x32xf32, #tpu.memory_space<vmem>>
        %dma_start3A_227 = arith.constant 0 : i32
        %dma_start3A_228 = tpu.memref_slice %arg2[%run_scoped3A_56, %add3A_14, %dma_start3A_227] : memref<20x16384x32xf32, #tpu.memory_space<hbm>> -> memref<1x16x32xf32, #tpu.memory_space<hbm>>
        %dma_start3A_229 = tpu.memref_squeeze %dma_start3A_228 : memref<1x16x32xf32, #tpu.memory_space<hbm>> -> memref<16x32xf32, #tpu.memory_space<hbm>>
        tpu.enqueue_dma source(%dma_start3A_229 : memref<16x32xf32, #tpu.memory_space<hbm>>) target(%dma_start3A_226 : memref<16x32xf32, #tpu.memory_space<vmem>>) target_semaphore(%run_scoped3A_216 : memref<!tpu.dma_semaphore, #tpu.memory_space<semaphore_mem>>)
        %dma_wait3A = arith.constant 0 : i32
        %dma_wait3A_230 = arith.constant 0 : i32
        %dma_wait3A_231 = tpu.memref_slice %arg4[%run_scoped3A_57, %dma_wait3A, %dma_wait3A_230] : memref<4x16x32xf32, #tpu.memory_space<vmem>> -> memref<1x16x32xf32, #tpu.memory_space<vmem>>
        %dma_wait3A_232 = tpu.memref_squeeze %dma_wait3A_231 : memref<1x16x32xf32, #tpu.memory_space<vmem>> -> memref<16x32xf32, #tpu.memory_space<vmem>>
        %dma_wait3A_233 = arith.constant 0 : i32
        %dma_wait3A_234 = tpu.memref_slice %arg2[%run_scoped3A_56, %add3A_14, %dma_wait3A_233] : memref<20x16384x32xf32, #tpu.memory_space<hbm>> -> memref<1x16x32xf32, #tpu.memory_space<hbm>>
        %dma_wait3A_235 = tpu.memref_squeeze %dma_wait3A_234 : memref<1x16x32xf32, #tpu.memory_space<hbm>> -> memref<16x32xf32, #tpu.memory_space<hbm>>
        %dma_wait3A_236 = arith.constant 0 : i32
        %dma_wait3A_237 = arith.constant 0 : i32
        %dma_wait3A_238 = tpu.memref_slice %arg4[%run_scoped3A_57, %dma_wait3A_236, %dma_wait3A_237] : memref<4x16x32xf32, #tpu.memory_space<vmem>> -> memref<1x16x32xf32, #tpu.memory_space<vmem>>
        %dma_wait3A_239 = tpu.memref_squeeze %dma_wait3A_238 : memref<1x16x32xf32, #tpu.memory_space<vmem>> -> memref<16x32xf32, #tpu.memory_space<vmem>>
        %dma_wait3A_240 = arith.constant 0 : i32
        %dma_wait3A_241 = tpu.memref_slice %arg2[%run_scoped3A_56, %add3A_14, %dma_wait3A_240] : memref<20x16384x32xf32, #tpu.memory_space<hbm>> -> memref<1x16x32xf32, #tpu.memory_space<hbm>>
        %dma_wait3A_242 = tpu.memref_squeeze %dma_wait3A_241 : memref<1x16x32xf32, #tpu.memory_space<hbm>> -> memref<16x32xf32, #tpu.memory_space<hbm>>
        tpu.wait_dma2 semaphore(%run_scoped3A_216 : memref<!tpu.dma_semaphore, #tpu.memory_space<semaphore_mem>>) src(%dma_wait3A_242 : memref<16x32xf32, #tpu.memory_space<hbm>>) dst(%dma_wait3A_239 : memref<16x32xf32, #tpu.memory_space<vmem>>)
        tpu.yield
      }) : () -> ()
      %run_scoped3A_58 = arith.constant 7 : i32
      %run_scoped3A_59 = arith.constant 3 : i32
      "tpu.region"() ({
        %run_scoped3A_216 = tpu.sem_alloc : memref<!tpu.dma_semaphore, #tpu.memory_space<semaphore_mem>>
        %dma_start3A = arith.constant 0 : i32
        %dma_start3A_217 = arith.constant 0 : i32
        %dma_start3A_218 = tpu.memref_slice %arg4[%run_scoped3A_59, %dma_start3A, %dma_start3A_217] : memref<4x16x32xf32, #tpu.memory_space<vmem>> -> memref<1x16x32xf32, #tpu.memory_space<vmem>>
        %dma_start3A_219 = tpu.memref_squeeze %dma_start3A_218 : memref<1x16x32xf32, #tpu.memory_space<vmem>> -> memref<16x32xf32, #tpu.memory_space<vmem>>
        %dma_start3A_220 = arith.constant 0 : i32
        %dma_start3A_221 = tpu.memref_slice %arg2[%run_scoped3A_58, %add3A_14, %dma_start3A_220] : memref<20x16384x32xf32, #tpu.memory_space<hbm>> -> memref<1x16x32xf32, #tpu.memory_space<hbm>>
        %dma_start3A_222 = tpu.memref_squeeze %dma_start3A_221 : memref<1x16x32xf32, #tpu.memory_space<hbm>> -> memref<16x32xf32, #tpu.memory_space<hbm>>
        %dma_start3A_223 = arith.constant 0 : i32
        %dma_start3A_224 = arith.constant 0 : i32
        %dma_start3A_225 = tpu.memref_slice %arg4[%run_scoped3A_59, %dma_start3A_223, %dma_start3A_224] : memref<4x16x32xf32, #tpu.memory_space<vmem>> -> memref<1x16x32xf32, #tpu.memory_space<vmem>>
        %dma_start3A_226 = tpu.memref_squeeze %dma_start3A_225 : memref<1x16x32xf32, #tpu.memory_space<vmem>> -> memref<16x32xf32, #tpu.memory_space<vmem>>
        %dma_start3A_227 = arith.constant 0 : i32
        %dma_start3A_228 = tpu.memref_slice %arg2[%run_scoped3A_58, %add3A_14, %dma_start3A_227] : memref<20x16384x32xf32, #tpu.memory_space<hbm>> -> memref<1x16x32xf32, #tpu.memory_space<hbm>>
        %dma_start3A_229 = tpu.memref_squeeze %dma_start3A_228 : memref<1x16x32xf32, #tpu.memory_space<hbm>> -> memref<16x32xf32, #tpu.memory_space<hbm>>
        tpu.enqueue_dma source(%dma_start3A_229 : memref<16x32xf32, #tpu.memory_space<hbm>>) target(%dma_start3A_226 : memref<16x32xf32, #tpu.memory_space<vmem>>) target_semaphore(%run_scoped3A_216 : memref<!tpu.dma_semaphore, #tpu.memory_space<semaphore_mem>>)
        %dma_wait3A = arith.constant 0 : i32
        %dma_wait3A_230 = arith.constant 0 : i32
        %dma_wait3A_231 = tpu.memref_slice %arg4[%run_scoped3A_59, %dma_wait3A, %dma_wait3A_230] : memref<4x16x32xf32, #tpu.memory_space<vmem>> -> memref<1x16x32xf32, #tpu.memory_space<vmem>>
        %dma_wait3A_232 = tpu.memref_squeeze %dma_wait3A_231 : memref<1x16x32xf32, #tpu.memory_space<vmem>> -> memref<16x32xf32, #tpu.memory_space<vmem>>
        %dma_wait3A_233 = arith.constant 0 : i32
        %dma_wait3A_234 = tpu.memref_slice %arg2[%run_scoped3A_58, %add3A_14, %dma_wait3A_233] : memref<20x16384x32xf32, #tpu.memory_space<hbm>> -> memref<1x16x32xf32, #tpu.memory_space<hbm>>
        %dma_wait3A_235 = tpu.memref_squeeze %dma_wait3A_234 : memref<1x16x32xf32, #tpu.memory_space<hbm>> -> memref<16x32xf32, #tpu.memory_space<hbm>>
        %dma_wait3A_236 = arith.constant 0 : i32
        %dma_wait3A_237 = arith.constant 0 : i32
        %dma_wait3A_238 = tpu.memref_slice %arg4[%run_scoped3A_59, %dma_wait3A_236, %dma_wait3A_237] : memref<4x16x32xf32, #tpu.memory_space<vmem>> -> memref<1x16x32xf32, #tpu.memory_space<vmem>>
        %dma_wait3A_239 = tpu.memref_squeeze %dma_wait3A_238 : memref<1x16x32xf32, #tpu.memory_space<vmem>> -> memref<16x32xf32, #tpu.memory_space<vmem>>
        %dma_wait3A_240 = arith.constant 0 : i32
        %dma_wait3A_241 = tpu.memref_slice %arg2[%run_scoped3A_58, %add3A_14, %dma_wait3A_240] : memref<20x16384x32xf32, #tpu.memory_space<hbm>> -> memref<1x16x32xf32, #tpu.memory_space<hbm>>
        %dma_wait3A_242 = tpu.memref_squeeze %dma_wait3A_241 : memref<1x16x32xf32, #tpu.memory_space<hbm>> -> memref<16x32xf32, #tpu.memory_space<hbm>>
        tpu.wait_dma2 semaphore(%run_scoped3A_216 : memref<!tpu.dma_semaphore, #tpu.memory_space<semaphore_mem>>) src(%dma_wait3A_242 : memref<16x32xf32, #tpu.memory_space<hbm>>) dst(%dma_wait3A_239 : memref<16x32xf32, #tpu.memory_space<vmem>>)
        tpu.yield
      }) : () -> ()
      %get3A_60 = arith.constant 0 : i32
      %get3A_61 = arith.index_cast %get3A_60 : i32 to index
      %get3A_62 = arith.constant 0 : index
      %get3A_63 = arith.constant 0 : index
      %get3A_64 = tpu.vector_load %arg4[%get3A_61, %get3A_62, %get3A_63] {strides = array<i32>} : memref<4x16x32xf32, #tpu.memory_space<vmem>>, vector<1x16x32xf32>,
      %get3A_65 = vector.shape_cast %get3A_64 : vector<1x16x32xf32> to vector<16x32xf32>
      %get3A_66 = arith.constant 1 : i32
      %get3A_67 = arith.index_cast %get3A_66 : i32 to index
      %get3A_68 = arith.constant 0 : index
      %get3A_69 = arith.constant 0 : index
      %get3A_70 = tpu.vector_load %arg4[%get3A_67, %get3A_68, %get3A_69] {strides = array<i32>} : memref<4x16x32xf32, #tpu.memory_space<vmem>>, vector<1x16x32xf32>,
      %get3A_71 = vector.shape_cast %get3A_70 : vector<1x16x32xf32> to vector<16x32xf32>
      %max3A_72 = arith.maximumf %get3A_65, %get3A_71 : vector<16x32xf32>
      %get3A_73 = arith.constant 2 : i32
      %get3A_74 = arith.index_cast %get3A_73 : i32 to index
      %get3A_75 = arith.constant 0 : index
      %get3A_76 = arith.constant 0 : index
      %get3A_77 = tpu.vector_load %arg4[%get3A_74, %get3A_75, %get3A_76] {strides = array<i32>} : memref<4x16x32xf32, #tpu.memory_space<vmem>>, vector<1x16x32xf32>,
      %get3A_78 = vector.shape_cast %get3A_77 : vector<1x16x32xf32> to vector<16x32xf32>
      %get3A_79 = arith.constant 3 : i32
      %get3A_80 = arith.index_cast %get3A_79 : i32 to index
      %get3A_81 = arith.constant 0 : index
      %get3A_82 = arith.constant 0 : index
      %get3A_83 = tpu.vector_load %arg4[%get3A_80, %get3A_81, %get3A_82] {strides = array<i32>} : memref<4x16x32xf32, #tpu.memory_space<vmem>>, vector<1x16x32xf32>,
      %get3A_84 = vector.shape_cast %get3A_83 : vector<1x16x32xf32> to vector<16x32xf32>
      %max3A_85 = arith.maximumf %get3A_78, %get3A_84 : vector<16x32xf32>
      %max3A_86 = arith.maximumf %max3A_72, %max3A_85 : vector<16x32xf32>
      %swap3A_87 = arith.constant 0 : index
      %swap3A_88 = arith.constant 0 : index
      %swap3A_89 = tpu.vector_load %arg5[%swap3A_87, %swap3A_88] {strides = array<i32>} : memref<16x32xf32, #tpu.memory_space<vmem>>, vector<16x32xf32>,
      %swap3A_90 = vector.shape_cast %swap3A_89 : vector<16x32xf32> to vector<16x32xf32>
      %swap3A_91 = vector.shape_cast %max3A_86 : vector<16x32xf32> to vector<16x32xf32>
      tpu.vector_store %arg5[%swap3A_87, %swap3A_88], %swap3A_91 {strides = array<i32>} : memref<16x32xf32, #tpu.memory_space<vmem>>, vector<16x32xf32>,
      %run_scoped3A_92 = arith.constant 1 : i32
      "tpu.region"() ({
        %run_scoped3A_216 = tpu.sem_alloc : memref<!tpu.dma_semaphore, #tpu.memory_space<semaphore_mem>>
        %dma_start3A = arith.constant 0 : i32
        %dma_start3A_217 = tpu.memref_slice %arg3[%run_scoped3A_92, %add3A_14, %dma_start3A] : memref<5x16384x32xf32, #tpu.memory_space<hbm>> -> memref<1x16x32xf32, #tpu.memory_space<hbm>>
        %dma_start3A_218 = tpu.memref_squeeze %dma_start3A_217 : memref<1x16x32xf32, #tpu.memory_space<hbm>> -> memref<16x32xf32, #tpu.memory_space<hbm>>
        %dma_start3A_219 = arith.constant 0 : i32
        %dma_start3A_220 = tpu.memref_slice %arg3[%run_scoped3A_92, %add3A_14, %dma_start3A_219] : memref<5x16384x32xf32, #tpu.memory_space<hbm>> -> memref<1x16x32xf32, #tpu.memory_space<hbm>>
        %dma_start3A_221 = tpu.memref_squeeze %dma_start3A_220 : memref<1x16x32xf32, #tpu.memory_space<hbm>> -> memref<16x32xf32, #tpu.memory_space<hbm>>
        tpu.enqueue_dma source(%arg5 : memref<16x32xf32, #tpu.memory_space<vmem>>) target(%dma_start3A_221 : memref<16x32xf32, #tpu.memory_space<hbm>>) target_semaphore(%run_scoped3A_216 : memref<!tpu.dma_semaphore, #tpu.memory_space<semaphore_mem>>)
        %dma_wait3A = arith.constant 0 : i32
        %dma_wait3A_222 = tpu.memref_slice %arg3[%run_scoped3A_92, %add3A_14, %dma_wait3A] : memref<5x16384x32xf32, #tpu.memory_space<hbm>> -> memref<1x16x32xf32, #tpu.memory_space<hbm>>
        %dma_wait3A_223 = tpu.memref_squeeze %dma_wait3A_222 : memref<1x16x32xf32, #tpu.memory_space<hbm>> -> memref<16x32xf32, #tpu.memory_space<hbm>>
        %dma_wait3A_224 = arith.constant 0 : i32
        %dma_wait3A_225 = tpu.memref_slice %arg3[%run_scoped3A_92, %add3A_14, %dma_wait3A_224] : memref<5x16384x32xf32, #tpu.memory_space<hbm>> -> memref<1x16x32xf32, #tpu.memory_space<hbm>>
        %dma_wait3A_226 = tpu.memref_squeeze %dma_wait3A_225 : memref<1x16x32xf32, #tpu.memory_space<hbm>> -> memref<16x32xf32, #tpu.memory_space<hbm>>
        tpu.wait_dma2 semaphore(%run_scoped3A_216 : memref<!tpu.dma_semaphore, #tpu.memory_space<semaphore_mem>>) src(%arg5 : memref<16x32xf32, #tpu.memory_space<vmem>>) dst(%dma_wait3A_226 : memref<16x32xf32, #tpu.memory_space<hbm>>)
        tpu.yield
      }) : () -> ()
      %run_scoped3A_93 = arith.constant 8 : i32
      %run_scoped3A_94 = arith.constant 0 : i32
      "tpu.region"() ({
        %run_scoped3A_216 = tpu.sem_alloc : memref<!tpu.dma_semaphore, #tpu.memory_space<semaphore_mem>>
        %dma_start3A = arith.constant 0 : i32
        %dma_start3A_217 = arith.constant 0 : i32
        %dma_start3A_218 = tpu.memref_slice %arg4[%run_scoped3A_94, %dma_start3A, %dma_start3A_217] : memref<4x16x32xf32, #tpu.memory_space<vmem>> -> memref<1x16x32xf32, #tpu.memory_space<vmem>>
        %dma_start3A_219 = tpu.memref_squeeze %dma_start3A_218 : memref<1x16x32xf32, #tpu.memory_space<vmem>> -> memref<16x32xf32, #tpu.memory_space<vmem>>
        %dma_start3A_220 = arith.constant 0 : i32
        %dma_start3A_221 = tpu.memref_slice %arg2[%run_scoped3A_93, %add3A_14, %dma_start3A_220] : memref<20x16384x32xf32, #tpu.memory_space<hbm>> -> memref<1x16x32xf32, #tpu.memory_space<hbm>>
        %dma_start3A_222 = tpu.memref_squeeze %dma_start3A_221 : memref<1x16x32xf32, #tpu.memory_space<hbm>> -> memref<16x32xf32, #tpu.memory_space<hbm>>
        %dma_start3A_223 = arith.constant 0 : i32
        %dma_start3A_224 = arith.constant 0 : i32
        %dma_start3A_225 = tpu.memref_slice %arg4[%run_scoped3A_94, %dma_start3A_223, %dma_start3A_224] : memref<4x16x32xf32, #tpu.memory_space<vmem>> -> memref<1x16x32xf32, #tpu.memory_space<vmem>>
        %dma_start3A_226 = tpu.memref_squeeze %dma_start3A_225 : memref<1x16x32xf32, #tpu.memory_space<vmem>> -> memref<16x32xf32, #tpu.memory_space<vmem>>
        %dma_start3A_227 = arith.constant 0 : i32
        %dma_start3A_228 = tpu.memref_slice %arg2[%run_scoped3A_93, %add3A_14, %dma_start3A_227] : memref<20x16384x32xf32, #tpu.memory_space<hbm>> -> memref<1x16x32xf32, #tpu.memory_space<hbm>>
        %dma_start3A_229 = tpu.memref_squeeze %dma_start3A_228 : memref<1x16x32xf32, #tpu.memory_space<hbm>> -> memref<16x32xf32, #tpu.memory_space<hbm>>
        tpu.enqueue_dma source(%dma_start3A_229 : memref<16x32xf32, #tpu.memory_space<hbm>>) target(%dma_start3A_226 : memref<16x32xf32, #tpu.memory_space<vmem>>) target_semaphore(%run_scoped3A_216 : memref<!tpu.dma_semaphore, #tpu.memory_space<semaphore_mem>>)
        %dma_wait3A = arith.constant 0 : i32
        %dma_wait3A_230 = arith.constant 0 : i32
        %dma_wait3A_231 = tpu.memref_slice %arg4[%run_scoped3A_94, %dma_wait3A, %dma_wait3A_230] : memref<4x16x32xf32, #tpu.memory_space<vmem>> -> memref<1x16x32xf32, #tpu.memory_space<vmem>>
        %dma_wait3A_232 = tpu.memref_squeeze %dma_wait3A_231 : memref<1x16x32xf32, #tpu.memory_space<vmem>> -> memref<16x32xf32, #tpu.memory_space<vmem>>
        %dma_wait3A_233 = arith.constant 0 : i32
        %dma_wait3A_234 = tpu.memref_slice %arg2[%run_scoped3A_93, %add3A_14, %dma_wait3A_233] : memref<20x16384x32xf32, #tpu.memory_space<hbm>> -> memref<1x16x32xf32, #tpu.memory_space<hbm>>
        %dma_wait3A_235 = tpu.memref_squeeze %dma_wait3A_234 : memref<1x16x32xf32, #tpu.memory_space<hbm>> -> memref<16x32xf32, #tpu.memory_space<hbm>>
        %dma_wait3A_236 = arith.constant 0 : i32
        %dma_wait3A_237 = arith.constant 0 : i32
        %dma_wait3A_238 = tpu.memref_slice %arg4[%run_scoped3A_94, %dma_wait3A_236, %dma_wait3A_237] : memref<4x16x32xf32, #tpu.memory_space<vmem>> -> memref<1x16x32xf32, #tpu.memory_space<vmem>>
        %dma_wait3A_239 = tpu.memref_squeeze %dma_wait3A_238 : memref<1x16x32xf32, #tpu.memory_space<vmem>> -> memref<16x32xf32, #tpu.memory_space<vmem>>
        %dma_wait3A_240 = arith.constant 0 : i32
        %dma_wait3A_241 = tpu.memref_slice %arg2[%run_scoped3A_93, %add3A_14, %dma_wait3A_240] : memref<20x16384x32xf32, #tpu.memory_space<hbm>> -> memref<1x16x32xf32, #tpu.memory_space<hbm>>
        %dma_wait3A_242 = tpu.memref_squeeze %dma_wait3A_241 : memref<1x16x32xf32, #tpu.memory_space<hbm>> -> memref<16x32xf32, #tpu.memory_space<hbm>>
        tpu.wait_dma2 semaphore(%run_scoped3A_216 : memref<!tpu.dma_semaphore, #tpu.memory_space<semaphore_mem>>) src(%dma_wait3A_242 : memref<16x32xf32, #tpu.memory_space<hbm>>) dst(%dma_wait3A_239 : memref<16x32xf32, #tpu.memory_space<vmem>>)
        tpu.yield
      }) : () -> ()
      %run_scoped3A_95 = arith.constant 9 : i32
      %run_scoped3A_96 = arith.constant 1 : i32
      "tpu.region"() ({
        %run_scoped3A_216 = tpu.sem_alloc : memref<!tpu.dma_semaphore, #tpu.memory_space<semaphore_mem>>
        %dma_start3A = arith.constant 0 : i32
        %dma_start3A_217 = arith.constant 0 : i32
        %dma_start3A_218 = tpu.memref_slice %arg4[%run_scoped3A_96, %dma_start3A, %dma_start3A_217] : memref<4x16x32xf32, #tpu.memory_space<vmem>> -> memref<1x16x32xf32, #tpu.memory_space<vmem>>
        %dma_start3A_219 = tpu.memref_squeeze %dma_start3A_218 : memref<1x16x32xf32, #tpu.memory_space<vmem>> -> memref<16x32xf32, #tpu.memory_space<vmem>>
        %dma_start3A_220 = arith.constant 0 : i32
        %dma_start3A_221 = tpu.memref_slice %arg2[%run_scoped3A_95, %add3A_14, %dma_start3A_220] : memref<20x16384x32xf32, #tpu.memory_space<hbm>> -> memref<1x16x32xf32, #tpu.memory_space<hbm>>
        %dma_start3A_222 = tpu.memref_squeeze %dma_start3A_221 : memref<1x16x32xf32, #tpu.memory_space<hbm>> -> memref<16x32xf32, #tpu.memory_space<hbm>>
        %dma_start3A_223 = arith.constant 0 : i32
        %dma_start3A_224 = arith.constant 0 : i32
        %dma_start3A_225 = tpu.memref_slice %arg4[%run_scoped3A_96, %dma_start3A_223, %dma_start3A_224] : memref<4x16x32xf32, #tpu.memory_space<vmem>> -> memref<1x16x32xf32, #tpu.memory_space<vmem>>
        %dma_start3A_226 = tpu.memref_squeeze %dma_start3A_225 : memref<1x16x32xf32, #tpu.memory_space<vmem>> -> memref<16x32xf32, #tpu.memory_space<vmem>>
        %dma_start3A_227 = arith.constant 0 : i32
        %dma_start3A_228 = tpu.memref_slice %arg2[%run_scoped3A_95, %add3A_14, %dma_start3A_227] : memref<20x16384x32xf32, #tpu.memory_space<hbm>> -> memref<1x16x32xf32, #tpu.memory_space<hbm>>
        %dma_start3A_229 = tpu.memref_squeeze %dma_start3A_228 : memref<1x16x32xf32, #tpu.memory_space<hbm>> -> memref<16x32xf32, #tpu.memory_space<hbm>>
        tpu.enqueue_dma source(%dma_start3A_229 : memref<16x32xf32, #tpu.memory_space<hbm>>) target(%dma_start3A_226 : memref<16x32xf32, #tpu.memory_space<vmem>>) target_semaphore(%run_scoped3A_216 : memref<!tpu.dma_semaphore, #tpu.memory_space<semaphore_mem>>)
        %dma_wait3A = arith.constant 0 : i32
        %dma_wait3A_230 = arith.constant 0 : i32
        %dma_wait3A_231 = tpu.memref_slice %arg4[%run_scoped3A_96, %dma_wait3A, %dma_wait3A_230] : memref<4x16x32xf32, #tpu.memory_space<vmem>> -> memref<1x16x32xf32, #tpu.memory_space<vmem>>
        %dma_wait3A_232 = tpu.memref_squeeze %dma_wait3A_231 : memref<1x16x32xf32, #tpu.memory_space<vmem>> -> memref<16x32xf32, #tpu.memory_space<vmem>>
        %dma_wait3A_233 = arith.constant 0 : i32
        %dma_wait3A_234 = tpu.memref_slice %arg2[%run_scoped3A_95, %add3A_14, %dma_wait3A_233] : memref<20x16384x32xf32, #tpu.memory_space<hbm>> -> memref<1x16x32xf32, #tpu.memory_space<hbm>>
        %dma_wait3A_235 = tpu.memref_squeeze %dma_wait3A_234 : memref<1x16x32xf32, #tpu.memory_space<hbm>> -> memref<16x32xf32, #tpu.memory_space<hbm>>
        %dma_wait3A_236 = arith.constant 0 : i32
        %dma_wait3A_237 = arith.constant 0 : i32
        %dma_wait3A_238 = tpu.memref_slice %arg4[%run_scoped3A_96, %dma_wait3A_236, %dma_wait3A_237] : memref<4x16x32xf32, #tpu.memory_space<vmem>> -> memref<1x16x32xf32, #tpu.memory_space<vmem>>
        %dma_wait3A_239 = tpu.memref_squeeze %dma_wait3A_238 : memref<1x16x32xf32, #tpu.memory_space<vmem>> -> memref<16x32xf32, #tpu.memory_space<vmem>>
        %dma_wait3A_240 = arith.constant 0 : i32
        %dma_wait3A_241 = tpu.memref_slice %arg2[%run_scoped3A_95, %add3A_14, %dma_wait3A_240] : memref<20x16384x32xf32, #tpu.memory_space<hbm>> -> memref<1x16x32xf32, #tpu.memory_space<hbm>>
        %dma_wait3A_242 = tpu.memref_squeeze %dma_wait3A_241 : memref<1x16x32xf32, #tpu.memory_space<hbm>> -> memref<16x32xf32, #tpu.memory_space<hbm>>
        tpu.wait_dma2 semaphore(%run_scoped3A_216 : memref<!tpu.dma_semaphore, #tpu.memory_space<semaphore_mem>>) src(%dma_wait3A_242 : memref<16x32xf32, #tpu.memory_space<hbm>>) dst(%dma_wait3A_239 : memref<16x32xf32, #tpu.memory_space<vmem>>)
        tpu.yield
      }) : () -> ()
      %run_scoped3A_97 = arith.constant 10 : i32
      %run_scoped3A_98 = arith.constant 2 : i32
      "tpu.region"() ({
        %run_scoped3A_216 = tpu.sem_alloc : memref<!tpu.dma_semaphore, #tpu.memory_space<semaphore_mem>>
        %dma_start3A = arith.constant 0 : i32
        %dma_start3A_217 = arith.constant 0 : i32
        %dma_start3A_218 = tpu.memref_slice %arg4[%run_scoped3A_98, %dma_start3A, %dma_start3A_217] : memref<4x16x32xf32, #tpu.memory_space<vmem>> -> memref<1x16x32xf32, #tpu.memory_space<vmem>>
        %dma_start3A_219 = tpu.memref_squeeze %dma_start3A_218 : memref<1x16x32xf32, #tpu.memory_space<vmem>> -> memref<16x32xf32, #tpu.memory_space<vmem>>
        %dma_start3A_220 = arith.constant 0 : i32
        %dma_start3A_221 = tpu.memref_slice %arg2[%run_scoped3A_97, %add3A_14, %dma_start3A_220] : memref<20x16384x32xf32, #tpu.memory_space<hbm>> -> memref<1x16x32xf32, #tpu.memory_space<hbm>>
        %dma_start3A_222 = tpu.memref_squeeze %dma_start3A_221 : memref<1x16x32xf32, #tpu.memory_space<hbm>> -> memref<16x32xf32, #tpu.memory_space<hbm>>
        %dma_start3A_223 = arith.constant 0 : i32
        %dma_start3A_224 = arith.constant 0 : i32
        %dma_start3A_225 = tpu.memref_slice %arg4[%run_scoped3A_98, %dma_start3A_223, %dma_start3A_224] : memref<4x16x32xf32, #tpu.memory_space<vmem>> -> memref<1x16x32xf32, #tpu.memory_space<vmem>>
        %dma_start3A_226 = tpu.memref_squeeze %dma_start3A_225 : memref<1x16x32xf32, #tpu.memory_space<vmem>> -> memref<16x32xf32, #tpu.memory_space<vmem>>
        %dma_start3A_227 = arith.constant 0 : i32
        %dma_start3A_228 = tpu.memref_slice %arg2[%run_scoped3A_97, %add3A_14, %dma_start3A_227] : memref<20x16384x32xf32, #tpu.memory_space<hbm>> -> memref<1x16x32xf32, #tpu.memory_space<hbm>>
        %dma_start3A_229 = tpu.memref_squeeze %dma_start3A_228 : memref<1x16x32xf32, #tpu.memory_space<hbm>> -> memref<16x32xf32, #tpu.memory_space<hbm>>
        tpu.enqueue_dma source(%dma_start3A_229 : memref<16x32xf32, #tpu.memory_space<hbm>>) target(%dma_start3A_226 : memref<16x32xf32, #tpu.memory_space<vmem>>) target_semaphore(%run_scoped3A_216 : memref<!tpu.dma_semaphore, #tpu.memory_space<semaphore_mem>>)
        %dma_wait3A = arith.constant 0 : i32
        %dma_wait3A_230 = arith.constant 0 : i32
        %dma_wait3A_231 = tpu.memref_slice %arg4[%run_scoped3A_98, %dma_wait3A, %dma_wait3A_230] : memref<4x16x32xf32, #tpu.memory_space<vmem>> -> memref<1x16x32xf32, #tpu.memory_space<vmem>>
        %dma_wait3A_232 = tpu.memref_squeeze %dma_wait3A_231 : memref<1x16x32xf32, #tpu.memory_space<vmem>> -> memref<16x32xf32, #tpu.memory_space<vmem>>
        %dma_wait3A_233 = arith.constant 0 : i32
        %dma_wait3A_234 = tpu.memref_slice %arg2[%run_scoped3A_97, %add3A_14, %dma_wait3A_233] : memref<20x16384x32xf32, #tpu.memory_space<hbm>> -> memref<1x16x32xf32, #tpu.memory_space<hbm>>
        %dma_wait3A_235 = tpu.memref_squeeze %dma_wait3A_234 : memref<1x16x32xf32, #tpu.memory_space<hbm>> -> memref<16x32xf32, #tpu.memory_space<hbm>>
        %dma_wait3A_236 = arith.constant 0 : i32
        %dma_wait3A_237 = arith.constant 0 : i32
        %dma_wait3A_238 = tpu.memref_slice %arg4[%run_scoped3A_98, %dma_wait3A_236, %dma_wait3A_237] : memref<4x16x32xf32, #tpu.memory_space<vmem>> -> memref<1x16x32xf32, #tpu.memory_space<vmem>>
        %dma_wait3A_239 = tpu.memref_squeeze %dma_wait3A_238 : memref<1x16x32xf32, #tpu.memory_space<vmem>> -> memref<16x32xf32, #tpu.memory_space<vmem>>
        %dma_wait3A_240 = arith.constant 0 : i32
        %dma_wait3A_241 = tpu.memref_slice %arg2[%run_scoped3A_97, %add3A_14, %dma_wait3A_240] : memref<20x16384x32xf32, #tpu.memory_space<hbm>> -> memref<1x16x32xf32, #tpu.memory_space<hbm>>
        %dma_wait3A_242 = tpu.memref_squeeze %dma_wait3A_241 : memref<1x16x32xf32, #tpu.memory_space<hbm>> -> memref<16x32xf32, #tpu.memory_space<hbm>>
        tpu.wait_dma2 semaphore(%run_scoped3A_216 : memref<!tpu.dma_semaphore, #tpu.memory_space<semaphore_mem>>) src(%dma_wait3A_242 : memref<16x32xf32, #tpu.memory_space<hbm>>) dst(%dma_wait3A_239 : memref<16x32xf32, #tpu.memory_space<vmem>>)
        tpu.yield
      }) : () -> ()
      %run_scoped3A_99 = arith.constant 11 : i32
      %run_scoped3A_100 = arith.constant 3 : i32
      "tpu.region"() ({
        %run_scoped3A_216 = tpu.sem_alloc : memref<!tpu.dma_semaphore, #tpu.memory_space<semaphore_mem>>
        %dma_start3A = arith.constant 0 : i32
        %dma_start3A_217 = arith.constant 0 : i32
        %dma_start3A_218 = tpu.memref_slice %arg4[%run_scoped3A_100, %dma_start3A, %dma_start3A_217] : memref<4x16x32xf32, #tpu.memory_space<vmem>> -> memref<1x16x32xf32, #tpu.memory_space<vmem>>
        %dma_start3A_219 = tpu.memref_squeeze %dma_start3A_218 : memref<1x16x32xf32, #tpu.memory_space<vmem>> -> memref<16x32xf32, #tpu.memory_space<vmem>>
        %dma_start3A_220 = arith.constant 0 : i32
        %dma_start3A_221 = tpu.memref_slice %arg2[%run_scoped3A_99, %add3A_14, %dma_start3A_220] : memref<20x16384x32xf32, #tpu.memory_space<hbm>> -> memref<1x16x32xf32, #tpu.memory_space<hbm>>
        %dma_start3A_222 = tpu.memref_squeeze %dma_start3A_221 : memref<1x16x32xf32, #tpu.memory_space<hbm>> -> memref<16x32xf32, #tpu.memory_space<hbm>>
        %dma_start3A_223 = arith.constant 0 : i32
        %dma_start3A_224 = arith.constant 0 : i32
        %dma_start3A_225 = tpu.memref_slice %arg4[%run_scoped3A_100, %dma_start3A_223, %dma_start3A_224] : memref<4x16x32xf32, #tpu.memory_space<vmem>> -> memref<1x16x32xf32, #tpu.memory_space<vmem>>
        %dma_start3A_226 = tpu.memref_squeeze %dma_start3A_225 : memref<1x16x32xf32, #tpu.memory_space<vmem>> -> memref<16x32xf32, #tpu.memory_space<vmem>>
        %dma_start3A_227 = arith.constant 0 : i32
        %dma_start3A_228 = tpu.memref_slice %arg2[%run_scoped3A_99, %add3A_14, %dma_start3A_227] : memref<20x16384x32xf32, #tpu.memory_space<hbm>> -> memref<1x16x32xf32, #tpu.memory_space<hbm>>
        %dma_start3A_229 = tpu.memref_squeeze %dma_start3A_228 : memref<1x16x32xf32, #tpu.memory_space<hbm>> -> memref<16x32xf32, #tpu.memory_space<hbm>>
        tpu.enqueue_dma source(%dma_start3A_229 : memref<16x32xf32, #tpu.memory_space<hbm>>) target(%dma_start3A_226 : memref<16x32xf32, #tpu.memory_space<vmem>>) target_semaphore(%run_scoped3A_216 : memref<!tpu.dma_semaphore, #tpu.memory_space<semaphore_mem>>)
        %dma_wait3A = arith.constant 0 : i32
        %dma_wait3A_230 = arith.constant 0 : i32
        %dma_wait3A_231 = tpu.memref_slice %arg4[%run_scoped3A_100, %dma_wait3A, %dma_wait3A_230] : memref<4x16x32xf32, #tpu.memory_space<vmem>> -> memref<1x16x32xf32, #tpu.memory_space<vmem>>
        %dma_wait3A_232 = tpu.memref_squeeze %dma_wait3A_231 : memref<1x16x32xf32, #tpu.memory_space<vmem>> -> memref<16x32xf32, #tpu.memory_space<vmem>>
        %dma_wait3A_233 = arith.constant 0 : i32
        %dma_wait3A_234 = tpu.memref_slice %arg2[%run_scoped3A_99, %add3A_14, %dma_wait3A_233] : memref<20x16384x32xf32, #tpu.memory_space<hbm>> -> memref<1x16x32xf32, #tpu.memory_space<hbm>>
        %dma_wait3A_235 = tpu.memref_squeeze %dma_wait3A_234 : memref<1x16x32xf32, #tpu.memory_space<hbm>> -> memref<16x32xf32, #tpu.memory_space<hbm>>
        %dma_wait3A_236 = arith.constant 0 : i32
        %dma_wait3A_237 = arith.constant 0 : i32
        %dma_wait3A_238 = tpu.memref_slice %arg4[%run_scoped3A_100, %dma_wait3A_236, %dma_wait3A_237] : memref<4x16x32xf32, #tpu.memory_space<vmem>> -> memref<1x16x32xf32, #tpu.memory_space<vmem>>
        %dma_wait3A_239 = tpu.memref_squeeze %dma_wait3A_238 : memref<1x16x32xf32, #tpu.memory_space<vmem>> -> memref<16x32xf32, #tpu.memory_space<vmem>>
        %dma_wait3A_240 = arith.constant 0 : i32
        %dma_wait3A_241 = tpu.memref_slice %arg2[%run_scoped3A_99, %add3A_14, %dma_wait3A_240] : memref<20x16384x32xf32, #tpu.memory_space<hbm>> -> memref<1x16x32xf32, #tpu.memory_space<hbm>>
        %dma_wait3A_242 = tpu.memref_squeeze %dma_wait3A_241 : memref<1x16x32xf32, #tpu.memory_space<hbm>> -> memref<16x32xf32, #tpu.memory_space<hbm>>
        tpu.wait_dma2 semaphore(%run_scoped3A_216 : memref<!tpu.dma_semaphore, #tpu.memory_space<semaphore_mem>>) src(%dma_wait3A_242 : memref<16x32xf32, #tpu.memory_space<hbm>>) dst(%dma_wait3A_239 : memref<16x32xf32, #tpu.memory_space<vmem>>)
        tpu.yield
      }) : () -> ()
      %get3A_101 = arith.constant 0 : i32
      %get3A_102 = arith.index_cast %get3A_101 : i32 to index
      %get3A_103 = arith.constant 0 : index
      %get3A_104 = arith.constant 0 : index
      %get3A_105 = tpu.vector_load %arg4[%get3A_102, %get3A_103, %get3A_104] {strides = array<i32>} : memref<4x16x32xf32, #tpu.memory_space<vmem>>, vector<1x16x32xf32>,
      %get3A_106 = vector.shape_cast %get3A_105 : vector<1x16x32xf32> to vector<16x32xf32>
      %get3A_107 = arith.constant 1 : i32
      %get3A_108 = arith.index_cast %get3A_107 : i32 to index
      %get3A_109 = arith.constant 0 : index
      %get3A_110 = arith.constant 0 : index
      %get3A_111 = tpu.vector_load %arg4[%get3A_108, %get3A_109, %get3A_110] {strides = array<i32>} : memref<4x16x32xf32, #tpu.memory_space<vmem>>, vector<1x16x32xf32>,
      %get3A_112 = vector.shape_cast %get3A_111 : vector<1x16x32xf32> to vector<16x32xf32>
      %max3A_113 = arith.maximumf %get3A_106, %get3A_112 : vector<16x32xf32>
      %get3A_114 = arith.constant 2 : i32
      %get3A_115 = arith.index_cast %get3A_114 : i32 to index
      %get3A_116 = arith.constant 0 : index
      %get3A_117 = arith.constant 0 : index
      %get3A_118 = tpu.vector_load %arg4[%get3A_115, %get3A_116, %get3A_117] {strides = array<i32>} : memref<4x16x32xf32, #tpu.memory_space<vmem>>, vector<1x16x32xf32>,
      %get3A_119 = vector.shape_cast %get3A_118 : vector<1x16x32xf32> to vector<16x32xf32>
      %get3A_120 = arith.constant 3 : i32
      %get3A_121 = arith.index_cast %get3A_120 : i32 to index
      %get3A_122 = arith.constant 0 : index
      %get3A_123 = arith.constant 0 : index
      %get3A_124 = tpu.vector_load %arg4[%get3A_121, %get3A_122, %get3A_123] {strides = array<i32>} : memref<4x16x32xf32, #tpu.memory_space<vmem>>, vector<1x16x32xf32>,
      %get3A_125 = vector.shape_cast %get3A_124 : vector<1x16x32xf32> to vector<16x32xf32>
      %max3A_126 = arith.maximumf %get3A_119, %get3A_125 : vector<16x32xf32>
      %max3A_127 = arith.maximumf %max3A_113, %max3A_126 : vector<16x32xf32>
      %swap3A_128 = arith.constant 0 : index
      %swap3A_129 = arith.constant 0 : index
      %swap3A_130 = tpu.vector_load %arg5[%swap3A_128, %swap3A_129] {strides = array<i32>} : memref<16x32xf32, #tpu.memory_space<vmem>>, vector<16x32xf32>,
      %swap3A_131 = vector.shape_cast %swap3A_130 : vector<16x32xf32> to vector<16x32xf32>
      %swap3A_132 = vector.shape_cast %max3A_127 : vector<16x32xf32> to vector<16x32xf32>
      tpu.vector_store %arg5[%swap3A_128, %swap3A_129], %swap3A_132 {strides = array<i32>} : memref<16x32xf32, #tpu.memory_space<vmem>>, vector<16x32xf32>,
      %run_scoped3A_133 = arith.constant 2 : i32
      "tpu.region"() ({
        %run_scoped3A_216 = tpu.sem_alloc : memref<!tpu.dma_semaphore, #tpu.memory_space<semaphore_mem>>
        %dma_start3A = arith.constant 0 : i32
        %dma_start3A_217 = tpu.memref_slice %arg3[%run_scoped3A_133, %add3A_14, %dma_start3A] : memref<5x16384x32xf32, #tpu.memory_space<hbm>> -> memref<1x16x32xf32, #tpu.memory_space<hbm>>
        %dma_start3A_218 = tpu.memref_squeeze %dma_start3A_217 : memref<1x16x32xf32, #tpu.memory_space<hbm>> -> memref<16x32xf32, #tpu.memory_space<hbm>>
        %dma_start3A_219 = arith.constant 0 : i32
        %dma_start3A_220 = tpu.memref_slice %arg3[%run_scoped3A_133, %add3A_14, %dma_start3A_219] : memref<5x16384x32xf32, #tpu.memory_space<hbm>> -> memref<1x16x32xf32, #tpu.memory_space<hbm>>
        %dma_start3A_221 = tpu.memref_squeeze %dma_start3A_220 : memref<1x16x32xf32, #tpu.memory_space<hbm>> -> memref<16x32xf32, #tpu.memory_space<hbm>>
        tpu.enqueue_dma source(%arg5 : memref<16x32xf32, #tpu.memory_space<vmem>>) target(%dma_start3A_221 : memref<16x32xf32, #tpu.memory_space<hbm>>) target_semaphore(%run_scoped3A_216 : memref<!tpu.dma_semaphore, #tpu.memory_space<semaphore_mem>>)
        %dma_wait3A = arith.constant 0 : i32
        %dma_wait3A_222 = tpu.memref_slice %arg3[%run_scoped3A_133, %add3A_14, %dma_wait3A] : memref<5x16384x32xf32, #tpu.memory_space<hbm>> -> memref<1x16x32xf32, #tpu.memory_space<hbm>>
        %dma_wait3A_223 = tpu.memref_squeeze %dma_wait3A_222 : memref<1x16x32xf32, #tpu.memory_space<hbm>> -> memref<16x32xf32, #tpu.memory_space<hbm>>
        %dma_wait3A_224 = arith.constant 0 : i32
        %dma_wait3A_225 = tpu.memref_slice %arg3[%run_scoped3A_133, %add3A_14, %dma_wait3A_224] : memref<5x16384x32xf32, #tpu.memory_space<hbm>> -> memref<1x16x32xf32, #tpu.memory_space<hbm>>
        %dma_wait3A_226 = tpu.memref_squeeze %dma_wait3A_225 : memref<1x16x32xf32, #tpu.memory_space<hbm>> -> memref<16x32xf32, #tpu.memory_space<hbm>>
        tpu.wait_dma2 semaphore(%run_scoped3A_216 : memref<!tpu.dma_semaphore, #tpu.memory_space<semaphore_mem>>) src(%arg5 : memref<16x32xf32, #tpu.memory_space<vmem>>) dst(%dma_wait3A_226 : memref<16x32xf32, #tpu.memory_space<hbm>>)
        tpu.yield
      }) : () -> ()
      %run_scoped3A_134 = arith.constant 12 : i32
      %run_scoped3A_135 = arith.constant 0 : i32
      "tpu.region"() ({
        %run_scoped3A_216 = tpu.sem_alloc : memref<!tpu.dma_semaphore, #tpu.memory_space<semaphore_mem>>
        %dma_start3A = arith.constant 0 : i32
        %dma_start3A_217 = arith.constant 0 : i32
        %dma_start3A_218 = tpu.memref_slice %arg4[%run_scoped3A_135, %dma_start3A, %dma_start3A_217] : memref<4x16x32xf32, #tpu.memory_space<vmem>> -> memref<1x16x32xf32, #tpu.memory_space<vmem>>
        %dma_start3A_219 = tpu.memref_squeeze %dma_start3A_218 : memref<1x16x32xf32, #tpu.memory_space<vmem>> -> memref<16x32xf32, #tpu.memory_space<vmem>>
        %dma_start3A_220 = arith.constant 0 : i32
        %dma_start3A_221 = tpu.memref_slice %arg2[%run_scoped3A_134, %add3A_14, %dma_start3A_220] : memref<20x16384x32xf32, #tpu.memory_space<hbm>> -> memref<1x16x32xf32, #tpu.memory_space<hbm>>
        %dma_start3A_222 = tpu.memref_squeeze %dma_start3A_221 : memref<1x16x32xf32, #tpu.memory_space<hbm>> -> memref<16x32xf32, #tpu.memory_space<hbm>>
        %dma_start3A_223 = arith.constant 0 : i32
        %dma_start3A_224 = arith.constant 0 : i32
        %dma_start3A_225 = tpu.memref_slice %arg4[%run_scoped3A_135, %dma_start3A_223, %dma_start3A_224] : memref<4x16x32xf32, #tpu.memory_space<vmem>> -> memref<1x16x32xf32, #tpu.memory_space<vmem>>
        %dma_start3A_226 = tpu.memref_squeeze %dma_start3A_225 : memref<1x16x32xf32, #tpu.memory_space<vmem>> -> memref<16x32xf32, #tpu.memory_space<vmem>>
        %dma_start3A_227 = arith.constant 0 : i32
        %dma_start3A_228 = tpu.memref_slice %arg2[%run_scoped3A_134, %add3A_14, %dma_start3A_227] : memref<20x16384x32xf32, #tpu.memory_space<hbm>> -> memref<1x16x32xf32, #tpu.memory_space<hbm>>
        %dma_start3A_229 = tpu.memref_squeeze %dma_start3A_228 : memref<1x16x32xf32, #tpu.memory_space<hbm>> -> memref<16x32xf32, #tpu.memory_space<hbm>>
        tpu.enqueue_dma source(%dma_start3A_229 : memref<16x32xf32, #tpu.memory_space<hbm>>) target(%dma_start3A_226 : memref<16x32xf32, #tpu.memory_space<vmem>>) target_semaphore(%run_scoped3A_216 : memref<!tpu.dma_semaphore, #tpu.memory_space<semaphore_mem>>)
        %dma_wait3A = arith.constant 0 : i32
        %dma_wait3A_230 = arith.constant 0 : i32
        %dma_wait3A_231 = tpu.memref_slice %arg4[%run_scoped3A_135, %dma_wait3A, %dma_wait3A_230] : memref<4x16x32xf32, #tpu.memory_space<vmem>> -> memref<1x16x32xf32, #tpu.memory_space<vmem>>
        %dma_wait3A_232 = tpu.memref_squeeze %dma_wait3A_231 : memref<1x16x32xf32, #tpu.memory_space<vmem>> -> memref<16x32xf32, #tpu.memory_space<vmem>>
        %dma_wait3A_233 = arith.constant 0 : i32
        %dma_wait3A_234 = tpu.memref_slice %arg2[%run_scoped3A_134, %add3A_14, %dma_wait3A_233] : memref<20x16384x32xf32, #tpu.memory_space<hbm>> -> memref<1x16x32xf32, #tpu.memory_space<hbm>>
        %dma_wait3A_235 = tpu.memref_squeeze %dma_wait3A_234 : memref<1x16x32xf32, #tpu.memory_space<hbm>> -> memref<16x32xf32, #tpu.memory_space<hbm>>
        %dma_wait3A_236 = arith.constant 0 : i32
        %dma_wait3A_237 = arith.constant 0 : i32
        %dma_wait3A_238 = tpu.memref_slice %arg4[%run_scoped3A_135, %dma_wait3A_236, %dma_wait3A_237] : memref<4x16x32xf32, #tpu.memory_space<vmem>> -> memref<1x16x32xf32, #tpu.memory_space<vmem>>
        %dma_wait3A_239 = tpu.memref_squeeze %dma_wait3A_238 : memref<1x16x32xf32, #tpu.memory_space<vmem>> -> memref<16x32xf32, #tpu.memory_space<vmem>>
        %dma_wait3A_240 = arith.constant 0 : i32
        %dma_wait3A_241 = tpu.memref_slice %arg2[%run_scoped3A_134, %add3A_14, %dma_wait3A_240] : memref<20x16384x32xf32, #tpu.memory_space<hbm>> -> memref<1x16x32xf32, #tpu.memory_space<hbm>>
        %dma_wait3A_242 = tpu.memref_squeeze %dma_wait3A_241 : memref<1x16x32xf32, #tpu.memory_space<hbm>> -> memref<16x32xf32, #tpu.memory_space<hbm>>
        tpu.wait_dma2 semaphore(%run_scoped3A_216 : memref<!tpu.dma_semaphore, #tpu.memory_space<semaphore_mem>>) src(%dma_wait3A_242 : memref<16x32xf32, #tpu.memory_space<hbm>>) dst(%dma_wait3A_239 : memref<16x32xf32, #tpu.memory_space<vmem>>)
        tpu.yield
      }) : () -> ()
      %run_scoped3A_136 = arith.constant 13 : i32
      %run_scoped3A_137 = arith.constant 1 : i32
      "tpu.region"() ({
        %run_scoped3A_216 = tpu.sem_alloc : memref<!tpu.dma_semaphore, #tpu.memory_space<semaphore_mem>>
        %dma_start3A = arith.constant 0 : i32
        %dma_start3A_217 = arith.constant 0 : i32
        %dma_start3A_218 = tpu.memref_slice %arg4[%run_scoped3A_137, %dma_start3A, %dma_start3A_217] : memref<4x16x32xf32, #tpu.memory_space<vmem>> -> memref<1x16x32xf32, #tpu.memory_space<vmem>>
        %dma_start3A_219 = tpu.memref_squeeze %dma_start3A_218 : memref<1x16x32xf32, #tpu.memory_space<vmem>> -> memref<16x32xf32, #tpu.memory_space<vmem>>
        %dma_start3A_220 = arith.constant 0 : i32
        %dma_start3A_221 = tpu.memref_slice %arg2[%run_scoped3A_136, %add3A_14, %dma_start3A_220] : memref<20x16384x32xf32, #tpu.memory_space<hbm>> -> memref<1x16x32xf32, #tpu.memory_space<hbm>>
        %dma_start3A_222 = tpu.memref_squeeze %dma_start3A_221 : memref<1x16x32xf32, #tpu.memory_space<hbm>> -> memref<16x32xf32, #tpu.memory_space<hbm>>
        %dma_start3A_223 = arith.constant 0 : i32
        %dma_start3A_224 = arith.constant 0 : i32
        %dma_start3A_225 = tpu.memref_slice %arg4[%run_scoped3A_137, %dma_start3A_223, %dma_start3A_224] : memref<4x16x32xf32, #tpu.memory_space<vmem>> -> memref<1x16x32xf32, #tpu.memory_space<vmem>>
        %dma_start3A_226 = tpu.memref_squeeze %dma_start3A_225 : memref<1x16x32xf32, #tpu.memory_space<vmem>> -> memref<16x32xf32, #tpu.memory_space<vmem>>
        %dma_start3A_227 = arith.constant 0 : i32
        %dma_start3A_228 = tpu.memref_slice %arg2[%run_scoped3A_136, %add3A_14, %dma_start3A_227] : memref<20x16384x32xf32, #tpu.memory_space<hbm>> -> memref<1x16x32xf32, #tpu.memory_space<hbm>>
        %dma_start3A_229 = tpu.memref_squeeze %dma_start3A_228 : memref<1x16x32xf32, #tpu.memory_space<hbm>> -> memref<16x32xf32, #tpu.memory_space<hbm>>
        tpu.enqueue_dma source(%dma_start3A_229 : memref<16x32xf32, #tpu.memory_space<hbm>>) target(%dma_start3A_226 : memref<16x32xf32, #tpu.memory_space<vmem>>) target_semaphore(%run_scoped3A_216 : memref<!tpu.dma_semaphore, #tpu.memory_space<semaphore_mem>>)
        %dma_wait3A = arith.constant 0 : i32
        %dma_wait3A_230 = arith.constant 0 : i32
        %dma_wait3A_231 = tpu.memref_slice %arg4[%run_scoped3A_137, %dma_wait3A, %dma_wait3A_230] : memref<4x16x32xf32, #tpu.memory_space<vmem>> -> memref<1x16x32xf32, #tpu.memory_space<vmem>>
        %dma_wait3A_232 = tpu.memref_squeeze %dma_wait3A_231 : memref<1x16x32xf32, #tpu.memory_space<vmem>> -> memref<16x32xf32, #tpu.memory_space<vmem>>
        %dma_wait3A_233 = arith.constant 0 : i32
        %dma_wait3A_234 = tpu.memref_slice %arg2[%run_scoped3A_136, %add3A_14, %dma_wait3A_233] : memref<20x16384x32xf32, #tpu.memory_space<hbm>> -> memref<1x16x32xf32, #tpu.memory_space<hbm>>
        %dma_wait3A_235 = tpu.memref_squeeze %dma_wait3A_234 : memref<1x16x32xf32, #tpu.memory_space<hbm>> -> memref<16x32xf32, #tpu.memory_space<hbm>>
        %dma_wait3A_236 = arith.constant 0 : i32
        %dma_wait3A_237 = arith.constant 0 : i32
        %dma_wait3A_238 = tpu.memref_slice %arg4[%run_scoped3A_137, %dma_wait3A_236, %dma_wait3A_237] : memref<4x16x32xf32, #tpu.memory_space<vmem>> -> memref<1x16x32xf32, #tpu.memory_space<vmem>>
        %dma_wait3A_239 = tpu.memref_squeeze %dma_wait3A_238 : memref<1x16x32xf32, #tpu.memory_space<vmem>> -> memref<16x32xf32, #tpu.memory_space<vmem>>
        %dma_wait3A_240 = arith.constant 0 : i32
        %dma_wait3A_241 = tpu.memref_slice %arg2[%run_scoped3A_136, %add3A_14, %dma_wait3A_240] : memref<20x16384x32xf32, #tpu.memory_space<hbm>> -> memref<1x16x32xf32, #tpu.memory_space<hbm>>
        %dma_wait3A_242 = tpu.memref_squeeze %dma_wait3A_241 : memref<1x16x32xf32, #tpu.memory_space<hbm>> -> memref<16x32xf32, #tpu.memory_space<hbm>>
        tpu.wait_dma2 semaphore(%run_scoped3A_216 : memref<!tpu.dma_semaphore, #tpu.memory_space<semaphore_mem>>) src(%dma_wait3A_242 : memref<16x32xf32, #tpu.memory_space<hbm>>) dst(%dma_wait3A_239 : memref<16x32xf32, #tpu.memory_space<vmem>>)
        tpu.yield
      }) : () -> ()
      %run_scoped3A_138 = arith.constant 14 : i32
      %run_scoped3A_139 = arith.constant 2 : i32
      "tpu.region"() ({
        %run_scoped3A_216 = tpu.sem_alloc : memref<!tpu.dma_semaphore, #tpu.memory_space<semaphore_mem>>
        %dma_start3A = arith.constant 0 : i32
        %dma_start3A_217 = arith.constant 0 : i32
        %dma_start3A_218 = tpu.memref_slice %arg4[%run_scoped3A_139, %dma_start3A, %dma_start3A_217] : memref<4x16x32xf32, #tpu.memory_space<vmem>> -> memref<1x16x32xf32, #tpu.memory_space<vmem>>
        %dma_start3A_219 = tpu.memref_squeeze %dma_start3A_218 : memref<1x16x32xf32, #tpu.memory_space<vmem>> -> memref<16x32xf32, #tpu.memory_space<vmem>>
        %dma_start3A_220 = arith.constant 0 : i32
        %dma_start3A_221 = tpu.memref_slice %arg2[%run_scoped3A_138, %add3A_14, %dma_start3A_220] : memref<20x16384x32xf32, #tpu.memory_space<hbm>> -> memref<1x16x32xf32, #tpu.memory_space<hbm>>
        %dma_start3A_222 = tpu.memref_squeeze %dma_start3A_221 : memref<1x16x32xf32, #tpu.memory_space<hbm>> -> memref<16x32xf32, #tpu.memory_space<hbm>>
        %dma_start3A_223 = arith.constant 0 : i32
        %dma_start3A_224 = arith.constant 0 : i32
        %dma_start3A_225 = tpu.memref_slice %arg4[%run_scoped3A_139, %dma_start3A_223, %dma_start3A_224] : memref<4x16x32xf32, #tpu.memory_space<vmem>> -> memref<1x16x32xf32, #tpu.memory_space<vmem>>
        %dma_start3A_226 = tpu.memref_squeeze %dma_start3A_225 : memref<1x16x32xf32, #tpu.memory_space<vmem>> -> memref<16x32xf32, #tpu.memory_space<vmem>>
        %dma_start3A_227 = arith.constant 0 : i32
        %dma_start3A_228 = tpu.memref_slice %arg2[%run_scoped3A_138, %add3A_14, %dma_start3A_227] : memref<20x16384x32xf32, #tpu.memory_space<hbm>> -> memref<1x16x32xf32, #tpu.memory_space<hbm>>
        %dma_start3A_229 = tpu.memref_squeeze %dma_start3A_228 : memref<1x16x32xf32, #tpu.memory_space<hbm>> -> memref<16x32xf32, #tpu.memory_space<hbm>>
        tpu.enqueue_dma source(%dma_start3A_229 : memref<16x32xf32, #tpu.memory_space<hbm>>) target(%dma_start3A_226 : memref<16x32xf32, #tpu.memory_space<vmem>>) target_semaphore(%run_scoped3A_216 : memref<!tpu.dma_semaphore, #tpu.memory_space<semaphore_mem>>)
        %dma_wait3A = arith.constant 0 : i32
        %dma_wait3A_230 = arith.constant 0 : i32
        %dma_wait3A_231 = tpu.memref_slice %arg4[%run_scoped3A_139, %dma_wait3A, %dma_wait3A_230] : memref<4x16x32xf32, #tpu.memory_space<vmem>> -> memref<1x16x32xf32, #tpu.memory_space<vmem>>
        %dma_wait3A_232 = tpu.memref_squeeze %dma_wait3A_231 : memref<1x16x32xf32, #tpu.memory_space<vmem>> -> memref<16x32xf32, #tpu.memory_space<vmem>>
        %dma_wait3A_233 = arith.constant 0 : i32
        %dma_wait3A_234 = tpu.memref_slice %arg2[%run_scoped3A_138, %add3A_14, %dma_wait3A_233] : memref<20x16384x32xf32, #tpu.memory_space<hbm>> -> memref<1x16x32xf32, #tpu.memory_space<hbm>>
        %dma_wait3A_235 = tpu.memref_squeeze %dma_wait3A_234 : memref<1x16x32xf32, #tpu.memory_space<hbm>> -> memref<16x32xf32, #tpu.memory_space<hbm>>
        %dma_wait3A_236 = arith.constant 0 : i32
        %dma_wait3A_237 = arith.constant 0 : i32
        %dma_wait3A_238 = tpu.memref_slice %arg4[%run_scoped3A_139, %dma_wait3A_236, %dma_wait3A_237] : memref<4x16x32xf32, #tpu.memory_space<vmem>> -> memref<1x16x32xf32, #tpu.memory_space<vmem>>
        %dma_wait3A_239 = tpu.memref_squeeze %dma_wait3A_238 : memref<1x16x32xf32, #tpu.memory_space<vmem>> -> memref<16x32xf32, #tpu.memory_space<vmem>>
        %dma_wait3A_240 = arith.constant 0 : i32
        %dma_wait3A_241 = tpu.memref_slice %arg2[%run_scoped3A_138, %add3A_14, %dma_wait3A_240] : memref<20x16384x32xf32, #tpu.memory_space<hbm>> -> memref<1x16x32xf32, #tpu.memory_space<hbm>>
        %dma_wait3A_242 = tpu.memref_squeeze %dma_wait3A_241 : memref<1x16x32xf32, #tpu.memory_space<hbm>> -> memref<16x32xf32, #tpu.memory_space<hbm>>
        tpu.wait_dma2 semaphore(%run_scoped3A_216 : memref<!tpu.dma_semaphore, #tpu.memory_space<semaphore_mem>>) src(%dma_wait3A_242 : memref<16x32xf32, #tpu.memory_space<hbm>>) dst(%dma_wait3A_239 : memref<16x32xf32, #tpu.memory_space<vmem>>)
        tpu.yield
      }) : () -> ()
      %run_scoped3A_140 = arith.constant 15 : i32
      %run_scoped3A_141 = arith.constant 3 : i32
      "tpu.region"() ({
        %run_scoped3A_216 = tpu.sem_alloc : memref<!tpu.dma_semaphore, #tpu.memory_space<semaphore_mem>>
        %dma_start3A = arith.constant 0 : i32
        %dma_start3A_217 = arith.constant 0 : i32
        %dma_start3A_218 = tpu.memref_slice %arg4[%run_scoped3A_141, %dma_start3A, %dma_start3A_217] : memref<4x16x32xf32, #tpu.memory_space<vmem>> -> memref<1x16x32xf32, #tpu.memory_space<vmem>>
        %dma_start3A_219 = tpu.memref_squeeze %dma_start3A_218 : memref<1x16x32xf32, #tpu.memory_space<vmem>> -> memref<16x32xf32, #tpu.memory_space<vmem>>
        %dma_start3A_220 = arith.constant 0 : i32
        %dma_start3A_221 = tpu.memref_slice %arg2[%run_scoped3A_140, %add3A_14, %dma_start3A_220] : memref<20x16384x32xf32, #tpu.memory_space<hbm>> -> memref<1x16x32xf32, #tpu.memory_space<hbm>>
        %dma_start3A_222 = tpu.memref_squeeze %dma_start3A_221 : memref<1x16x32xf32, #tpu.memory_space<hbm>> -> memref<16x32xf32, #tpu.memory_space<hbm>>
        %dma_start3A_223 = arith.constant 0 : i32
        %dma_start3A_224 = arith.constant 0 : i32
        %dma_start3A_225 = tpu.memref_slice %arg4[%run_scoped3A_141, %dma_start3A_223, %dma_start3A_224] : memref<4x16x32xf32, #tpu.memory_space<vmem>> -> memref<1x16x32xf32, #tpu.memory_space<vmem>>
        %dma_start3A_226 = tpu.memref_squeeze %dma_start3A_225 : memref<1x16x32xf32, #tpu.memory_space<vmem>> -> memref<16x32xf32, #tpu.memory_space<vmem>>
        %dma_start3A_227 = arith.constant 0 : i32
        %dma_start3A_228 = tpu.memref_slice %arg2[%run_scoped3A_140, %add3A_14, %dma_start3A_227] : memref<20x16384x32xf32, #tpu.memory_space<hbm>> -> memref<1x16x32xf32, #tpu.memory_space<hbm>>
        %dma_start3A_229 = tpu.memref_squeeze %dma_start3A_228 : memref<1x16x32xf32, #tpu.memory_space<hbm>> -> memref<16x32xf32, #tpu.memory_space<hbm>>
        tpu.enqueue_dma source(%dma_start3A_229 : memref<16x32xf32, #tpu.memory_space<hbm>>) target(%dma_start3A_226 : memref<16x32xf32, #tpu.memory_space<vmem>>) target_semaphore(%run_scoped3A_216 : memref<!tpu.dma_semaphore, #tpu.memory_space<semaphore_mem>>)
        %dma_wait3A = arith.constant 0 : i32
        %dma_wait3A_230 = arith.constant 0 : i32
        %dma_wait3A_231 = tpu.memref_slice %arg4[%run_scoped3A_141, %dma_wait3A, %dma_wait3A_230] : memref<4x16x32xf32, #tpu.memory_space<vmem>> -> memref<1x16x32xf32, #tpu.memory_space<vmem>>
        %dma_wait3A_232 = tpu.memref_squeeze %dma_wait3A_231 : memref<1x16x32xf32, #tpu.memory_space<vmem>> -> memref<16x32xf32, #tpu.memory_space<vmem>>
        %dma_wait3A_233 = arith.constant 0 : i32
        %dma_wait3A_234 = tpu.memref_slice %arg2[%run_scoped3A_140, %add3A_14, %dma_wait3A_233] : memref<20x16384x32xf32, #tpu.memory_space<hbm>> -> memref<1x16x32xf32, #tpu.memory_space<hbm>>
        %dma_wait3A_235 = tpu.memref_squeeze %dma_wait3A_234 : memref<1x16x32xf32, #tpu.memory_space<hbm>> -> memref<16x32xf32, #tpu.memory_space<hbm>>
        %dma_wait3A_236 = arith.constant 0 : i32
        %dma_wait3A_237 = arith.constant 0 : i32
        %dma_wait3A_238 = tpu.memref_slice %arg4[%run_scoped3A_141, %dma_wait3A_236, %dma_wait3A_237] : memref<4x16x32xf32, #tpu.memory_space<vmem>> -> memref<1x16x32xf32, #tpu.memory_space<vmem>>
        %dma_wait3A_239 = tpu.memref_squeeze %dma_wait3A_238 : memref<1x16x32xf32, #tpu.memory_space<vmem>> -> memref<16x32xf32, #tpu.memory_space<vmem>>
        %dma_wait3A_240 = arith.constant 0 : i32
        %dma_wait3A_241 = tpu.memref_slice %arg2[%run_scoped3A_140, %add3A_14, %dma_wait3A_240] : memref<20x16384x32xf32, #tpu.memory_space<hbm>> -> memref<1x16x32xf32, #tpu.memory_space<hbm>>
        %dma_wait3A_242 = tpu.memref_squeeze %dma_wait3A_241 : memref<1x16x32xf32, #tpu.memory_space<hbm>> -> memref<16x32xf32, #tpu.memory_space<hbm>>
        tpu.wait_dma2 semaphore(%run_scoped3A_216 : memref<!tpu.dma_semaphore, #tpu.memory_space<semaphore_mem>>) src(%dma_wait3A_242 : memref<16x32xf32, #tpu.memory_space<hbm>>) dst(%dma_wait3A_239 : memref<16x32xf32, #tpu.memory_space<vmem>>)
        tpu.yield
      }) : () -> ()
      %get3A_142 = arith.constant 0 : i32
      %get3A_143 = arith.index_cast %get3A_142 : i32 to index
      %get3A_144 = arith.constant 0 : index
      %get3A_145 = arith.constant 0 : index
      %get3A_146 = tpu.vector_load %arg4[%get3A_143, %get3A_144, %get3A_145] {strides = array<i32>} : memref<4x16x32xf32, #tpu.memory_space<vmem>>, vector<1x16x32xf32>,
      %get3A_147 = vector.shape_cast %get3A_146 : vector<1x16x32xf32> to vector<16x32xf32>
      %get3A_148 = arith.constant 1 : i32
      %get3A_149 = arith.index_cast %get3A_148 : i32 to index
      %get3A_150 = arith.constant 0 : index
      %get3A_151 = arith.constant 0 : index
      %get3A_152 = tpu.vector_load %arg4[%get3A_149, %get3A_150, %get3A_151] {strides = array<i32>} : memref<4x16x32xf32, #tpu.memory_space<vmem>>, vector<1x16x32xf32>,
      %get3A_153 = vector.shape_cast %get3A_152 : vector<1x16x32xf32> to vector<16x32xf32>
      %max3A_154 = arith.maximumf %get3A_147, %get3A_153 : vector<16x32xf32>
      %get3A_155 = arith.constant 2 : i32
      %get3A_156 = arith.index_cast %get3A_155 : i32 to index
      %get3A_157 = arith.constant 0 : index
      %get3A_158 = arith.constant 0 : index
      %get3A_159 = tpu.vector_load %arg4[%get3A_156, %get3A_157, %get3A_158] {strides = array<i32>} : memref<4x16x32xf32, #tpu.memory_space<vmem>>, vector<1x16x32xf32>,
      %get3A_160 = vector.shape_cast %get3A_159 : vector<1x16x32xf32> to vector<16x32xf32>
      %get3A_161 = arith.constant 3 : i32
      %get3A_162 = arith.index_cast %get3A_161 : i32 to index
      %get3A_163 = arith.constant 0 : index
      %get3A_164 = arith.constant 0 : index
      %get3A_165 = tpu.vector_load %arg4[%get3A_162, %get3A_163, %get3A_164] {strides = array<i32>} : memref<4x16x32xf32, #tpu.memory_space<vmem>>, vector<1x16x32xf32>,
      %get3A_166 = vector.shape_cast %get3A_165 : vector<1x16x32xf32> to vector<16x32xf32>
      %max3A_167 = arith.maximumf %get3A_160, %get3A_166 : vector<16x32xf32>
      %max3A_168 = arith.maximumf %max3A_154, %max3A_167 : vector<16x32xf32>
      %swap3A_169 = arith.constant 0 : index
      %swap3A_170 = arith.constant 0 : index
      %swap3A_171 = tpu.vector_load %arg5[%swap3A_169, %swap3A_170] {strides = array<i32>} : memref<16x32xf32, #tpu.memory_space<vmem>>, vector<16x32xf32>,
      %swap3A_172 = vector.shape_cast %swap3A_171 : vector<16x32xf32> to vector<16x32xf32>
      %swap3A_173 = vector.shape_cast %max3A_168 : vector<16x32xf32> to vector<16x32xf32>
      tpu.vector_store %arg5[%swap3A_169, %swap3A_170], %swap3A_173 {strides = array<i32>} : memref<16x32xf32, #tpu.memory_space<vmem>>, vector<16x32xf32>,
      %run_scoped3A_174 = arith.constant 3 : i32
      "tpu.region"() ({
        %run_scoped3A_216 = tpu.sem_alloc : memref<!tpu.dma_semaphore, #tpu.memory_space<semaphore_mem>>
        %dma_start3A = arith.constant 0 : i32
        %dma_start3A_217 = tpu.memref_slice %arg3[%run_scoped3A_174, %add3A_14, %dma_start3A] : memref<5x16384x32xf32, #tpu.memory_space<hbm>> -> memref<1x16x32xf32, #tpu.memory_space<hbm>>
        %dma_start3A_218 = tpu.memref_squeeze %dma_start3A_217 : memref<1x16x32xf32, #tpu.memory_space<hbm>> -> memref<16x32xf32, #tpu.memory_space<hbm>>
        %dma_start3A_219 = arith.constant 0 : i32
        %dma_start3A_220 = tpu.memref_slice %arg3[%run_scoped3A_174, %add3A_14, %dma_start3A_219] : memref<5x16384x32xf32, #tpu.memory_space<hbm>> -> memref<1x16x32xf32, #tpu.memory_space<hbm>>
        %dma_start3A_221 = tpu.memref_squeeze %dma_start3A_220 : memref<1x16x32xf32, #tpu.memory_space<hbm>> -> memref<16x32xf32, #tpu.memory_space<hbm>>
        tpu.enqueue_dma source(%arg5 : memref<16x32xf32, #tpu.memory_space<vmem>>) target(%dma_start3A_221 : memref<16x32xf32, #tpu.memory_space<hbm>>) target_semaphore(%run_scoped3A_216 : memref<!tpu.dma_semaphore, #tpu.memory_space<semaphore_mem>>)
        %dma_wait3A = arith.constant 0 : i32
        %dma_wait3A_222 = tpu.memref_slice %arg3[%run_scoped3A_174, %add3A_14, %dma_wait3A] : memref<5x16384x32xf32, #tpu.memory_space<hbm>> -> memref<1x16x32xf32, #tpu.memory_space<hbm>>
        %dma_wait3A_223 = tpu.memref_squeeze %dma_wait3A_222 : memref<1x16x32xf32, #tpu.memory_space<hbm>> -> memref<16x32xf32, #tpu.memory_space<hbm>>
        %dma_wait3A_224 = arith.constant 0 : i32
        %dma_wait3A_225 = tpu.memref_slice %arg3[%run_scoped3A_174, %add3A_14, %dma_wait3A_224] : memref<5x16384x32xf32, #tpu.memory_space<hbm>> -> memref<1x16x32xf32, #tpu.memory_space<hbm>>
        %dma_wait3A_226 = tpu.memref_squeeze %dma_wait3A_225 : memref<1x16x32xf32, #tpu.memory_space<hbm>> -> memref<16x32xf32, #tpu.memory_space<hbm>>
        tpu.wait_dma2 semaphore(%run_scoped3A_216 : memref<!tpu.dma_semaphore, #tpu.memory_space<semaphore_mem>>) src(%arg5 : memref<16x32xf32, #tpu.memory_space<vmem>>) dst(%dma_wait3A_226 : memref<16x32xf32, #tpu.memory_space<hbm>>)
        tpu.yield
      }) : () -> ()
      %run_scoped3A_175 = arith.constant 16 : i32
      %run_scoped3A_176 = arith.constant 0 : i32
      "tpu.region"() ({
        %run_scoped3A_216 = tpu.sem_alloc : memref<!tpu.dma_semaphore, #tpu.memory_space<semaphore_mem>>
        %dma_start3A = arith.constant 0 : i32
        %dma_start3A_217 = arith.constant 0 : i32
        %dma_start3A_218 = tpu.memref_slice %arg4[%run_scoped3A_176, %dma_start3A, %dma_start3A_217] : memref<4x16x32xf32, #tpu.memory_space<vmem>> -> memref<1x16x32xf32, #tpu.memory_space<vmem>>
        %dma_start3A_219 = tpu.memref_squeeze %dma_start3A_218 : memref<1x16x32xf32, #tpu.memory_space<vmem>> -> memref<16x32xf32, #tpu.memory_space<vmem>>
        %dma_start3A_220 = arith.constant 0 : i32
        %dma_start3A_221 = tpu.memref_slice %arg2[%run_scoped3A_175, %add3A_14, %dma_start3A_220] : memref<20x16384x32xf32, #tpu.memory_space<hbm>> -> memref<1x16x32xf32, #tpu.memory_space<hbm>>
        %dma_start3A_222 = tpu.memref_squeeze %dma_start3A_221 : memref<1x16x32xf32, #tpu.memory_space<hbm>> -> memref<16x32xf32, #tpu.memory_space<hbm>>
        %dma_start3A_223 = arith.constant 0 : i32
        %dma_start3A_224 = arith.constant 0 : i32
        %dma_start3A_225 = tpu.memref_slice %arg4[%run_scoped3A_176, %dma_start3A_223, %dma_start3A_224] : memref<4x16x32xf32, #tpu.memory_space<vmem>> -> memref<1x16x32xf32, #tpu.memory_space<vmem>>
        %dma_start3A_226 = tpu.memref_squeeze %dma_start3A_225 : memref<1x16x32xf32, #tpu.memory_space<vmem>> -> memref<16x32xf32, #tpu.memory_space<vmem>>
        %dma_start3A_227 = arith.constant 0 : i32
        %dma_start3A_228 = tpu.memref_slice %arg2[%run_scoped3A_175, %add3A_14, %dma_start3A_227] : memref<20x16384x32xf32, #tpu.memory_space<hbm>> -> memref<1x16x32xf32, #tpu.memory_space<hbm>>
        %dma_start3A_229 = tpu.memref_squeeze %dma_start3A_228 : memref<1x16x32xf32, #tpu.memory_space<hbm>> -> memref<16x32xf32, #tpu.memory_space<hbm>>
        tpu.enqueue_dma source(%dma_start3A_229 : memref<16x32xf32, #tpu.memory_space<hbm>>) target(%dma_start3A_226 : memref<16x32xf32, #tpu.memory_space<vmem>>) target_semaphore(%run_scoped3A_216 : memref<!tpu.dma_semaphore, #tpu.memory_space<semaphore_mem>>)
        %dma_wait3A = arith.constant 0 : i32
        %dma_wait3A_230 = arith.constant 0 : i32
        %dma_wait3A_231 = tpu.memref_slice %arg4[%run_scoped3A_176, %dma_wait3A, %dma_wait3A_230] : memref<4x16x32xf32, #tpu.memory_space<vmem>> -> memref<1x16x32xf32, #tpu.memory_space<vmem>>
        %dma_wait3A_232 = tpu.memref_squeeze %dma_wait3A_231 : memref<1x16x32xf32, #tpu.memory_space<vmem>> -> memref<16x32xf32, #tpu.memory_space<vmem>>
        %dma_wait3A_233 = arith.constant 0 : i32
        %dma_wait3A_234 = tpu.memref_slice %arg2[%run_scoped3A_175, %add3A_14, %dma_wait3A_233] : memref<20x16384x32xf32, #tpu.memory_space<hbm>> -> memref<1x16x32xf32, #tpu.memory_space<hbm>>
        %dma_wait3A_235 = tpu.memref_squeeze %dma_wait3A_234 : memref<1x16x32xf32, #tpu.memory_space<hbm>> -> memref<16x32xf32, #tpu.memory_space<hbm>>
        %dma_wait3A_236 = arith.constant 0 : i32
        %dma_wait3A_237 = arith.constant 0 : i32
        %dma_wait3A_238 = tpu.memref_slice %arg4[%run_scoped3A_176, %dma_wait3A_236, %dma_wait3A_237] : memref<4x16x32xf32, #tpu.memory_space<vmem>> -> memref<1x16x32xf32, #tpu.memory_space<vmem>>
        %dma_wait3A_239 = tpu.memref_squeeze %dma_wait3A_238 : memref<1x16x32xf32, #tpu.memory_space<vmem>> -> memref<16x32xf32, #tpu.memory_space<vmem>>
        %dma_wait3A_240 = arith.constant 0 : i32
        %dma_wait3A_241 = tpu.memref_slice %arg2[%run_scoped3A_175, %add3A_14, %dma_wait3A_240] : memref<20x16384x32xf32, #tpu.memory_space<hbm>> -> memref<1x16x32xf32, #tpu.memory_space<hbm>>
        %dma_wait3A_242 = tpu.memref_squeeze %dma_wait3A_241 : memref<1x16x32xf32, #tpu.memory_space<hbm>> -> memref<16x32xf32, #tpu.memory_space<hbm>>
        tpu.wait_dma2 semaphore(%run_scoped3A_216 : memref<!tpu.dma_semaphore, #tpu.memory_space<semaphore_mem>>) src(%dma_wait3A_242 : memref<16x32xf32, #tpu.memory_space<hbm>>) dst(%dma_wait3A_239 : memref<16x32xf32, #tpu.memory_space<vmem>>)
        tpu.yield
      }) : () -> ()
      %run_scoped3A_177 = arith.constant 17 : i32
      %run_scoped3A_178 = arith.constant 1 : i32
      "tpu.region"() ({
        %run_scoped3A_216 = tpu.sem_alloc : memref<!tpu.dma_semaphore, #tpu.memory_space<semaphore_mem>>
        %dma_start3A = arith.constant 0 : i32
        %dma_start3A_217 = arith.constant 0 : i32
        %dma_start3A_218 = tpu.memref_slice %arg4[%run_scoped3A_178, %dma_start3A, %dma_start3A_217] : memref<4x16x32xf32, #tpu.memory_space<vmem>> -> memref<1x16x32xf32, #tpu.memory_space<vmem>>
        %dma_start3A_219 = tpu.memref_squeeze %dma_start3A_218 : memref<1x16x32xf32, #tpu.memory_space<vmem>> -> memref<16x32xf32, #tpu.memory_space<vmem>>
        %dma_start3A_220 = arith.constant 0 : i32
        %dma_start3A_221 = tpu.memref_slice %arg2[%run_scoped3A_177, %add3A_14, %dma_start3A_220] : memref<20x16384x32xf32, #tpu.memory_space<hbm>> -> memref<1x16x32xf32, #tpu.memory_space<hbm>>
        %dma_start3A_222 = tpu.memref_squeeze %dma_start3A_221 : memref<1x16x32xf32, #tpu.memory_space<hbm>> -> memref<16x32xf32, #tpu.memory_space<hbm>>
        %dma_start3A_223 = arith.constant 0 : i32
        %dma_start3A_224 = arith.constant 0 : i32
        %dma_start3A_225 = tpu.memref_slice %arg4[%run_scoped3A_178, %dma_start3A_223, %dma_start3A_224] : memref<4x16x32xf32, #tpu.memory_space<vmem>> -> memref<1x16x32xf32, #tpu.memory_space<vmem>>
        %dma_start3A_226 = tpu.memref_squeeze %dma_start3A_225 : memref<1x16x32xf32, #tpu.memory_space<vmem>> -> memref<16x32xf32, #tpu.memory_space<vmem>>
        %dma_start3A_227 = arith.constant 0 : i32
        %dma_start3A_228 = tpu.memref_slice %arg2[%run_scoped3A_177, %add3A_14, %dma_start3A_227] : memref<20x16384x32xf32, #tpu.memory_space<hbm>> -> memref<1x16x32xf32, #tpu.memory_space<hbm>>
        %dma_start3A_229 = tpu.memref_squeeze %dma_start3A_228 : memref<1x16x32xf32, #tpu.memory_space<hbm>> -> memref<16x32xf32, #tpu.memory_space<hbm>>
        tpu.enqueue_dma source(%dma_start3A_229 : memref<16x32xf32, #tpu.memory_space<hbm>>) target(%dma_start3A_226 : memref<16x32xf32, #tpu.memory_space<vmem>>) target_semaphore(%run_scoped3A_216 : memref<!tpu.dma_semaphore, #tpu.memory_space<semaphore_mem>>)
        %dma_wait3A = arith.constant 0 : i32
        %dma_wait3A_230 = arith.constant 0 : i32
        %dma_wait3A_231 = tpu.memref_slice %arg4[%run_scoped3A_178, %dma_wait3A, %dma_wait3A_230] : memref<4x16x32xf32, #tpu.memory_space<vmem>> -> memref<1x16x32xf32, #tpu.memory_space<vmem>>
        %dma_wait3A_232 = tpu.memref_squeeze %dma_wait3A_231 : memref<1x16x32xf32, #tpu.memory_space<vmem>> -> memref<16x32xf32, #tpu.memory_space<vmem>>
        %dma_wait3A_233 = arith.constant 0 : i32
        %dma_wait3A_234 = tpu.memref_slice %arg2[%run_scoped3A_177, %add3A_14, %dma_wait3A_233] : memref<20x16384x32xf32, #tpu.memory_space<hbm>> -> memref<1x16x32xf32, #tpu.memory_space<hbm>>
        %dma_wait3A_235 = tpu.memref_squeeze %dma_wait3A_234 : memref<1x16x32xf32, #tpu.memory_space<hbm>> -> memref<16x32xf32, #tpu.memory_space<hbm>>
        %dma_wait3A_236 = arith.constant 0 : i32
        %dma_wait3A_237 = arith.constant 0 : i32
        %dma_wait3A_238 = tpu.memref_slice %arg4[%run_scoped3A_178, %dma_wait3A_236, %dma_wait3A_237] : memref<4x16x32xf32, #tpu.memory_space<vmem>> -> memref<1x16x32xf32, #tpu.memory_space<vmem>>
        %dma_wait3A_239 = tpu.memref_squeeze %dma_wait3A_238 : memref<1x16x32xf32, #tpu.memory_space<vmem>> -> memref<16x32xf32, #tpu.memory_space<vmem>>
        %dma_wait3A_240 = arith.constant 0 : i32
        %dma_wait3A_241 = tpu.memref_slice %arg2[%run_scoped3A_177, %add3A_14, %dma_wait3A_240] : memref<20x16384x32xf32, #tpu.memory_space<hbm>> -> memref<1x16x32xf32, #tpu.memory_space<hbm>>
        %dma_wait3A_242 = tpu.memref_squeeze %dma_wait3A_241 : memref<1x16x32xf32, #tpu.memory_space<hbm>> -> memref<16x32xf32, #tpu.memory_space<hbm>>
        tpu.wait_dma2 semaphore(%run_scoped3A_216 : memref<!tpu.dma_semaphore, #tpu.memory_space<semaphore_mem>>) src(%dma_wait3A_242 : memref<16x32xf32, #tpu.memory_space<hbm>>) dst(%dma_wait3A_239 : memref<16x32xf32, #tpu.memory_space<vmem>>)
        tpu.yield
      }) : () -> ()
      %run_scoped3A_179 = arith.constant 18 : i32
      %run_scoped3A_180 = arith.constant 2 : i32
      "tpu.region"() ({
        %run_scoped3A_216 = tpu.sem_alloc : memref<!tpu.dma_semaphore, #tpu.memory_space<semaphore_mem>>
        %dma_start3A = arith.constant 0 : i32
        %dma_start3A_217 = arith.constant 0 : i32
        %dma_start3A_218 = tpu.memref_slice %arg4[%run_scoped3A_180, %dma_start3A, %dma_start3A_217] : memref<4x16x32xf32, #tpu.memory_space<vmem>> -> memref<1x16x32xf32, #tpu.memory_space<vmem>>
        %dma_start3A_219 = tpu.memref_squeeze %dma_start3A_218 : memref<1x16x32xf32, #tpu.memory_space<vmem>> -> memref<16x32xf32, #tpu.memory_space<vmem>>
        %dma_start3A_220 = arith.constant 0 : i32
        %dma_start3A_221 = tpu.memref_slice %arg2[%run_scoped3A_179, %add3A_14, %dma_start3A_220] : memref<20x16384x32xf32, #tpu.memory_space<hbm>> -> memref<1x16x32xf32, #tpu.memory_space<hbm>>
        %dma_start3A_222 = tpu.memref_squeeze %dma_start3A_221 : memref<1x16x32xf32, #tpu.memory_space<hbm>> -> memref<16x32xf32, #tpu.memory_space<hbm>>
        %dma_start3A_223 = arith.constant 0 : i32
        %dma_start3A_224 = arith.constant 0 : i32
        %dma_start3A_225 = tpu.memref_slice %arg4[%run_scoped3A_180, %dma_start3A_223, %dma_start3A_224] : memref<4x16x32xf32, #tpu.memory_space<vmem>> -> memref<1x16x32xf32, #tpu.memory_space<vmem>>
        %dma_start3A_226 = tpu.memref_squeeze %dma_start3A_225 : memref<1x16x32xf32, #tpu.memory_space<vmem>> -> memref<16x32xf32, #tpu.memory_space<vmem>>
        %dma_start3A_227 = arith.constant 0 : i32
        %dma_start3A_228 = tpu.memref_slice %arg2[%run_scoped3A_179, %add3A_14, %dma_start3A_227] : memref<20x16384x32xf32, #tpu.memory_space<hbm>> -> memref<1x16x32xf32, #tpu.memory_space<hbm>>
        %dma_start3A_229 = tpu.memref_squeeze %dma_start3A_228 : memref<1x16x32xf32, #tpu.memory_space<hbm>> -> memref<16x32xf32, #tpu.memory_space<hbm>>
        tpu.enqueue_dma source(%dma_start3A_229 : memref<16x32xf32, #tpu.memory_space<hbm>>) target(%dma_start3A_226 : memref<16x32xf32, #tpu.memory_space<vmem>>) target_semaphore(%run_scoped3A_216 : memref<!tpu.dma_semaphore, #tpu.memory_space<semaphore_mem>>)
        %dma_wait3A = arith.constant 0 : i32
        %dma_wait3A_230 = arith.constant 0 : i32
        %dma_wait3A_231 = tpu.memref_slice %arg4[%run_scoped3A_180, %dma_wait3A, %dma_wait3A_230] : memref<4x16x32xf32, #tpu.memory_space<vmem>> -> memref<1x16x32xf32, #tpu.memory_space<vmem>>
        %dma_wait3A_232 = tpu.memref_squeeze %dma_wait3A_231 : memref<1x16x32xf32, #tpu.memory_space<vmem>> -> memref<16x32xf32, #tpu.memory_space<vmem>>
        %dma_wait3A_233 = arith.constant 0 : i32
        %dma_wait3A_234 = tpu.memref_slice %arg2[%run_scoped3A_179, %add3A_14, %dma_wait3A_233] : memref<20x16384x32xf32, #tpu.memory_space<hbm>> -> memref<1x16x32xf32, #tpu.memory_space<hbm>>
        %dma_wait3A_235 = tpu.memref_squeeze %dma_wait3A_234 : memref<1x16x32xf32, #tpu.memory_space<hbm>> -> memref<16x32xf32, #tpu.memory_space<hbm>>
        %dma_wait3A_236 = arith.constant 0 : i32
        %dma_wait3A_237 = arith.constant 0 : i32
        %dma_wait3A_238 = tpu.memref_slice %arg4[%run_scoped3A_180, %dma_wait3A_236, %dma_wait3A_237] : memref<4x16x32xf32, #tpu.memory_space<vmem>> -> memref<1x16x32xf32, #tpu.memory_space<vmem>>
        %dma_wait3A_239 = tpu.memref_squeeze %dma_wait3A_238 : memref<1x16x32xf32, #tpu.memory_space<vmem>> -> memref<16x32xf32, #tpu.memory_space<vmem>>
        %dma_wait3A_240 = arith.constant 0 : i32
        %dma_wait3A_241 = tpu.memref_slice %arg2[%run_scoped3A_179, %add3A_14, %dma_wait3A_240] : memref<20x16384x32xf32, #tpu.memory_space<hbm>> -> memref<1x16x32xf32, #tpu.memory_space<hbm>>
        %dma_wait3A_242 = tpu.memref_squeeze %dma_wait3A_241 : memref<1x16x32xf32, #tpu.memory_space<hbm>> -> memref<16x32xf32, #tpu.memory_space<hbm>>
        tpu.wait_dma2 semaphore(%run_scoped3A_216 : memref<!tpu.dma_semaphore, #tpu.memory_space<semaphore_mem>>) src(%dma_wait3A_242 : memref<16x32xf32, #tpu.memory_space<hbm>>) dst(%dma_wait3A_239 : memref<16x32xf32, #tpu.memory_space<vmem>>)
        tpu.yield
      }) : () -> ()
      %run_scoped3A_181 = arith.constant 19 : i32
      %run_scoped3A_182 = arith.constant 3 : i32
      "tpu.region"() ({
        %run_scoped3A_216 = tpu.sem_alloc : memref<!tpu.dma_semaphore, #tpu.memory_space<semaphore_mem>>
        %dma_start3A = arith.constant 0 : i32
        %dma_start3A_217 = arith.constant 0 : i32
        %dma_start3A_218 = tpu.memref_slice %arg4[%run_scoped3A_182, %dma_start3A, %dma_start3A_217] : memref<4x16x32xf32, #tpu.memory_space<vmem>> -> memref<1x16x32xf32, #tpu.memory_space<vmem>>
        %dma_start3A_219 = tpu.memref_squeeze %dma_start3A_218 : memref<1x16x32xf32, #tpu.memory_space<vmem>> -> memref<16x32xf32, #tpu.memory_space<vmem>>
        %dma_start3A_220 = arith.constant 0 : i32
        %dma_start3A_221 = tpu.memref_slice %arg2[%run_scoped3A_181, %add3A_14, %dma_start3A_220] : memref<20x16384x32xf32, #tpu.memory_space<hbm>> -> memref<1x16x32xf32, #tpu.memory_space<hbm>>
        %dma_start3A_222 = tpu.memref_squeeze %dma_start3A_221 : memref<1x16x32xf32, #tpu.memory_space<hbm>> -> memref<16x32xf32, #tpu.memory_space<hbm>>
        %dma_start3A_223 = arith.constant 0 : i32
        %dma_start3A_224 = arith.constant 0 : i32
        %dma_start3A_225 = tpu.memref_slice %arg4[%run_scoped3A_182, %dma_start3A_223, %dma_start3A_224] : memref<4x16x32xf32, #tpu.memory_space<vmem>> -> memref<1x16x32xf32, #tpu.memory_space<vmem>>
        %dma_start3A_226 = tpu.memref_squeeze %dma_start3A_225 : memref<1x16x32xf32, #tpu.memory_space<vmem>> -> memref<16x32xf32, #tpu.memory_space<vmem>>
        %dma_start3A_227 = arith.constant 0 : i32
        %dma_start3A_228 = tpu.memref_slice %arg2[%run_scoped3A_181, %add3A_14, %dma_start3A_227] : memref<20x16384x32xf32, #tpu.memory_space<hbm>> -> memref<1x16x32xf32, #tpu.memory_space<hbm>>
        %dma_start3A_229 = tpu.memref_squeeze %dma_start3A_228 : memref<1x16x32xf32, #tpu.memory_space<hbm>> -> memref<16x32xf32, #tpu.memory_space<hbm>>
        tpu.enqueue_dma source(%dma_start3A_229 : memref<16x32xf32, #tpu.memory_space<hbm>>) target(%dma_start3A_226 : memref<16x32xf32, #tpu.memory_space<vmem>>) target_semaphore(%run_scoped3A_216 : memref<!tpu.dma_semaphore, #tpu.memory_space<semaphore_mem>>)
        %dma_wait3A = arith.constant 0 : i32
        %dma_wait3A_230 = arith.constant 0 : i32
        %dma_wait3A_231 = tpu.memref_slice %arg4[%run_scoped3A_182, %dma_wait3A, %dma_wait3A_230] : memref<4x16x32xf32, #tpu.memory_space<vmem>> -> memref<1x16x32xf32, #tpu.memory_space<vmem>>
        %dma_wait3A_232 = tpu.memref_squeeze %dma_wait3A_231 : memref<1x16x32xf32, #tpu.memory_space<vmem>> -> memref<16x32xf32, #tpu.memory_space<vmem>>
        %dma_wait3A_233 = arith.constant 0 : i32
        %dma_wait3A_234 = tpu.memref_slice %arg2[%run_scoped3A_181, %add3A_14, %dma_wait3A_233] : memref<20x16384x32xf32, #tpu.memory_space<hbm>> -> memref<1x16x32xf32, #tpu.memory_space<hbm>>
        %dma_wait3A_235 = tpu.memref_squeeze %dma_wait3A_234 : memref<1x16x32xf32, #tpu.memory_space<hbm>> -> memref<16x32xf32, #tpu.memory_space<hbm>>
        %dma_wait3A_236 = arith.constant 0 : i32
        %dma_wait3A_237 = arith.constant 0 : i32
        %dma_wait3A_238 = tpu.memref_slice %arg4[%run_scoped3A_182, %dma_wait3A_236, %dma_wait3A_237] : memref<4x16x32xf32, #tpu.memory_space<vmem>> -> memref<1x16x32xf32, #tpu.memory_space<vmem>>
        %dma_wait3A_239 = tpu.memref_squeeze %dma_wait3A_238 : memref<1x16x32xf32, #tpu.memory_space<vmem>> -> memref<16x32xf32, #tpu.memory_space<vmem>>
        %dma_wait3A_240 = arith.constant 0 : i32
        %dma_wait3A_241 = tpu.memref_slice %arg2[%run_scoped3A_181, %add3A_14, %dma_wait3A_240] : memref<20x16384x32xf32, #tpu.memory_space<hbm>> -> memref<1x16x32xf32, #tpu.memory_space<hbm>>
        %dma_wait3A_242 = tpu.memref_squeeze %dma_wait3A_241 : memref<1x16x32xf32, #tpu.memory_space<hbm>> -> memref<16x32xf32, #tpu.memory_space<hbm>>
        tpu.wait_dma2 semaphore(%run_scoped3A_216 : memref<!tpu.dma_semaphore, #tpu.memory_space<semaphore_mem>>) src(%dma_wait3A_242 : memref<16x32xf32, #tpu.memory_space<hbm>>) dst(%dma_wait3A_239 : memref<16x32xf32, #tpu.memory_space<vmem>>)
        tpu.yield
      }) : () -> ()
      %get3A_183 = arith.constant 0 : i32
      %get3A_184 = arith.index_cast %get3A_183 : i32 to index
      %get3A_185 = arith.constant 0 : index
      %get3A_186 = arith.constant 0 : index
      %get3A_187 = tpu.vector_load %arg4[%get3A_184, %get3A_185, %get3A_186] {strides = array<i32>} : memref<4x16x32xf32, #tpu.memory_space<vmem>>, vector<1x16x32xf32>,
      %get3A_188 = vector.shape_cast %get3A_187 : vector<1x16x32xf32> to vector<16x32xf32>
      %get3A_189 = arith.constant 1 : i32
      %get3A_190 = arith.index_cast %get3A_189 : i32 to index
      %get3A_191 = arith.constant 0 : index
      %get3A_192 = arith.constant 0 : index
      %get3A_193 = tpu.vector_load %arg4[%get3A_190, %get3A_191, %get3A_192] {strides = array<i32>} : memref<4x16x32xf32, #tpu.memory_space<vmem>>, vector<1x16x32xf32>,
      %get3A_194 = vector.shape_cast %get3A_193 : vector<1x16x32xf32> to vector<16x32xf32>
      %max3A_195 = arith.maximumf %get3A_188, %get3A_194 : vector<16x32xf32>
      %get3A_196 = arith.constant 2 : i32
      %get3A_197 = arith.index_cast %get3A_196 : i32 to index
      %get3A_198 = arith.constant 0 : index
      %get3A_199 = arith.constant 0 : index
      %get3A_200 = tpu.vector_load %arg4[%get3A_197, %get3A_198, %get3A_199] {strides = array<i32>} : memref<4x16x32xf32, #tpu.memory_space<vmem>>, vector<1x16x32xf32>,
      %get3A_201 = vector.shape_cast %get3A_200 : vector<1x16x32xf32> to vector<16x32xf32>
      %get3A_202 = arith.constant 3 : i32
      %get3A_203 = arith.index_cast %get3A_202 : i32 to index
      %get3A_204 = arith.constant 0 : index
      %get3A_205 = arith.constant 0 : index
      %get3A_206 = tpu.vector_load %arg4[%get3A_203, %get3A_204, %get3A_205] {strides = array<i32>} : memref<4x16x32xf32, #tpu.memory_space<vmem>>, vector<1x16x32xf32>,
      %get3A_207 = vector.shape_cast %get3A_206 : vector<1x16x32xf32> to vector<16x32xf32>
      %max3A_208 = arith.maximumf %get3A_201, %get3A_207 : vector<16x32xf32>
      %max3A_209 = arith.maximumf %max3A_195, %max3A_208 : vector<16x32xf32>
      %swap3A_210 = arith.constant 0 : index
      %swap3A_211 = arith.constant 0 : index
      %swap3A_212 = tpu.vector_load %arg5[%swap3A_210, %swap3A_211] {strides = array<i32>} : memref<16x32xf32, #tpu.memory_space<vmem>>, vector<16x32xf32>,
      %swap3A_213 = vector.shape_cast %swap3A_212 : vector<16x32xf32> to vector<16x32xf32>
      %swap3A_214 = vector.shape_cast %max3A_209 : vector<16x32xf32> to vector<16x32xf32>
      tpu.vector_store %arg5[%swap3A_210, %swap3A_211], %swap3A_214 {strides = array<i32>} : memref<16x32xf32, #tpu.memory_space<vmem>>, vector<16x32xf32>,
      %run_scoped3A_215 = arith.constant 4 : i32
      "tpu.region"() ({
        %run_scoped3A_216 = tpu.sem_alloc : memref<!tpu.dma_semaphore, #tpu.memory_space<semaphore_mem>>
        %dma_start3A = arith.constant 0 : i32
        %dma_start3A_217 = tpu.memref_slice %arg3[%run_scoped3A_215, %add3A_14, %dma_start3A] : memref<5x16384x32xf32, #tpu.memory_space<hbm>> -> memref<1x16x32xf32, #tpu.memory_space<hbm>>
        %dma_start3A_218 = tpu.memref_squeeze %dma_start3A_217 : memref<1x16x32xf32, #tpu.memory_space<hbm>> -> memref<16x32xf32, #tpu.memory_space<hbm>>
        %dma_start3A_219 = arith.constant 0 : i32
        %dma_start3A_220 = tpu.memref_slice %arg3[%run_scoped3A_215, %add3A_14, %dma_start3A_219] : memref<5x16384x32xf32, #tpu.memory_space<hbm>> -> memref<1x16x32xf32, #tpu.memory_space<hbm>>
        %dma_start3A_221 = tpu.memref_squeeze %dma_start3A_220 : memref<1x16x32xf32, #tpu.memory_space<hbm>> -> memref<16x32xf32, #tpu.memory_space<hbm>>
        tpu.enqueue_dma source(%arg5 : memref<16x32xf32, #tpu.memory_space<vmem>>) target(%dma_start3A_221 : memref<16x32xf32, #tpu.memory_space<hbm>>) target_semaphore(%run_scoped3A_216 : memref<!tpu.dma_semaphore, #tpu.memory_space<semaphore_mem>>)
        %dma_wait3A = arith.constant 0 : i32
        %dma_wait3A_222 = tpu.memref_slice %arg3[%run_scoped3A_215, %add3A_14, %dma_wait3A] : memref<5x16384x32xf32, #tpu.memory_space<hbm>> -> memref<1x16x32xf32, #tpu.memory_space<hbm>>
        %dma_wait3A_223 = tpu.memref_squeeze %dma_wait3A_222 : memref<1x16x32xf32, #tpu.memory_space<hbm>> -> memref<16x32xf32, #tpu.memory_space<hbm>>
        %dma_wait3A_224 = arith.constant 0 : i32
        %dma_wait3A_225 = tpu.memref_slice %arg3[%run_scoped3A_215, %add3A_14, %dma_wait3A_224] : memref<5x16384x32xf32, #tpu.memory_space<hbm>> -> memref<1x16x32xf32, #tpu.memory_space<hbm>>
        %dma_wait3A_226 = tpu.memref_squeeze %dma_wait3A_225 : memref<1x16x32xf32, #tpu.memory_space<hbm>> -> memref<16x32xf32, #tpu.memory_space<hbm>>
        tpu.wait_dma2 semaphore(%run_scoped3A_216 : memref<!tpu.dma_semaphore, #tpu.memory_space<semaphore_mem>>) src(%arg5 : memref<16x32xf32, #tpu.memory_space<vmem>>) dst(%dma_wait3A_226 : memref<16x32xf32, #tpu.memory_space<hbm>>)
        tpu.yield
      }) : () -> ()
    }
    %scan3A_6 = arith.constant 32 : i32
    return
  }
}

module attributes {stable_mosaic.version = 14 : i64} {
  func.func @_mlp_kernel(%arg0: i32, %arg1: memref<2048x85xf32, #tpu.memory_space<vmem>>, %arg2: memref<5x2048x32xf32, #tpu.memory_space<vmem>>, %arg3: memref<57x256xf32, #tpu.memory_space<vmem>>, %arg4: memref<1x256xf32, #tpu.memory_space<vmem>>, %arg5: memref<256x64xf32, #tpu.memory_space<vmem>>, %arg6: memref<1x64xf32, #tpu.memory_space<vmem>>, %arg7: memref<64x256xf32, #tpu.memory_space<vmem>>, %arg8: memref<1x256xf32, #tpu.memory_space<vmem>>, %arg9: memref<256x4xf32, #tpu.memory_space<vmem>>, %arg10: memref<1x4xf32, #tpu.memory_space<vmem>>, %arg11: memref<256x4xf32, #tpu.memory_space<vmem>>, %arg12: memref<1x4xf32, #tpu.memory_space<vmem>>, %arg13: memref<2048x4xf32, #tpu.memory_space<vmem>>, %arg14: memref<2048x4xf32, #tpu.memory_space<vmem>>) attributes {dimension_semantics = [#tpu.dimension_semantics<arbitrary>], iteration_bounds = array<i64: 8>, scalar_prefetch = 0 : i64, scratch_operands = 0 : i64, tpu.core_type = #tpu.core_type<tc>, window_params = [{transform_indices = @transform_0, window_bounds = array<i64: 2048, 85>}, {transform_indices = @transform_1, window_bounds = array<i64: 5, 2048, 32>}, {pipeline_mode = #tpu.pipeline_mode<synchronous>, transform_indices = @transform_2, window_bounds = array<i64: 57, 256>}, {pipeline_mode = #tpu.pipeline_mode<synchronous>, transform_indices = @transform_3, window_bounds = array<i64: 1, 256>}, {pipeline_mode = #tpu.pipeline_mode<synchronous>, transform_indices = @transform_4, window_bounds = array<i64: 256, 64>}, {pipeline_mode = #tpu.pipeline_mode<synchronous>, transform_indices = @transform_5, window_bounds = array<i64: 1, 64>}, {pipeline_mode = #tpu.pipeline_mode<synchronous>, transform_indices = @transform_6, window_bounds = array<i64: 64, 256>}, {pipeline_mode = #tpu.pipeline_mode<synchronous>, transform_indices = @transform_7, window_bounds = array<i64: 1, 256>}, {pipeline_mode = #tpu.pipeline_mode<synchronous>, transform_indices = @transform_8, window_bounds = array<i64: 256, 4>}, {pipeline_mode = #tpu.pipeline_mode<synchronous>, transform_indices = @transform_9, window_bounds = array<i64: 1, 4>}, {pipeline_mode = #tpu.pipeline_mode<synchronous>, transform_indices = @transform_10, window_bounds = array<i64: 256, 4>}, {pipeline_mode = #tpu.pipeline_mode<synchronous>, transform_indices = @transform_11, window_bounds = array<i64: 1, 4>}, {transform_indices = @transform_12, window_bounds = array<i64: 2048, 4>}, {transform_indices = @transform_13, window_bounds = array<i64: 2048, 4>}]} {
    %get3A = arith.constant 0 : index
    %get3A_0 = arith.constant 0 : index
    %get3A_1 = vector.load %arg1[%get3A, %get3A_0] : memref<2048x85xf32, #tpu.memory_space<vmem>>, vector<2048x10xf32>
    %get3A_2 = arith.constant 0 : index
    %get3A_3 = arith.constant 0 : index
    %get3A_4 = vector.load %arg3[%get3A_2, %get3A_3] : memref<57x256xf32, #tpu.memory_space<vmem>>, vector<10x256xf32>
    %dot_general3A = arith.constant dense<0.000000e+00> : vector<2048x256xf32>
    %dot_general3A_5 = tpu.matmul %get3A_1, %get3A_4, %dot_general3A {dimension_numbers = #tpu.dot_dimension_numbers<[1], [0], [0], [1], [0, 0, 1, 1], [], []>, transpose_lhs_hint = false} : vector<2048x10xf32>, vector<10x256xf32>, vector<2048x256xf32> -> vector<2048x256xf32>
    %get3A_6 = arith.constant 0 : index
    %get3A_7 = arith.constant 0 : index
    %get3A_8 = vector.load %arg4[%get3A_6, %get3A_7] : memref<1x256xf32, #tpu.memory_space<vmem>>, vector<1x256xf32>
    %get3A_9 = vector.shape_cast %get3A_8 : vector<1x256xf32> to vector<256xf32>
    %broadcast_in_dim3A = vector.shape_cast %get3A_9 : vector<256xf32> to vector<1x256xf32>
    %add3A = vector.broadcast %broadcast_in_dim3A : vector<1x256xf32> to vector<2048x256xf32>
    %add3A_10 = arith.addf %dot_general3A_5, %add3A : vector<2048x256xf32>
    %get3A_11 = arith.constant 10 : index
    %get3A_12 = arith.constant 0 : index
    %get3A_13 = vector.load %arg3[%get3A_11, %get3A_12] : memref<57x256xf32, #tpu.memory_space<vmem>>, vector<15x256xf32>
    %get3A_14 = arith.constant 25 : index
    %get3A_15 = arith.constant 0 : index
    %get3A_16 = vector.load %arg3[%get3A_14, %get3A_15] : memref<57x256xf32, #tpu.memory_space<vmem>>, vector<32x256xf32>
    %get3A_17 = arith.constant 0 : index
    %get3A_18 = arith.constant 0 : index
    %get3A_19 = vector.load %arg5[%get3A_17, %get3A_18] : memref<256x64xf32, #tpu.memory_space<vmem>>, vector<256x64xf32>
    %get3A_20 = arith.constant 0 : index
    %get3A_21 = arith.constant 0 : index
    %get3A_22 = vector.load %arg6[%get3A_20, %get3A_21] : memref<1x64xf32, #tpu.memory_space<vmem>>, vector<1x64xf32>
    %get3A_23 = vector.shape_cast %get3A_22 : vector<1x64xf32> to vector<64xf32>
    %broadcast_in_dim3A_24 = arith.constant 0.000000e+00 : f32
    %broadcast_in_dim3A_25 = vector.broadcast %broadcast_in_dim3A_24 : f32 to vector<2048x64xf32>
    %get3A_26 = arith.constant 0 : index
    %get3A_27 = arith.constant 10 : index
    %get3A_28 = vector.load %arg1[%get3A_26, %get3A_27] : memref<2048x85xf32, #tpu.memory_space<vmem>>, vector<2048x15xf32>
    %dot_general3A_29 = arith.constant dense<0.000000e+00> : vector<2048x256xf32>
    %dot_general3A_30 = tpu.matmul %get3A_28, %get3A_13, %dot_general3A_29 {dimension_numbers = #tpu.dot_dimension_numbers<[1], [0], [0], [1], [0, 0, 1, 1], [], []>, transpose_lhs_hint = false} : vector<2048x15xf32>, vector<15x256xf32>, vector<2048x256xf32> -> vector<2048x256xf32>
    %add3A_31 = arith.addf %add3A_10, %dot_general3A_30 : vector<2048x256xf32>
    %get3A_32 = arith.constant 0 : index
    %get3A_33 = arith.constant 0 : index
    %get3A_34 = arith.constant 0 : index
    %get3A_35 = vector.load %arg2[%get3A_32, %get3A_33, %get3A_34] : memref<5x2048x32xf32, #tpu.memory_space<vmem>>, vector<1x2048x32xf32>
    %get3A_36 = vector.shape_cast %get3A_35 : vector<1x2048x32xf32> to vector<2048x32xf32>
    %dot_general3A_37 = arith.constant dense<0.000000e+00> : vector<2048x256xf32>
    %dot_general3A_38 = tpu.matmul %get3A_36, %get3A_16, %dot_general3A_37 {dimension_numbers = #tpu.dot_dimension_numbers<[1], [0], [0], [1], [0, 0, 1, 1], [], []>, transpose_lhs_hint = false} : vector<2048x32xf32>, vector<32x256xf32>, vector<2048x256xf32> -> vector<2048x256xf32>
    %add3A_39 = arith.addf %add3A_31, %dot_general3A_38 : vector<2048x256xf32>
    %max3A = arith.constant 0.000000e+00 : f32
    %max3A_40 = vector.broadcast %max3A : f32 to vector<2048x256xf32>
    %max3A_41 = arith.maximumf %add3A_39, %max3A_40 : vector<2048x256xf32>
    %dot_general3A_42 = arith.constant dense<0.000000e+00> : vector<2048x64xf32>
    %dot_general3A_43 = tpu.matmul %max3A_41, %get3A_19, %dot_general3A_42 {dimension_numbers = #tpu.dot_dimension_numbers<[1], [0], [0], [1], [0, 0, 1, 1], [], []>, transpose_lhs_hint = false} : vector<2048x256xf32>, vector<256x64xf32>, vector<2048x64xf32> -> vector<2048x64xf32>
    %broadcast_in_dim3A_44 = vector.shape_cast %get3A_23 : vector<64xf32> to vector<1x64xf32>
    %add3A_45 = vector.broadcast %broadcast_in_dim3A_44 : vector<1x64xf32> to vector<2048x64xf32>
    %add3A_46 = arith.addf %dot_general3A_43, %add3A_45 : vector<2048x64xf32>
    %max3A_47 = arith.constant 0.000000e+00 : f32
    %max3A_48 = vector.broadcast %max3A_47 : f32 to vector<2048x64xf32>
    %max3A_49 = arith.maximumf %add3A_46, %max3A_48 : vector<2048x64xf32>
    %add3A_50 = arith.addf %broadcast_in_dim3A_25, %max3A_49 : vector<2048x64xf32>
    %get3A_51 = arith.constant 0 : index
    %get3A_52 = arith.constant 25 : index
    %get3A_53 = vector.load %arg1[%get3A_51, %get3A_52] : memref<2048x85xf32, #tpu.memory_space<vmem>>, vector<2048x15xf32>
    %dot_general3A_54 = arith.constant dense<0.000000e+00> : vector<2048x256xf32>
    %dot_general3A_55 = tpu.matmul %get3A_53, %get3A_13, %dot_general3A_54 {dimension_numbers = #tpu.dot_dimension_numbers<[1], [0], [0], [1], [0, 0, 1, 1], [], []>, transpose_lhs_hint = false} : vector<2048x15xf32>, vector<15x256xf32>, vector<2048x256xf32> -> vector<2048x256xf32>
    %add3A_56 = arith.addf %add3A_10, %dot_general3A_55 : vector<2048x256xf32>
    %get3A_57 = arith.constant 1 : index
    %get3A_58 = arith.constant 0 : index
    %get3A_59 = arith.constant 0 : index
    %get3A_60 = vector.load %arg2[%get3A_57, %get3A_58, %get3A_59] : memref<5x2048x32xf32, #tpu.memory_space<vmem>>, vector<1x2048x32xf32>
    %get3A_61 = vector.shape_cast %get3A_60 : vector<1x2048x32xf32> to vector<2048x32xf32>
    %dot_general3A_62 = arith.constant dense<0.000000e+00> : vector<2048x256xf32>
    %dot_general3A_63 = tpu.matmul %get3A_61, %get3A_16, %dot_general3A_62 {dimension_numbers = #tpu.dot_dimension_numbers<[1], [0], [0], [1], [0, 0, 1, 1], [], []>, transpose_lhs_hint = false} : vector<2048x32xf32>, vector<32x256xf32>, vector<2048x256xf32> -> vector<2048x256xf32>
    %add3A_64 = arith.addf %add3A_56, %dot_general3A_63 : vector<2048x256xf32>
    %max3A_65 = arith.constant 0.000000e+00 : f32
    %max3A_66 = vector.broadcast %max3A_65 : f32 to vector<2048x256xf32>
    %max3A_67 = arith.maximumf %add3A_64, %max3A_66 : vector<2048x256xf32>
    %dot_general3A_68 = arith.constant dense<0.000000e+00> : vector<2048x64xf32>
    %dot_general3A_69 = tpu.matmul %max3A_67, %get3A_19, %dot_general3A_68 {dimension_numbers = #tpu.dot_dimension_numbers<[1], [0], [0], [1], [0, 0, 1, 1], [], []>, transpose_lhs_hint = false} : vector<2048x256xf32>, vector<256x64xf32>, vector<2048x64xf32> -> vector<2048x64xf32>
    %broadcast_in_dim3A_70 = vector.shape_cast %get3A_23 : vector<64xf32> to vector<1x64xf32>
    %add3A_71 = vector.broadcast %broadcast_in_dim3A_70 : vector<1x64xf32> to vector<2048x64xf32>
    %add3A_72 = arith.addf %dot_general3A_69, %add3A_71 : vector<2048x64xf32>
    %max3A_73 = arith.constant 0.000000e+00 : f32
    %max3A_74 = vector.broadcast %max3A_73 : f32 to vector<2048x64xf32>
    %max3A_75 = arith.maximumf %add3A_72, %max3A_74 : vector<2048x64xf32>
    %add3A_76 = arith.addf %add3A_50, %max3A_75 : vector<2048x64xf32>
    %get3A_77 = arith.constant 0 : index
    %get3A_78 = arith.constant 40 : index
    %get3A_79 = vector.load %arg1[%get3A_77, %get3A_78] : memref<2048x85xf32, #tpu.memory_space<vmem>>, vector<2048x15xf32>
    %dot_general3A_80 = arith.constant dense<0.000000e+00> : vector<2048x256xf32>
    %dot_general3A_81 = tpu.matmul %get3A_79, %get3A_13, %dot_general3A_80 {dimension_numbers = #tpu.dot_dimension_numbers<[1], [0], [0], [1], [0, 0, 1, 1], [], []>, transpose_lhs_hint = false} : vector<2048x15xf32>, vector<15x256xf32>, vector<2048x256xf32> -> vector<2048x256xf32>
    %add3A_82 = arith.addf %add3A_10, %dot_general3A_81 : vector<2048x256xf32>
    %get3A_83 = arith.constant 2 : index
    %get3A_84 = arith.constant 0 : index
    %get3A_85 = arith.constant 0 : index
    %get3A_86 = vector.load %arg2[%get3A_83, %get3A_84, %get3A_85] : memref<5x2048x32xf32, #tpu.memory_space<vmem>>, vector<1x2048x32xf32>
    %get3A_87 = vector.shape_cast %get3A_86 : vector<1x2048x32xf32> to vector<2048x32xf32>
    %dot_general3A_88 = arith.constant dense<0.000000e+00> : vector<2048x256xf32>
    %dot_general3A_89 = tpu.matmul %get3A_87, %get3A_16, %dot_general3A_88 {dimension_numbers = #tpu.dot_dimension_numbers<[1], [0], [0], [1], [0, 0, 1, 1], [], []>, transpose_lhs_hint = false} : vector<2048x32xf32>, vector<32x256xf32>, vector<2048x256xf32> -> vector<2048x256xf32>
    %add3A_90 = arith.addf %add3A_82, %dot_general3A_89 : vector<2048x256xf32>
    %max3A_91 = arith.constant 0.000000e+00 : f32
    %max3A_92 = vector.broadcast %max3A_91 : f32 to vector<2048x256xf32>
    %max3A_93 = arith.maximumf %add3A_90, %max3A_92 : vector<2048x256xf32>
    %dot_general3A_94 = arith.constant dense<0.000000e+00> : vector<2048x64xf32>
    %dot_general3A_95 = tpu.matmul %max3A_93, %get3A_19, %dot_general3A_94 {dimension_numbers = #tpu.dot_dimension_numbers<[1], [0], [0], [1], [0, 0, 1, 1], [], []>, transpose_lhs_hint = false} : vector<2048x256xf32>, vector<256x64xf32>, vector<2048x64xf32> -> vector<2048x64xf32>
    %broadcast_in_dim3A_96 = vector.shape_cast %get3A_23 : vector<64xf32> to vector<1x64xf32>
    %add3A_97 = vector.broadcast %broadcast_in_dim3A_96 : vector<1x64xf32> to vector<2048x64xf32>
    %add3A_98 = arith.addf %dot_general3A_95, %add3A_97 : vector<2048x64xf32>
    %max3A_99 = arith.constant 0.000000e+00 : f32
    %max3A_100 = vector.broadcast %max3A_99 : f32 to vector<2048x64xf32>
    %max3A_101 = arith.maximumf %add3A_98, %max3A_100 : vector<2048x64xf32>
    %add3A_102 = arith.addf %add3A_76, %max3A_101 : vector<2048x64xf32>
    %get3A_103 = arith.constant 0 : index
    %get3A_104 = arith.constant 55 : index
    %get3A_105 = vector.load %arg1[%get3A_103, %get3A_104] : memref<2048x85xf32, #tpu.memory_space<vmem>>, vector<2048x15xf32>
    %dot_general3A_106 = arith.constant dense<0.000000e+00> : vector<2048x256xf32>
    %dot_general3A_107 = tpu.matmul %get3A_105, %get3A_13, %dot_general3A_106 {dimension_numbers = #tpu.dot_dimension_numbers<[1], [0], [0], [1], [0, 0, 1, 1], [], []>, transpose_lhs_hint = false} : vector<2048x15xf32>, vector<15x256xf32>, vector<2048x256xf32> -> vector<2048x256xf32>
    %add3A_108 = arith.addf %add3A_10, %dot_general3A_107 : vector<2048x256xf32>
    %get3A_109 = arith.constant 3 : index
    %get3A_110 = arith.constant 0 : index
    %get3A_111 = arith.constant 0 : index
    %get3A_112 = vector.load %arg2[%get3A_109, %get3A_110, %get3A_111] : memref<5x2048x32xf32, #tpu.memory_space<vmem>>, vector<1x2048x32xf32>
    %get3A_113 = vector.shape_cast %get3A_112 : vector<1x2048x32xf32> to vector<2048x32xf32>
    %dot_general3A_114 = arith.constant dense<0.000000e+00> : vector<2048x256xf32>
    %dot_general3A_115 = tpu.matmul %get3A_113, %get3A_16, %dot_general3A_114 {dimension_numbers = #tpu.dot_dimension_numbers<[1], [0], [0], [1], [0, 0, 1, 1], [], []>, transpose_lhs_hint = false} : vector<2048x32xf32>, vector<32x256xf32>, vector<2048x256xf32> -> vector<2048x256xf32>
    %add3A_116 = arith.addf %add3A_108, %dot_general3A_115 : vector<2048x256xf32>
    %max3A_117 = arith.constant 0.000000e+00 : f32
    %max3A_118 = vector.broadcast %max3A_117 : f32 to vector<2048x256xf32>
    %max3A_119 = arith.maximumf %add3A_116, %max3A_118 : vector<2048x256xf32>
    %dot_general3A_120 = arith.constant dense<0.000000e+00> : vector<2048x64xf32>
    %dot_general3A_121 = tpu.matmul %max3A_119, %get3A_19, %dot_general3A_120 {dimension_numbers = #tpu.dot_dimension_numbers<[1], [0], [0], [1], [0, 0, 1, 1], [], []>, transpose_lhs_hint = false} : vector<2048x256xf32>, vector<256x64xf32>, vector<2048x64xf32> -> vector<2048x64xf32>
    %broadcast_in_dim3A_122 = vector.shape_cast %get3A_23 : vector<64xf32> to vector<1x64xf32>
    %add3A_123 = vector.broadcast %broadcast_in_dim3A_122 : vector<1x64xf32> to vector<2048x64xf32>
    %add3A_124 = arith.addf %dot_general3A_121, %add3A_123 : vector<2048x64xf32>
    %max3A_125 = arith.constant 0.000000e+00 : f32
    %max3A_126 = vector.broadcast %max3A_125 : f32 to vector<2048x64xf32>
    %max3A_127 = arith.maximumf %add3A_124, %max3A_126 : vector<2048x64xf32>
    %add3A_128 = arith.addf %add3A_102, %max3A_127 : vector<2048x64xf32>
    %get3A_129 = arith.constant 0 : index
    %get3A_130 = arith.constant 70 : index
    %get3A_131 = vector.load %arg1[%get3A_129, %get3A_130] : memref<2048x85xf32, #tpu.memory_space<vmem>>, vector<2048x15xf32>
    %dot_general3A_132 = arith.constant dense<0.000000e+00> : vector<2048x256xf32>
    %dot_general3A_133 = tpu.matmul %get3A_131, %get3A_13, %dot_general3A_132 {dimension_numbers = #tpu.dot_dimension_numbers<[1], [0], [0], [1], [0, 0, 1, 1], [], []>, transpose_lhs_hint = false} : vector<2048x15xf32>, vector<15x256xf32>, vector<2048x256xf32> -> vector<2048x256xf32>
    %add3A_134 = arith.addf %add3A_10, %dot_general3A_133 : vector<2048x256xf32>
    %get3A_135 = arith.constant 4 : index
    %get3A_136 = arith.constant 0 : index
    %get3A_137 = arith.constant 0 : index
    %get3A_138 = vector.load %arg2[%get3A_135, %get3A_136, %get3A_137] : memref<5x2048x32xf32, #tpu.memory_space<vmem>>, vector<1x2048x32xf32>
    %get3A_139 = vector.shape_cast %get3A_138 : vector<1x2048x32xf32> to vector<2048x32xf32>
    %dot_general3A_140 = arith.constant dense<0.000000e+00> : vector<2048x256xf32>
    %dot_general3A_141 = tpu.matmul %get3A_139, %get3A_16, %dot_general3A_140 {dimension_numbers = #tpu.dot_dimension_numbers<[1], [0], [0], [1], [0, 0, 1, 1], [], []>, transpose_lhs_hint = false} : vector<2048x32xf32>, vector<32x256xf32>, vector<2048x256xf32> -> vector<2048x256xf32>
    %add3A_142 = arith.addf %add3A_134, %dot_general3A_141 : vector<2048x256xf32>
    %max3A_143 = arith.constant 0.000000e+00 : f32
    %max3A_144 = vector.broadcast %max3A_143 : f32 to vector<2048x256xf32>
    %max3A_145 = arith.maximumf %add3A_142, %max3A_144 : vector<2048x256xf32>
    %dot_general3A_146 = arith.constant dense<0.000000e+00> : vector<2048x64xf32>
    %dot_general3A_147 = tpu.matmul %max3A_145, %get3A_19, %dot_general3A_146 {dimension_numbers = #tpu.dot_dimension_numbers<[1], [0], [0], [1], [0, 0, 1, 1], [], []>, transpose_lhs_hint = false} : vector<2048x256xf32>, vector<256x64xf32>, vector<2048x64xf32> -> vector<2048x64xf32>
    %broadcast_in_dim3A_148 = vector.shape_cast %get3A_23 : vector<64xf32> to vector<1x64xf32>
    %add3A_149 = vector.broadcast %broadcast_in_dim3A_148 : vector<1x64xf32> to vector<2048x64xf32>
    %add3A_150 = arith.addf %dot_general3A_147, %add3A_149 : vector<2048x64xf32>
    %max3A_151 = arith.constant 0.000000e+00 : f32
    %max3A_152 = vector.broadcast %max3A_151 : f32 to vector<2048x64xf32>
    %max3A_153 = arith.maximumf %add3A_150, %max3A_152 : vector<2048x64xf32>
    %add3A_154 = arith.addf %add3A_128, %max3A_153 : vector<2048x64xf32>
    %get3A_155 = arith.constant 0 : index
    %get3A_156 = arith.constant 0 : index
    %get3A_157 = vector.load %arg7[%get3A_155, %get3A_156] : memref<64x256xf32, #tpu.memory_space<vmem>>, vector<64x256xf32>
    %dot_general3A_158 = arith.constant dense<0.000000e+00> : vector<2048x256xf32>
    %dot_general3A_159 = tpu.matmul %add3A_154, %get3A_157, %dot_general3A_158 {dimension_numbers = #tpu.dot_dimension_numbers<[1], [0], [0], [1], [0, 0, 1, 1], [], []>, transpose_lhs_hint = false} : vector<2048x64xf32>, vector<64x256xf32>, vector<2048x256xf32> -> vector<2048x256xf32>
    %get3A_160 = arith.constant 0 : index
    %get3A_161 = arith.constant 0 : index
    %get3A_162 = vector.load %arg8[%get3A_160, %get3A_161] : memref<1x256xf32, #tpu.memory_space<vmem>>, vector<1x256xf32>
    %get3A_163 = vector.shape_cast %get3A_162 : vector<1x256xf32> to vector<256xf32>
    %broadcast_in_dim3A_164 = vector.shape_cast %get3A_163 : vector<256xf32> to vector<1x256xf32>
    %add3A_165 = vector.broadcast %broadcast_in_dim3A_164 : vector<1x256xf32> to vector<2048x256xf32>
    %add3A_166 = arith.addf %dot_general3A_159, %add3A_165 : vector<2048x256xf32>
    %max3A_167 = arith.constant 0.000000e+00 : f32
    %max3A_168 = vector.broadcast %max3A_167 : f32 to vector<2048x256xf32>
    %max3A_169 = arith.maximumf %add3A_166, %max3A_168 : vector<2048x256xf32>
    %get3A_170 = arith.constant 0 : index
    %get3A_171 = arith.constant 0 : index
    %get3A_172 = vector.load %arg9[%get3A_170, %get3A_171] : memref<256x4xf32, #tpu.memory_space<vmem>>, vector<256x4xf32>
    %dot_general3A_173 = arith.constant dense<0.000000e+00> : vector<2048x4xf32>
    %dot_general3A_174 = tpu.matmul %max3A_169, %get3A_172, %dot_general3A_173 {dimension_numbers = #tpu.dot_dimension_numbers<[1], [0], [0], [1], [0, 0, 1, 1], [], []>, transpose_lhs_hint = false} : vector<2048x256xf32>, vector<256x4xf32>, vector<2048x4xf32> -> vector<2048x4xf32>
    %get3A_175 = arith.constant 0 : index
    %get3A_176 = arith.constant 0 : index
    %get3A_177 = vector.load %arg10[%get3A_175, %get3A_176] : memref<1x4xf32, #tpu.memory_space<vmem>>, vector<1x4xf32>
    %get3A_178 = vector.shape_cast %get3A_177 : vector<1x4xf32> to vector<4xf32>
    %broadcast_in_dim3A_179 = vector.shape_cast %get3A_178 : vector<4xf32> to vector<1x4xf32>
    %add3A_180 = vector.broadcast %broadcast_in_dim3A_179 : vector<1x4xf32> to vector<2048x4xf32>
    %add3A_181 = arith.addf %dot_general3A_174, %add3A_180 : vector<2048x4xf32>
    %swap3A = arith.constant 0 : index
    %swap3A_182 = arith.constant 0 : index
    %swap3A_183 = vector.load %arg13[%swap3A, %swap3A_182] : memref<2048x4xf32, #tpu.memory_space<vmem>>, vector<2048x4xf32>
    tpu.vector_store %arg13[%swap3A, %swap3A_182], %add3A_181 {strides = array<i32>} : memref<2048x4xf32, #tpu.memory_space<vmem>>, vector<2048x4xf32>,
    %get3A_184 = arith.constant 0 : index
    %get3A_185 = arith.constant 0 : index
    %get3A_186 = vector.load %arg11[%get3A_184, %get3A_185] : memref<256x4xf32, #tpu.memory_space<vmem>>, vector<256x4xf32>
    %dot_general3A_187 = arith.constant dense<0.000000e+00> : vector<2048x4xf32>
    %dot_general3A_188 = tpu.matmul %max3A_169, %get3A_186, %dot_general3A_187 {dimension_numbers = #tpu.dot_dimension_numbers<[1], [0], [0], [1], [0, 0, 1, 1], [], []>, transpose_lhs_hint = false} : vector<2048x256xf32>, vector<256x4xf32>, vector<2048x4xf32> -> vector<2048x4xf32>
    %get3A_189 = arith.constant 0 : index
    %get3A_190 = arith.constant 0 : index
    %get3A_191 = vector.load %arg12[%get3A_189, %get3A_190] : memref<1x4xf32, #tpu.memory_space<vmem>>, vector<1x4xf32>
    %get3A_192 = vector.shape_cast %get3A_191 : vector<1x4xf32> to vector<4xf32>
    %broadcast_in_dim3A_193 = vector.shape_cast %get3A_192 : vector<4xf32> to vector<1x4xf32>
    %add3A_194 = vector.broadcast %broadcast_in_dim3A_193 : vector<1x4xf32> to vector<2048x4xf32>
    %add3A_195 = arith.addf %dot_general3A_188, %add3A_194 : vector<2048x4xf32>
    %jit3A = arith.constant -2.000000e+01 : f32
    %jit3A_196 = arith.constant 2.000000e+00 : f32
    %max3A_197 = vector.broadcast %jit3A : f32 to vector<2048x4xf32>
    %max3A_198 = arith.maximumf %max3A_197, %add3A_195 : vector<2048x4xf32>
    %min3A = vector.broadcast %jit3A_196 : f32 to vector<2048x4xf32>
    %min3A_199 = arith.minimumf %min3A, %max3A_198 : vector<2048x4xf32>
    %swap3A_200 = arith.constant 0 : index
    %swap3A_201 = arith.constant 0 : index
    %swap3A_202 = vector.load %arg14[%swap3A_200, %swap3A_201] : memref<2048x4xf32, #tpu.memory_space<vmem>>, vector<2048x4xf32>
    tpu.vector_store %arg14[%swap3A_200, %swap3A_201], %min3A_199 {strides = array<i32>} : memref<2048x4xf32, #tpu.memory_space<vmem>>, vector<2048x4xf32>,
    return
  }
  func.func @transform_0(%arg0: i32) -> (i32, i32) {
    %c0_i32 = arith.constant 0 : i32
    %c0_i32_0 = arith.constant 0 : i32
    return %arg0, %c0_i32 : i32, i32
  }
  func.func @transform_1(%arg0: i32) -> (i32, i32, i32) {
    %c0_i32 = arith.constant 0 : i32
    %c0_i32_0 = arith.constant 0 : i32
    %c0_i32_1 = arith.constant 0 : i32
    return %c0_i32, %arg0, %c0_i32_0 : i32, i32, i32
  }
  func.func @transform_2(%arg0: i32) -> (i32, i32) {
    %c0_i32 = arith.constant 0 : i32
    %c0_i32_0 = arith.constant 0 : i32
    %c0_i32_1 = arith.constant 0 : i32
    return %c0_i32, %c0_i32_0 : i32, i32
  }
  func.func @transform_3(%arg0: i32) -> (i32, i32) {
    %c0_i32 = arith.constant 0 : i32
    %c0_i32_0 = arith.constant 0 : i32
    %c0_i32_1 = arith.constant 0 : i32
    return %c0_i32, %c0_i32_0 : i32, i32
  }
  func.func @transform_4(%arg0: i32) -> (i32, i32) {
    %c0_i32 = arith.constant 0 : i32
    %c0_i32_0 = arith.constant 0 : i32
    %c0_i32_1 = arith.constant 0 : i32
    return %c0_i32, %c0_i32_0 : i32, i32
  }
  func.func @transform_5(%arg0: i32) -> (i32, i32) {
    %c0_i32 = arith.constant 0 : i32
    %c0_i32_0 = arith.constant 0 : i32
    %c0_i32_1 = arith.constant 0 : i32
    return %c0_i32, %c0_i32_0 : i32, i32
  }
  func.func @transform_6(%arg0: i32) -> (i32, i32) {
    %c0_i32 = arith.constant 0 : i32
    %c0_i32_0 = arith.constant 0 : i32
    %c0_i32_1 = arith.constant 0 : i32
    return %c0_i32, %c0_i32_0 : i32, i32
  }
  func.func @transform_7(%arg0: i32) -> (i32, i32) {
    %c0_i32 = arith.constant 0 : i32
    %c0_i32_0 = arith.constant 0 : i32
    %c0_i32_1 = arith.constant 0 : i32
    return %c0_i32, %c0_i32_0 : i32, i32
  }
  func.func @transform_8(%arg0: i32) -> (i32, i32) {
    %c0_i32 = arith.constant 0 : i32
    %c0_i32_0 = arith.constant 0 : i32
    %c0_i32_1 = arith.constant 0 : i32
    return %c0_i32, %c0_i32_0 : i32, i32
  }
  func.func @transform_9(%arg0: i32) -> (i32, i32) {
    %c0_i32 = arith.constant 0 : i32
    %c0_i32_0 = arith.constant 0 : i32
    %c0_i32_1 = arith.constant 0 : i32
    return %c0_i32, %c0_i32_0 : i32, i32
  }
  func.func @transform_10(%arg0: i32) -> (i32, i32) {
    %c0_i32 = arith.constant 0 : i32
    %c0_i32_0 = arith.constant 0 : i32
    %c0_i32_1 = arith.constant 0 : i32
    return %c0_i32, %c0_i32_0 : i32, i32
  }
  func.func @transform_11(%arg0: i32) -> (i32, i32) {
    %c0_i32 = arith.constant 0 : i32
    %c0_i32_0 = arith.constant 0 : i32
    %c0_i32_1 = arith.constant 0 : i32
    return %c0_i32, %c0_i32_0 : i32, i32
  }
  func.func @transform_12(%arg0: i32) -> (i32, i32) {
    %c0_i32 = arith.constant 0 : i32
    %c0_i32_0 = arith.constant 0 : i32
    return %arg0, %c0_i32 : i32, i32
  }
  func.func @transform_13(%arg0: i32) -> (i32, i32) {
    %c0_i32 = arith.constant 0 : i32
    %c0_i32_0 = arith.constant 0 : i32
    return %arg0, %c0_i32 : i32, i32
  }
}

</mosaic_0001>

<sc_bundles>
// kernel: kernel.4.cloned.1.call-start
scs
__scs_entry_jumppad:
0x0: {  	(pc) =	sbr.rel $0x88, $3  }
0x1: {  	(tag) =	ssettag $0x0;
	lr =	simm.s32 $0x1  }
0x2: {  	[smem:$0x3F95] =	sst lr;
	_ =	strace $0xD0000000  }
0x3: {  	_ = 	snop  }
0x4: {  	_ = 	snop  }
0x5: {  	_ = 	snop  }
0x6: {  	_ = 	snop  }
0x7: {  	_ = 	snop  }
__scs_overlays_trampoline_lowered:
0x8: {  	[smem:$0x3FA4] =	sst s0  }
0x9: {  	[smem:$0x3FA5] =	sst s1  }
0xa: {  	[smem:$0x3FA6] =	sst s2  }
0xb: {  	[smem:$0x3FA7] =	sst s3  }
0xc: {  	[smem:$0x3FA8] =	sst s4  }
0xd: {  	[smem:$0x3FA9] =	sst s5  }
0xe: {  	[smem:$0x3FAA] =	sst s6  }
0xf: {  	[smem:$0x3FAB] =	sst s7  }
0x10: {  	[smem:$0x3FAC] =	sst s8  }
0x11: {  	[smem:$0x3FAD] =	sst s9;
	s0 =	simm.s32 @!p0 $0x0  }
0x12: {  	s1 =	sld [smem:$0x3F93];
	s0 =	simm.s32 @p0 $0x1  }
0x13: {  	[smem:$0x3FAE] =	sst s0;
	s0 =	simm.s32 @!p1 $0x0  }
0x14: {  	s2 =	sld [smem:$0x3F92];
	s0 =	simm.s32 @p1 $0x1  }
0x15: {  	[smem:$0x3FAF] =	sst s0;
	s0 =	simm.s32 @!p2 $0x0  }
0x16: {  	s3 =	sld [smem:$0x3FDB];
	s0 =	simm.s32 @p2 $0x1  }
0x17: {  	s4 =	simm.s32 $0x1BF5;
	[smem:$0x3FB1] =	sst s0  }
0x18: {  	s0 =	sld [smem:$0x3F94];
	_ =	swait.ge [sflag:s4], $0x0  }
0x19: {  	s7 =	sld [smem:$0x3F95]  }
0x1a: {  	s8 =	sadd.s32 $0xFFFFE003, lr  }
0x1b: {  	s9 =	sadd.s32 $0xFFFFFEF7, lr;
	s5 =	simm.s32 $0xFFFFFFFF;
	p2 =	slt.u32 s8, $0xFFFFF086  }
0x1c: {  	p1 =	slt.u32 s9, $0xF7A;
	s5 =	simm.s32 @!p2 $0x0  }
0x1d: {  	s5 =	simm.s32 @p1 $0x1;
	p0 =	seq.s32 s7, s2  }
0x1e: {  	s7 =	smul.u32 @!p0 $0xF7A, s2;
	p2 =	seq.s32 @!p0 s5, $0x0  }
0x1f: {  	s9 =	smul.u32 $0xF7A, s1;
	s8 =	simm.s32 @!p0 $0x1BF5;
	p2 =	por !p2, p0  }
0x20: {  	[sflag:s8] =	ssyncset.s32 @!p0 $0xFFFFF086;
	s6 =	sadd.s32 @!p0 s3, s7;
	s7 =	simm.s32 @!p0 $0x108  }
0x21: {  	s3 =	sadd.s32 s3, s9;
	s6 =	sadd.s32 @!p0 $0x88, s6;
	s7 =	simm.s32 @p2 $0x1082  }
0x22: {  	[simem:s7], [sflag:s8] =	dma.local @!p0 [hbm:s6], $0xF7A  }
0x23: {  	s9 =	sor.u32 $0xD0000000, s2;
	s6 =	simm.s32 $0x108;
	_ =	swait.ge @!p0 [sflag:s8], $0x0  }
0x24: {  	s3 =	sadd.s32 $0x88, s3;
	s6 =	simm.s32 @!p1 $0x1082;
	[sflag:s4] =	ssyncset.s32 $0xFFFFF086  }
0x25: {  	[simem:s6], [sflag:s4] =	dma.local [hbm:s3], $0xF7A  }
0x26: {  	[smem:$0x3F95] =	sst s1;
	(tag) =	ssettag s2;
	_ =	strace s9  }
0x27: {  	s1 =	sld [smem:$0x3FA5]  }
0x28: {  	s2 =	sld [smem:$0x3FA6]  }
0x29: {  	s4 =	sld [smem:$0x3FA8]  }
0x2a: {  	p0 =	seq.s32 s5, $0x0;
	s5 =	sld [smem:$0x3FA9]  }
0x2b: {  	s6 =	sld [smem:$0x3FAA]  }
0x2c: {  	s7 =	sld [smem:$0x3FAB]  }
0x2d: {  	s3 =	simm.s32 $0x108;
	s8 =	sld [smem:$0x3FAC]  }
0x2e: {  	s3 =	simm.s32 @!p0 $0x1082;
	s9 =	sld [smem:$0x3FAD]  }
0x2f: {  	lr =	sadd.s32 s0, s3;
	s0 =	sld [smem:$0x3FA4]  }
0x30: {  	s3 =	sld [smem:$0x3FA7]  }
0x31: {  	[smem:$0x3FB0] =	sst s10  }
0x32: {  	s10 =	sld [smem:$0x3FAE];
	_ =	sdelay $0x3  }
0x33: {  	p0 =	seq.s32 s10, $0x1;
	s10 =	sld [smem:$0x3FB0];
	_ =	sdelay $0x3  }
0x34: {  	[smem:$0x3FB0] =	sst s10  }
0x35: {  	s10 =	sld [smem:$0x3FAF];
	_ =	sdelay $0x3  }
0x36: {  	p1 =	seq.s32 s10, $0x1;
	s10 =	sld [smem:$0x3FB0];
	_ =	sdelay $0x3  }
0x37: {  	[smem:$0x3FB0] =	sst s10  }
0x38: {  	s10 =	sld [smem:$0x3FB1]  }
0x39: {  	_ = 	snop;
	(pc) =	sbr.ind lr, $3  }
0x3a: {  	_ = 	snop  }
0x3b: {  	_ = 	snop  }
0x3c: {  	p2 =	seq.s32 s10, $0x1;
	s10 =	sld [smem:$0x3FB0]  }
0x3d: {  	_ =	shalt  }
0x3e: {  	_ =	shalt  }
0x3f: {  	_ =	shalt  }
0x40: {  	_ =	shalt  }
0x41: {  	_ =	shalt  }
0x42: {  	_ =	shalt  }
0x43: {  	_ =	shalt  }
0x44: {  	_ =	shalt  }
0x45: {  	_ =	shalt  }
0x46: {  	_ =	shalt  }
0x47: {  	_ =	shalt  }
0x48: {  	_ =	shalt  }
0x49: {  	_ =	shalt  }
0x4a: {  	_ =	shalt  }
0x4b: {  	_ =	shalt  }
0x4c: {  	_ =	shalt  }
0x4d: {  	_ =	shalt  }
0x4e: {  	_ =	shalt  }
0x4f: {  	_ =	shalt  }
0x50: {  	_ =	shalt  }
0x51: {  	_ =	shalt  }
0x52: {  	_ =	shalt  }
0x53: {  	_ =	shalt  }
0x54: {  	_ =	shalt  }
0x55: {  	_ =	shalt  }
0x56: {  	_ =	shalt  }
0x57: {  	_ =	shalt  }
0x58: {  	_ =	shalt  }
0x59: {  	_ =	shalt  }
0x5a: {  	_ =	shalt  }
0x5b: {  	_ =	shalt  }
0x5c: {  	_ =	shalt  }
0x5d: {  	_ =	shalt  }
0x5e: {  	_ =	shalt  }
0x5f: {  	_ =	shalt  }
0x60: {  	_ =	shalt  }
0x61: {  	_ =	shalt  }
0x62: {  	_ =	shalt  }
0x63: {  	_ =	shalt  }
0x64: {  	_ =	shalt  }
0x65: {  	_ =	shalt  }
0x66: {  	_ =	shalt  }
0x67: {  	_ =	shalt  }
0x68: {  	_ =	shalt  }
0x69: {  	_ =	shalt  }
0x6a: {  	_ =	shalt  }
0x6b: {  	_ =	shalt  }
0x6c: {  	_ =	shalt  }
0x6d: {  	_ =	shalt  }
0x6e: {  	_ =	shalt  }
0x6f: {  	_ =	shalt  }
0x70: {  	_ =	shalt  }
0x71: {  	_ =	shalt  }
0x72: {  	_ =	shalt  }
0x73: {  	_ =	shalt  }
0x74: {  	_ =	shalt  }
0x75: {  	_ =	shalt  }
0x76: {  	_ =	shalt  }
0x77: {  	_ =	shalt  }
0x78: {  	_ =	shalt  }
0x79: {  	_ =	shalt  }
0x7a: {  	_ =	shalt  }
0x7b: {  	_ =	shalt  }
0x7c: {  	_ =	shalt  }
0x7d: {  	_ =	shalt  }
0x7e: {  	_ =	shalt  }
0x7f: {  	_ =	shalt  }
0x80: {  	_ =	shalt  }
0x81: {  	_ =	shalt  }
0x82: {  	_ =	shalt  }
0x83: {  	_ =	shalt  }
0x84: {  	_ =	shalt  }
0x85: {  	_ =	shalt  }
0x86: {  	_ =	shalt  }
0x87: {  	_ =	shalt  }
.Lfunc_end0:
.L_simem_size_0:
called_computation_lowered:
.L_overlay_start_0:
0x88: {  	s2 =	sld [smem:$0x3FD9]  }
0x89: {  	s3 =	sld [smem:$0x3FFE];
	_ =	sdelay $0x1  }
0x8a: {  	s1 =	srdreg.scid  }
0x8b: {  	s0 =	sand.u32 $0x1, s1  }
0x8c: {  	s16 =	sshll.u32 s0, $0xA;
	s2 =	sadd.s32 s3, s2  }
0x8d: {  	s2 =	sadd.s32 s2, s16  }
0x8e: {  	[smem:$0x3FBC] =	sst s2  }
0x8f: {  	_ = 	snop  }
0x90: {  	(tm) =	ssettm $0x1  }
0x91: {  	s17 =	sld [smem:$0x3FFB];
	_ =	sdelay $0x3  }
0x92: {  	_ =	strace s17  }
0x93: {  	s2 =	sld [smem:$0x3FFC];
	_ =	sdelay $0x3  }
0x94: {  	_ =	strace s2  }
0x95: {  	s2 =	sld [smem:$0x3FFD];
	_ =	sdelay $0x3  }
0x96: {  	_ =	strace s2  }
0x97: {  	_ =	strace $0x8FFFFFFF  }
0x98: {  	s18 =	sld [smem:$0x3FDB];
	_ =	sdelay $0x1  }
0x99: {  	s19 =	simm.s32 $_scs_section_size  }
0x9a: {  	s4 =	simm.s32 $_size__tile_overlayer_lowered;
	s5 =	simm.s32 $_tile_overlayer_lowered  }
0x9b: {  	s22 =	simm.s32 $0x1BFF;
	s21 =	sshll.u32 s5, $0x1;
	s2 =	sadd.s32 s19, s18  }
0x9c: {  	s6 =	simm.s32 $0x0;
	s20 =	sshll.u32 s4, $0x1;
	s4 =	sadd.s32 s21, s2  }
0x9d: {  	[timem:s6], [sflag:s22] =	dma.local [hbm:s4], s20  }
0x9e: {  	_ =	swait.ge [sflag:s22], s20  }
0x9f: {  	s3 =	ssub.s32 $0x0, s20;
	[sflag:s22] =	ssyncset.done $0x0  }
0xa0: {  	[sflag:s22] =	ssyncadd.s32 s3;
	_ =	sdelay $0x1  }
0xa1: {  	s23 =	simm.s32 $0x1B8B  }
0xa2: {  	_ =	swait.ge [sflag:s23], $0x1  }
0xa3: {  	[sflag:s23] =	ssyncset.done $0x0  }
0xa4: {  	s25 =	simm.s32 $0x1B8E;
	s24 =	sld [smem:$0x3FFE];
	[sflag:s23] =	ssyncadd.s32 $0xFFFFFFFF  }
0xa5: {  	s26 =	simm.s32 $execute0_lowered;
	[smem:$0x3FD2] =	sst s25  }
0xa6: {  	s4 =	sshll.u32 s26, $0x1;
	_ =	strace $0x80000046;
	[dreg:$0x1] =	wrdreg $0xFFFFFFFF  }
0xa7: {  	s28 =	simm.s32 $_size_execute0_lowered;
	s2 =	sadd.s32 s2, s4;
	[dreg:$0x0] =	wrdreg $0x0  }
0xa8: {  	s4 =	sshll.u32 s28, $0x1;
	[dreg:$0x2] =	wrdreg s2  }
0xa9: {  	[dreg:$0x3] =	wrdreg s4  }
0xaa: {  	[dreg:$0x4] =	wrdreg $0xC0  }
0xab: {  	_ =	task [dreg:s6], $0x5FFFF  }
0xac: {  	[dreg:$0x1] =	wrdreg $0xFFFFFFFF  }
0xad: {  	[dreg:$0x0] =	wrdreg $0x60  }
0xae: {  	[dreg:$0x2] =	wrdreg s24  }
0xaf: {  	[dreg:$0x3] =	wrdreg $0x9  }
0xb0: {  	_ =	task.clear_ibuf [dreg:s6], $0x4FFFF;
	_ =	strace $0x90000046  }
0xb1: {  	s29 =	simm.s32 $0x9;
	_ =	strace $0x80000048  }
0xb2: {  	_ =	swait.ge [sflag:s29], $0x1  }
0xb3: {  	[sflag:s29] =	ssyncadd.s32 $0xFFFFFFFF  }
0xb4: {  	_ =	strace $0x90000048  }
0xb5: {  	_ =	sfence  }
0xb6: {  	s30 =	sld [smem:$0x0];
	_ =	sdelay $0x2  }
0xb7: {  	s31 =	sshll.u32 s1, $0xD;
	s1 =	sshrl.u32 s1, $0x2  }
0xb8: {  	s3 =	sand.u32 $0x4000, s31;
	s1 =	sadd.s32 s1, s30  }
0xb9: {  	s0 =	sor.u32 s3, s0;
	s1 =	sshll.u32 s1, $0x11  }
0xba: {  	s0 =	sor.u32 s1, s0  }
0xbb: {  	s0 =	sadd.s32 $0x8F2B, s0  }
0xbc: {  	[sflag:s0] =	ssyncadd.remote.s32 $0x1  }
0xbd: {  	_ =	sfence.sel $0xFFFF  }
0xbe: {  	[dreg:$0x0] =	wrdreg $0xFFFFFFFF;
	(pc) =	sbr.abs _section_cstart, $3  }
0xbf: {  	[dreg:$0x1] =	wrdreg $0xFFFFFFFF  }
0xc0: {  	_ =	task.clear_ibuf [dreg:s6], $0x2FFFF;
	_ =	strace $0x9FFFFFFF  }
0xc1: {  	(tm) =	ssettm $0x7FFFFFFF  }
tec
execute0_lowered:
.L_overlay_start_1:
0x0: {  	(tag) =	ssettag $0x1  }
0x1: {  	s3 =	rddreg [dreg:$0x0]  }
0x2: {  	s0 =	rddreg [dreg:$0x1];
	s4 =	srdreg.scid  }
0x3: {  	s2 =	simm.s32 $0x0;
	s1 =	stileid.u32;
	s7 =	simm.s32 $0x800  }
0x4: {  	s8 =	simm.s32 $0x1000;
	s9 =	simm.s32 $0x1800;
	s10 =	simm.s32 $0x2000  }
0x5: {  	s11 =	simm.s32 $0x0;
	s4 =	sand.u32 $0x1, s4;
	s5 =	sshll.u32 s1, $0xE  }
0x6: {  	s6 =	ssub.s32 $0x2, s4;
	s3 =	sadd.s32 s5, s3;
	s4 =	sshll.u32 s4, $0xD  }
0x7: {  	[smem:$0x7FF] =	sst s2;
	s30 =	sshrl.u32 s6, $0x1;
	s31 =	sadd.s32 s4, s3  }
0x8: {  	_ =	strace $0x80000047;
	s5 =	ssub.s32 s6, s30;
	s4 =	sadd.s32 $0x1C00, s31  }
0x9: {  	s6 =	simm.s32 $0x1;
	s3 =	smax.u32 s5, $0x1;
	s5 =	sadd.s32 $0x501C00, s31  }
.LBB2_1:
0xa: {  	s12 =	simm.s32 $0x0  }
.LBB2_2:
0xb: {  	s13 =	sadd.s32 s12, s4  }
0xc: {  	[tilespmem:s2], [sflag:$0x1] =	stream.linear.gather [hbm4b:s13+s2], $0x800, $0x38;
	[tilespmem:$0x2800] =	vst v63  }
0xd: {  	_ =	swait.ge [sflag:s6], $0x800  }
0xe: {  	[sflag:s6] =	ssyncset.done $0x0  }
0xf: {  	s14 =	sadd.s32 $0x40000, s13;
	[sflag:s6] =	ssyncadd.s32 $0xFFFFF800  }
0x10: {  	[tilespmem:s7], [sflag:$0x1] =	stream.linear.gather [hbm4b:s14+s2], $0x800, $0x38;
	[tilespmem:$0x2800] =	vst v63  }
0x11: {  	_ =	swait.ge [sflag:s6], $0x800  }
0x12: {  	[sflag:s6] =	ssyncset.done $0x0  }
0x13: {  	s26 =	sadd.s32 $0x80000, s13;
	[sflag:s6] =	ssyncadd.s32 $0xFFFFF800  }
0x14: {  	[tilespmem:s8], [sflag:$0x1] =	stream.linear.gather [hbm4b:s26+s2], $0x800, $0x38;
	[tilespmem:$0x2800] =	vst v63  }
0x15: {  	_ =	swait.ge [sflag:s6], $0x800  }
0x16: {  	[sflag:s6] =	ssyncset.done $0x0  }
0x17: {  	s28 =	sadd.s32 $0xC0000, s13;
	[sflag:s6] =	ssyncadd.s32 $0xFFFFF800  }
0x18: {  	[tilespmem:s9], [sflag:$0x1] =	stream.linear.gather [hbm4b:s28+s2], $0x800, $0x38;
	[tilespmem:$0x2800] =	vst v63  }
0x19: {  	_ =	swait.ge [sflag:s6], $0x800  }
0x1a: {  	[sflag:s6] =	ssyncset.done $0x0  }
0x1b: {  	[sflag:s6] =	ssyncadd.s32 $0xFFFFF800  }
0x1c: {  	v48 =	vld [tilespmem:$0x0]  }
0x1d: {  	v49 =	vld [tilespmem:$0x10]  }
0x1e: {  	v50 =	vld [tilespmem:$0x80]  }
0x1f: {  	v51 =	vld [tilespmem:$0x90]  }
0x20: {  	v52 =	vld [tilespmem:$0x100]  }
0x21: {  	v53 =	vld [tilespmem:$0x110]  }
0x22: {  	v54 =	vld [tilespmem:$0x180]  }
0x23: {  	v55 =	vld [tilespmem:$0x190]  }
0x24: {  	v46 =	vld [tilespmem:$0x200]  }
0x25: {  	v43 =	vld [tilespmem:$0x210]  }
0x26: {  	v40 =	vld [tilespmem:$0x280]  }
0x27: {  	v37 =	vld [tilespmem:$0x290]  }
0x28: {  	v0 =	vld [tilespmem:$0x300]  }
0x29: {  	v61 =	vld [tilespmem:$0x310]  }
0x2a: {  	v62 =	vld [tilespmem:$0x380]  }
0x2b: {  	v63 =	vld [tilespmem:$0x390]  }
0x2c: {  	v4 =	vld [tilespmem:$0x400]  }
0x2d: {  	v5 =	vld [tilespmem:$0x410]  }
0x2e: {  	v6 =	vld [tilespmem:$0x480]  }
0x2f: {  	v7 =	vld [tilespmem:$0x490]  }
0x30: {  	v8 =	vld [tilespmem:$0x500]  }
0x31: {  	v9 =	vld [tilespmem:$0x510]  }
0x32: {  	v10 =	vld [tilespmem:$0x580]  }
0x33: {  	v11 =	vld [tilespmem:$0x590]  }
0x34: {  	v12 =	vld [tilespmem:$0x600]  }
0x35: {  	v13 =	vld [tilespmem:$0x610]  }
0x36: {  	v14 =	vld [tilespmem:$0x680]  }
0x37: {  	v15 =	vld [tilespmem:$0x690]  }
0x38: {  	v16 =	vld [tilespmem:$0x700]  }
0x39: {  	v17 =	vld [tilespmem:$0x710]  }
0x3a: {  	v18 =	vld [tilespmem:$0x780]  }
0x3b: {  	v19 =	vld [tilespmem:$0x790]  }
0x3c: {  	v56 =	vld [tilespmem:$0x800]  }
0x3d: {  	v57 =	vld [tilespmem:$0x810]  }
0x3e: {  	v58 =	vld [tilespmem:$0x880]  }
0x3f: {  	v59 =	vld [tilespmem:$0x890]  }
0x40: {  	v60 =	vld [tilespmem:$0x900]  }
0x41: {  	v21 =	vld [tilespmem:$0xA00]  }
0x42: {  	v23 =	vld [tilespmem:$0xA10]  }
0x43: {  	v25 =	vld [tilespmem:$0xA80]  }
0x44: {  	v27 =	vld [tilespmem:$0xA90]  }
0x45: {  	v29 =	vld [tilespmem:$0xB00]  }
0x46: {  	v31 =	vld [tilespmem:$0xB10]  }
0x47: {  	v33 =	vld [tilespmem:$0xB80]  }
0x48: {  	v35 =	vld [tilespmem:$0xB90]  }
0x49: {  	v47 =	vld [tilespmem:$0xC00]  }
0x4a: {  	v44 =	vld [tilespmem:$0xC10]  }
0x4b: {  	v41 =	vld [tilespmem:$0xC80]  }
0x4c: {  	v38 =	vld [tilespmem:$0xC90]  }
0x4d: {  	v20 =	vld [tilespmem:$0xD00]  }
0x4e: {  	v22 =	vld [tilespmem:$0xD10]  }
0x4f: {  	v24 =	vld [tilespmem:$0xD80]  }
0x50: {  	v26 =	vld [tilespmem:$0xD90]  }
0x51: {  	v28 =	vld [tilespmem:$0xE00]  }
0x52: {  	v30 =	vld [tilespmem:$0xE10]  }
0x53: {  	v32 =	vld [tilespmem:$0xE80]  }
0x54: {  	v34 =	vld [tilespmem:$0xE90]  }
0x55: {  	v36 =	vld [tilespmem:$0xF00]  }
0x56: {  	v39 =	vld [tilespmem:$0xF10]  }
0x57: {  	v42 =	vld [tilespmem:$0xF80]  }
0x58: {  	v45 =	vld [tilespmem:$0xF90]  }
0x59: {  	v1 =	vld [tilespmem:$0x1810]  }
0x5a: {  	v2 =	vld [tilespmem:$0x1880]  }
0x5b: {  	v3 =	vld [tilespmem:$0x1890]  }
0x5c: {  	[tilespmem:$0x1F480] =	vst v61;
	v61 =	vld [tilespmem:$0x910]  }
0x5d: {  	[tilespmem:$0x1F490] =	vst v62;
	v62 =	vld [tilespmem:$0x980]  }
0x5e: {  	[tilespmem:$0x1F4A0] =	vst v63;
	v63 =	vld [tilespmem:$0x990]  }
0x5f: {  	[tilespmem:$0x1F4C0] =	vst v5;
	v5 =	vld [tilespmem:$0x1000]  }
0x60: {  	[tilespmem:$0x1F4D0] =	vst v6;
	v6 =	vld [tilespmem:$0x1010]  }
0x61: {  	[tilespmem:$0x1F4E0] =	vst v7;
	v7 =	vld [tilespmem:$0x1080]  }
0x62: {  	[tilespmem:$0x1F4F0] =	vst v8;
	v8 =	vld [tilespmem:$0x1090]  }
0x63: {  	[tilespmem:$0x1F510] =	vst v9;
	v9 =	vld [tilespmem:$0x1100]  }
0x64: {  	[tilespmem:$0x1F530] =	vst v10;
	v10 =	vld [tilespmem:$0x1110]  }
0x65: {  	[tilespmem:$0x1F550] =	vst v11;
	v11 =	vld [tilespmem:$0x1180]  }
0x66: {  	[tilespmem:$0x1F570] =	vst v12;
	v12 =	vld [tilespmem:$0x1190]  }
0x67: {  	[tilespmem:$0x1F590] =	vst v13;
	v13 =	vld [tilespmem:$0x1200]  }
0x68: {  	[tilespmem:$0x1F5B0] =	vst v14;
	v14 =	vld [tilespmem:$0x1210]  }
0x69: {  	[tilespmem:$0x1F5D0] =	vst v15;
	v15 =	vld [tilespmem:$0x1280]  }
0x6a: {  	[tilespmem:$0x1F600] =	vst v16;
	v16 =	vld [tilespmem:$0x1290]  }
0x6b: {  	[tilespmem:$0x1F630] =	vst v17;
	v17 =	vld [tilespmem:$0x1300]  }
0x6c: {  	[tilespmem:$0x1F660] =	vst v18;
	v18 =	vld [tilespmem:$0x1310]  }
0x6d: {  	[tilespmem:$0x1F690] =	vst v19;
	v19 =	vld [tilespmem:$0x1380]  }
0x6e: {  	[tilespmem:$0x1F500] =	vst v20;
	v20 =	vld [tilespmem:$0x1390]  }
0x6f: {  	[tilespmem:$0x1F520] =	vst v22;
	v22 =	vld [tilespmem:$0x1400]  }
0x70: {  	[tilespmem:$0x1F540] =	vst v24;
	v24 =	vld [tilespmem:$0x1410]  }
0x71: {  	[tilespmem:$0x1F560] =	vst v26;
	v26 =	vld [tilespmem:$0x1480]  }
0x72: {  	[tilespmem:$0x1F580] =	vst v28;
	v28 =	vld [tilespmem:$0x1490]  }
0x73: {  	[tilespmem:$0x1F5A0] =	vst v30;
	v30 =	vld [tilespmem:$0x1500]  }
0x74: {  	[tilespmem:$0x1F5C0] =	vst v32;
	v32 =	vld [tilespmem:$0x1510]  }
0x75: {  	[tilespmem:$0x1F5E0] =	vst v34;
	v34 =	vld [tilespmem:$0x1580]  }
0x76: {  	[tilespmem:$0x1F610] =	vst v36;
	v36 =	vld [tilespmem:$0x1590]  }
0x77: {  	[tilespmem:$0x1F6A0] =	vst v45;
	v45 =	vld [tilespmem:$0x1600]  }
0x78: {  	[tilespmem:$0x1F670] =	vst v42;
	v42 =	vld [tilespmem:$0x1610]  }
0x79: {  	[tilespmem:$0x1F640] =	vst v39;
	v39 =	vld [tilespmem:$0x1680]  }
0x7a: {  	[tilespmem:$0x1F4B0] =	vst v4;
	v4 =	vld [tilespmem:$0x1690]  }
0x7b: {  	[tilespmem:$0x1F470] =	vst v0;
	v0 =	vld [tilespmem:$0x1800]  }
0x7c: {  	v58 =	vmax.f32 v50, v58;
	v50 =	vld [tilespmem:$0x1990]  }
0x7d: {  	v48 =	vmax.f32 v48, v56;
	v56 =	vld [tilespmem:$0x1A00]  }
0x7e: {  	v49 =	vmax.f32 v49, v57;
	v57 =	vmax.f32 v52, v60;
	v60 =	vld [tilespmem:$0x1A80]  }
0x7f: {  	v52 =	vmax.f32 v43, v23;
	v43 =	vld [tilespmem:$0x1F90]  }
0x80: {  	v23 =	vld [tilespmem:$0x1F500]  }
0x81: {  	[tilespmem:$0x1F5F0] =	vst v4;
	v4 =	vld [tilespmem:$0x1700]  }
0x82: {  	v0 =	vmax.f32 v5, v0;
	v5 =	vld [tilespmem:$0x1910]  }
0x83: {  	v1 =	vmax.f32 v6, v1;
	v6 =	vld [tilespmem:$0x1980]  }
0x84: {  	v51 =	vmax.f32 v51, v59;
	v59 =	vmax.f32 v53, v61;
	v61 =	vmax.f32 v54, v62;
	v62 =	vld [tilespmem:$0x1A90]  }
0x85: {  	v53 =	vld [tilespmem:$0x1B80]  }
0x86: {  	v54 =	vmax.f32 v40, v25;
	v25 =	vld [tilespmem:$0x1F510]  }
0x87: {  	v2 =	vmax.f32 v7, v2;
	v40 =	vld [tilespmem:$0x1F80]  }
0x88: {  	v2 =	vmax.f32 v58, v2;
	v58 =	vld [tilespmem:$0x1A10]  }
0x89: {  	v3 =	vmax.f32 v8, v3;
	v1 =	vmax.f32 v49, v1;
	v49 =	vld [tilespmem:$0x1B00]  }
0x8a: {  	v3 =	vmax.f32 v51, v3;
	v51 =	vld [tilespmem:$0x1B10]  }
0x8b: {  	v0 =	vmax.f32 v48, v0;
	v48 =	vmax.f32 v55, v63;
	v55 =	vld [tilespmem:$0x1B90]  }
0x8c: {  	v63 =	vld [tilespmem:$0x1C90]  }
0x8d: {  	[tilespmem:$0x2090] =	vst v3;
	v3 =	vmax.f32 v15, v60;
	v60 =	vld [tilespmem:$0x1F480]  }
0x8e: {  	[tilespmem:$0x2000] =	vst v0;
	v0 =	vmax.f32 v12, v50;
	v12 =	vld [tilespmem:$0x1F4A0]  }
0x8f: {  	[tilespmem:$0x2010] =	vst v1;
	v1 =	vmax.f32 v13, v56;
	v13 =	vld [tilespmem:$0x1D00]  }
0x90: {  	v15 =	vld [tilespmem:$0x1D10]  }
0x91: {  	v50 =	vmax.f32 v46, v21;
	v21 =	vld [tilespmem:$0x1E00]  }
0x92: {  	v56 =	vmax.f32 v37, v27;
	v27 =	vld [tilespmem:$0x1E80]  }
0x93: {  	v37 =	vld [tilespmem:$0x1F590]  }
0x94: {  	v46 =	vld [tilespmem:$0x1F5F0]  }
0x95: {  	v0 =	vmax.f32 v48, v0;
	v48 =	vld [tilespmem:$0x1F610]  }
0x96: {  	v1 =	vmax.f32 v50, v1;
	v50 =	vld [tilespmem:$0x1F630]  }
0x97: {  	v3 =	vmax.f32 v54, v3;
	v54 =	vld [tilespmem:$0x1F670]  }
0x98: {  	[tilespmem:$0x1F620] =	vst v4;
	v4 =	vld [tilespmem:$0x1710]  }
0x99: {  	[tilespmem:$0x2190] =	vst v0;
	v0 =	vmax.f32 v19, v53;
	v19 =	vld [tilespmem:$0x1D90]  }
0x9a: {  	v53 =	vld [tilespmem:$0x1F660]  }
0x9b: {  	[tilespmem:$0x2080] =	vst v2;
	v5 =	vmax.f32 v10, v5;
	v2 =	vmax.f32 v14, v58;
	v58 =	vld [tilespmem:$0x1F470]  }
0x9c: {  	v6 =	vmax.f32 v11, v6;
	v5 =	vmax.f32 v59, v5;
	v59 =	vld [tilespmem:$0x1C10]  }
0x9d: {  	v6 =	vmax.f32 v61, v6;
	v61 =	vld [tilespmem:$0x1C80]  }
0x9e: {  	v14 =	vld [tilespmem:$0x1F4B0]  }
0x9f: {  	[tilespmem:$0x2200] =	vst v1;
	v1 =	vmax.f32 v20, v55;
	v20 =	vld [tilespmem:$0x1F4E0]  }
0xa0: {  	[tilespmem:$0x2110] =	vst v5;
	v5 =	vmax.f32 v17, v49;
	v17 =	vld [tilespmem:$0x1D80]  }
0xa1: {  	[tilespmem:$0x1F650] =	vst v4;
	v4 =	vld [tilespmem:$0x1780]  }
0xa2: {  	[tilespmem:$0x2180] =	vst v6;
	v6 =	vmax.f32 v18, v51;
	v18 =	vld [tilespmem:$0x1F4D0]  }
0xa3: {  	v7 =	vmax.f32 v60, v31;
	v31 =	vld [tilespmem:$0x1F550]  }
0xa4: {  	v49 =	vld [tilespmem:$0x1F620]  }
0xa5: {  	v51 =	vld [tilespmem:$0x1F640]  }
0xa6: {  	[tilespmem:$0x1F680] =	vst v4;
	v4 =	vld [tilespmem:$0x1790]  }
0xa7: {  	v6 =	vmax.f32 v7, v6;
	v7 =	vmax.f32 v30, v13;
	v30 =	vld [tilespmem:$0x1E90]  }
0xa8: {  	[tilespmem:$0x2310] =	vst v6;
	v6 =	vmax.f32 v32, v15;
	v32 =	vld [tilespmem:$0x1F560]  }
0xa9: {  	[tilespmem:$0x2280] =	vst v3;
	v3 =	vmax.f32 v24, v59;
	v24 =	vld [tilespmem:$0x1E10]  }
0xaa: {  	v8 =	vmax.f32 v58, v29;
	v29 =	vld [tilespmem:$0x1F540]  }
0xab: {  	[tilespmem:$0x1F6B0] =	vst v4;
	v4 =	vld [tilespmem:$0x1900]  }
0xac: {  	v2 =	vmax.f32 v52, v2;
	v52 =	vld [tilespmem:$0x1F650]  }
0xad: {  	v5 =	vmax.f32 v8, v5;
	v8 =	vmax.f32 v28, v63;
	v28 =	vld [tilespmem:$0x1F530]  }
0xae: {  	[tilespmem:$0x2300] =	vst v5;
	v5 =	vmax.f32 v12, v35;
	v35 =	vld [tilespmem:$0x1F580]  }
0xaf: {  	v1 =	vmax.f32 v5, v1;
	v5 =	vmax.f32 v34, v17;
	v34 =	vld [tilespmem:$0x1F570]  }
0xb0: {  	v4 =	vmax.f32 v9, v4;
	v9 =	vmax.f32 v26, v61;
	v26 =	vld [tilespmem:$0x1F520]  }
0xb1: {  	v4 =	vmax.f32 v57, v4;
	v57 =	vld [tilespmem:$0x1C00]  }
0xb2: {  	[tilespmem:$0x2100] =	vst v4;
	v4 =	vmax.f32 v16, v62;
	v62 =	vld [tilespmem:$0x1F490]  }
0xb3: {  	[tilespmem:$0x2390] =	vst v1;
	v1 =	vmax.f32 v18, v41;
	v41 =	vld [tilespmem:$0x1F5B0]  }
0xb4: {  	v16 =	vld [tilespmem:$0x1F4C0]  }
0xb5: {  	[tilespmem:$0x2210] =	vst v2;
	v55 =	vld [tilespmem:$0x1F680];
	v1 =	vmax.f32 v1, v9  }
0xb6: {  	v58 =	vld [tilespmem:$0x1F6B0];
	[tilespmem:$0x2480] =	vst v1;
	v4 =	vmax.f32 v56, v4;
	v1 =	vmax.f32 v25, v26  }
0xb7: {  	[tilespmem:$0x2290] =	vst v4;
	v2 =	vmax.f32 v22, v57;
	v22 =	vld [tilespmem:$0x1F4F0];
	v1 =	vmax.f32 v1, v6;
	v4 =	vmax.f32 v62, v33  }
0xb8: {  	v9 =	vmax.f32 v42, v24;
	v42 =	vld [tilespmem:$0x1F5C0];
	[tilespmem:$0x2510] =	vst v1;
	v0 =	vmax.f32 v4, v0;
	v4 =	vmax.f32 v14, v47  }
0xb9: {  	v33 =	vld [tilespmem:$0x1F00];
	[tilespmem:$0x2380] =	vst v0;
	v0 =	vmax.f32 v16, v44;
	v2 =	vmax.f32 v4, v2  }
0xba: {  	v0 =	vmax.f32 v0, v3;
	[tilespmem:$0x2400] =	vst v2;
	v2 =	vmax.f32 v20, v38;
	v38 =	vld [tilespmem:$0x1F5A0]  }
0xbb: {  	v1 =	vmax.f32 v34, v35;
	v44 =	vld [tilespmem:$0x1F5D0];
	v3 =	vmax.f32 v45, v21;
	[tilespmem:$0x2410] =	vst v0;
	v2 =	vmax.f32 v2, v8  }
0xbc: {  	v45 =	vld [tilespmem:$0x1F5E0];
	v0 =	vmax.f32 v22, v23;
	v1 =	vmax.f32 v1, v3;
	[tilespmem:$0x2490] =	vst v2  }
0xbd: {  	v47 =	vld [tilespmem:$0x1F600];
	v0 =	vmax.f32 v0, v7;
	v2 =	vmax.f32 v28, v29;
	[tilespmem:$0x2600] =	vst v1  }
0xbe: {  	v4 =	vmax.f32 v36, v19;
	v36 =	vld [tilespmem:$0x1F10];
	[tilespmem:$0x2500] =	vst v0;
	v0 =	vmax.f32 v31, v32;
	v2 =	vmax.f32 v2, v5  }
0xbf: {  	v56 =	vld [tilespmem:$0x1F690];
	v0 =	vmax.f32 v0, v4;
	[tilespmem:$0x2580] =	vst v2;
	v2 =	vmax.f32 v37, v38  }
0xc0: {  	v57 =	vld [tilespmem:$0x1F6A0];
	v8 =	vmax.f32 v39, v27;
	[tilespmem:$0x2590] =	vst v0;
	v0 =	vmax.f32 v41, v42;
	v2 =	vmax.f32 v2, v9  }
0xc1: {  	v7 =	vmax.f32 v46, v30;
	v1 =	vmax.f32 v44, v45;
	v0 =	vmax.f32 v0, v8;
	[tilespmem:$0x2610] =	vst v2  }
0xc2: {  	v6 =	vmax.f32 v49, v33;
	v1 =	vmax.f32 v1, v7;
	v2 =	vmax.f32 v47, v48;
	[tilespmem:$0x2680] =	vst v0  }
0xc3: {  	v5 =	vmax.f32 v52, v36;
	v0 =	vmax.f32 v50, v51;
	[tilespmem:$0x2690] =	vst v1;
	v2 =	vmax.f32 v2, v6  }
0xc4: {  	v4 =	vmax.f32 v55, v40;
	v1 =	vmax.f32 v53, v54;
	v0 =	vmax.f32 v0, v5;
	[tilespmem:$0x2700] =	vst v2  }
0xc5: {  	v3 =	vmax.f32 v58, v43;
	v1 =	vmax.f32 v1, v4;
	v2 =	vmax.f32 v56, v57;
	[tilespmem:$0x2710] =	vst v0  }
0xc6: {  	[tilespmem:$0x2780] =	vst v1;
	v59 =	vmax.f32 v2, v3  }
0xc7: {  	s14 =	sadd.s32 s12, s5;
	[tilespmem:$0x2790] =	vst v59  }
0xc8: {  	[hbm4b:s14+s2] =	stream.linear.scatter [tilespmem:s10], [sflag:$0x1], $0x800, $0x38;
	[tilespmem:$0x2800] =	vst v63  }
0xc9: {  	_ =	swait.ge [sflag:s6], $0x800  }
0xca: {  	[sflag:s6] =	ssyncset.done $0x0  }
0xcb: {  	s15 =	sadd.s32 $0x100000, s13;
	[sflag:s6] =	ssyncadd.s32 $0xFFFFF800  }
0xcc: {  	[tilespmem:s2], [sflag:$0x1] =	stream.linear.gather [hbm4b:s15+s2], $0x800, $0x38;
	[tilespmem:$0x2800] =	vst v63  }
0xcd: {  	_ =	swait.ge [sflag:s6], $0x800  }
0xce: {  	[sflag:s6] =	ssyncset.done $0x0  }
0xcf: {  	s29 =	sadd.s32 $0x140000, s13;
	[sflag:s6] =	ssyncadd.s32 $0xFFFFF800  }
0xd0: {  	[tilespmem:s7], [sflag:$0x1] =	stream.linear.gather [hbm4b:s29+s2], $0x800, $0x38;
	[tilespmem:$0x2800] =	vst v63  }
0xd1: {  	_ =	swait.ge [sflag:s6], $0x800  }
0xd2: {  	[sflag:s6] =	ssyncset.done $0x0  }
0xd3: {  	s30 =	sadd.s32 $0x180000, s13;
	[sflag:s6] =	ssyncadd.s32 $0xFFFFF800  }
0xd4: {  	[tilespmem:s8], [sflag:$0x1] =	stream.linear.gather [hbm4b:s30+s2], $0x800, $0x38;
	[tilespmem:$0x2800] =	vst v63  }
0xd5: {  	_ =	swait.ge [sflag:s6], $0x800  }
0xd6: {  	[sflag:s6] =	ssyncset.done $0x0  }
0xd7: {  	s31 =	sadd.s32 $0x1C0000, s13;
	[sflag:s6] =	ssyncadd.s32 $0xFFFFF800  }
0xd8: {  	[tilespmem:s9], [sflag:$0x1] =	stream.linear.gather [hbm4b:s31+s2], $0x800, $0x38;
	[tilespmem:$0x2800] =	vst v63  }
0xd9: {  	_ =	swait.ge [sflag:s6], $0x800  }
0xda: {  	[sflag:s6] =	ssyncset.done $0x0  }
0xdb: {  	[sflag:s6] =	ssyncadd.s32 $0xFFFFF800  }
0xdc: {  	v48 =	vld [tilespmem:$0x0]  }
0xdd: {  	v49 =	vld [tilespmem:$0x10]  }
0xde: {  	v50 =	vld [tilespmem:$0x80]  }
0xdf: {  	v51 =	vld [tilespmem:$0x90]  }
0xe0: {  	v52 =	vld [tilespmem:$0x100]  }
0xe1: {  	v53 =	vld [tilespmem:$0x110]  }
0xe2: {  	v54 =	vld [tilespmem:$0x180]  }
0xe3: {  	v55 =	vld [tilespmem:$0x190]  }
0xe4: {  	v46 =	vld [tilespmem:$0x200]  }
0xe5: {  	v43 =	vld [tilespmem:$0x210]  }
0xe6: {  	v40 =	vld [tilespmem:$0x280]  }
0xe7: {  	v37 =	vld [tilespmem:$0x290]  }
0xe8: {  	v60 =	vld [tilespmem:$0x300]  }
0xe9: {  	v61 =	vld [tilespmem:$0x310]  }
0xea: {  	v62 =	vld [tilespmem:$0x380]  }
0xeb: {  	v63 =	vld [tilespmem:$0x390]  }
0xec: {  	v4 =	vld [tilespmem:$0x400]  }
0xed: {  	v5 =	vld [tilespmem:$0x410]  }
0xee: {  	v6 =	vld [tilespmem:$0x480]  }
0xef: {  	v7 =	vld [tilespmem:$0x490]  }
0xf0: {  	v8 =	vld [tilespmem:$0x500]  }
0xf1: {  	v9 =	vld [tilespmem:$0x510]  }
0xf2: {  	v10 =	vld [tilespmem:$0x580]  }
0xf3: {  	v11 =	vld [tilespmem:$0x590]  }
0xf4: {  	v12 =	vld [tilespmem:$0x600]  }
0xf5: {  	v13 =	vld [tilespmem:$0x610]  }
0xf6: {  	v14 =	vld [tilespmem:$0x680]  }
0xf7: {  	v15 =	vld [tilespmem:$0x690]  }
0xf8: {  	v16 =	vld [tilespmem:$0x700]  }
0xf9: {  	v17 =	vld [tilespmem:$0x710]  }
0xfa: {  	v18 =	vld [tilespmem:$0x780]  }
0xfb: {  	v19 =	vld [tilespmem:$0x790]  }
0xfc: {  	v56 =	vld [tilespmem:$0x800]  }
0xfd: {  	v57 =	vld [tilespmem:$0x810]  }
0xfe: {  	v58 =	vld [tilespmem:$0x880]  }
0xff: {  	v59 =	vld [tilespmem:$0x890]  }
0x100: {  	v21 =	vld [tilespmem:$0xA00]  }
0x101: {  	v23 =	vld [tilespmem:$0xA10]  }
0x102: {  	v25 =	vld [tilespmem:$0xA80]  }
0x103: {  	v27 =	vld [tilespmem:$0xA90]  }
0x104: {  	v29 =	vld [tilespmem:$0xB00]  }
0x105: {  	v31 =	vld [tilespmem:$0xB10]  }
0x106: {  	v33 =	vld [tilespmem:$0xB80]  }
0x107: {  	v35 =	vld [tilespmem:$0xB90]  }
0x108: {  	v47 =	vld [tilespmem:$0xC00]  }
0x109: {  	v44 =	vld [tilespmem:$0xC10]  }
0x10a: {  	v41 =	vld [tilespmem:$0xC80]  }
0x10b: {  	v38 =	vld [tilespmem:$0xC90]  }
0x10c: {  	v20 =	vld [tilespmem:$0xD00]  }
0x10d: {  	v22 =	vld [tilespmem:$0xD10]  }
0x10e: {  	v24 =	vld [tilespmem:$0xD80]  }
0x10f: {  	v26 =	vld [tilespmem:$0xD90]  }
0x110: {  	v28 =	vld [tilespmem:$0xE00]  }
0x111: {  	v30 =	vld [tilespmem:$0xE10]  }
0x112: {  	v32 =	vld [tilespmem:$0xE80]  }
0x113: {  	v34 =	vld [tilespmem:$0xE90]  }
0x114: {  	v36 =	vld [tilespmem:$0xF00]  }
0x115: {  	v39 =	vld [tilespmem:$0xF10]  }
0x116: {  	v42 =	vld [tilespmem:$0xF80]  }
0x117: {  	v45 =	vld [tilespmem:$0xF90]  }
0x118: {  	v0 =	vld [tilespmem:$0x1800]  }
0x119: {  	v1 =	vld [tilespmem:$0x1810]  }
0x11a: {  	v2 =	vld [tilespmem:$0x1880]  }
0x11b: {  	v3 =	vld [tilespmem:$0x1890]  }
0x11c: {  	[tilespmem:$0x1F6C0] =	vst v60;
	v60 =	vld [tilespmem:$0x900]  }
0x11d: {  	[tilespmem:$0x1F6D0] =	vst v61;
	v61 =	vld [tilespmem:$0x910]  }
0x11e: {  	[tilespmem:$0x1F6E0] =	vst v62;
	v62 =	vld [tilespmem:$0x980]  }
0x11f: {  	[tilespmem:$0x1F6F0] =	vst v63;
	v63 =	vld [tilespmem:$0x990]  }
0x120: {  	[tilespmem:$0x1F710] =	vst v5;
	v5 =	vld [tilespmem:$0x1000]  }
0x121: {  	[tilespmem:$0x1F720] =	vst v6;
	v6 =	vld [tilespmem:$0x1010]  }
0x122: {  	[tilespmem:$0x1F730] =	vst v7;
	v7 =	vld [tilespmem:$0x1080]  }
0x123: {  	[tilespmem:$0x1F740] =	vst v8;
	v8 =	vld [tilespmem:$0x1090]  }
0x124: {  	[tilespmem:$0x1F760] =	vst v9;
	v9 =	vld [tilespmem:$0x1100]  }
0x125: {  	[tilespmem:$0x1F780] =	vst v10;
	v10 =	vld [tilespmem:$0x1110]  }
0x126: {  	[tilespmem:$0x1F7A0] =	vst v11;
	v11 =	vld [tilespmem:$0x1180]  }
0x127: {  	[tilespmem:$0x1F7C0] =	vst v12;
	v12 =	vld [tilespmem:$0x1190]  }
0x128: {  	[tilespmem:$0x1F7E0] =	vst v13;
	v13 =	vld [tilespmem:$0x1200]  }
0x129: {  	[tilespmem:$0x1F800] =	vst v14;
	v14 =	vld [tilespmem:$0x1210]  }
0x12a: {  	[tilespmem:$0x1F820] =	vst v15;
	v15 =	vld [tilespmem:$0x1280]  }
0x12b: {  	[tilespmem:$0x1F850] =	vst v16;
	v16 =	vld [tilespmem:$0x1290]  }
0x12c: {  	[tilespmem:$0x1F880] =	vst v17;
	v17 =	vld [tilespmem:$0x1300]  }
0x12d: {  	[tilespmem:$0x1F8B0] =	vst v18;
	v18 =	vld [tilespmem:$0x1310]  }
0x12e: {  	[tilespmem:$0x1F8E0] =	vst v19;
	v19 =	vld [tilespmem:$0x1380]  }
0x12f: {  	[tilespmem:$0x1F750] =	vst v20;
	v20 =	vld [tilespmem:$0x1390]  }
0x130: {  	[tilespmem:$0x1F770] =	vst v22;
	v22 =	vld [tilespmem:$0x1400]  }
0x131: {  	[tilespmem:$0x1F790] =	vst v24;
	v24 =	vld [tilespmem:$0x1410]  }
0x132: {  	[tilespmem:$0x1F7B0] =	vst v26;
	v26 =	vld [tilespmem:$0x1480]  }
0x133: {  	[tilespmem:$0x1F7D0] =	vst v28;
	v28 =	vld [tilespmem:$0x1490]  }
0x134: {  	[tilespmem:$0x1F7F0] =	vst v30;
	v30 =	vld [tilespmem:$0x1500]  }
0x135: {  	[tilespmem:$0x1F810] =	vst v32;
	v32 =	vld [tilespmem:$0x1510]  }
0x136: {  	[tilespmem:$0x1F830] =	vst v34;
	v34 =	vld [tilespmem:$0x1580]  }
0x137: {  	[tilespmem:$0x1F860] =	vst v36;
	v36 =	vld [tilespmem:$0x1590]  }
0x138: {  	[tilespmem:$0x1F8F0] =	vst v45;
	v45 =	vld [tilespmem:$0x1600]  }
0x139: {  	[tilespmem:$0x1F700] =	vst v4;
	v4 =	vld [tilespmem:$0x1690]  }
0x13a: {  	[tilespmem:$0x1F8C0] =	vst v42;
	v42 =	vld [tilespmem:$0x1610]  }
0x13b: {  	[tilespmem:$0x1F890] =	vst v39;
	v39 =	vld [tilespmem:$0x1680]  }
0x13c: {  	v58 =	vmax.f32 v50, v58;
	v50 =	vld [tilespmem:$0x1990]  }
0x13d: {  	v48 =	vmax.f32 v48, v56;
	v56 =	vld [tilespmem:$0x1A00]  }
0x13e: {  	[tilespmem:$0x1F840] =	vst v4;
	v4 =	vld [tilespmem:$0x1700]  }
0x13f: {  	v0 =	vmax.f32 v5, v0;
	v5 =	vld [tilespmem:$0x1910]  }
0x140: {  	v1 =	vmax.f32 v6, v1;
	v6 =	vld [tilespmem:$0x1980]  }
0x141: {  	v49 =	vmax.f32 v49, v57;
	v57 =	vmax.f32 v52, v60;
	v60 =	vld [tilespmem:$0x1A80]  }
0x142: {  	v51 =	vmax.f32 v51, v59;
	v59 =	vmax.f32 v53, v61;
	v61 =	vmax.f32 v54, v62;
	v62 =	vld [tilespmem:$0x1A90]  }
0x143: {  	v53 =	vld [tilespmem:$0x1B80]  }
0x144: {  	v52 =	vmax.f32 v43, v23;
	v23 =	vld [tilespmem:$0x1F750]  }
0x145: {  	v54 =	vmax.f32 v40, v25;
	v25 =	vld [tilespmem:$0x1F760]  }
0x146: {  	v40 =	vld [tilespmem:$0x1F80]  }
0x147: {  	v2 =	vmax.f32 v7, v2;
	v43 =	vld [tilespmem:$0x1F90]  }
0x148: {  	v2 =	vmax.f32 v58, v2;
	v58 =	vld [tilespmem:$0x1A10]  }
0x149: {  	v3 =	vmax.f32 v8, v3;
	v1 =	vmax.f32 v49, v1;
	v49 =	vld [tilespmem:$0x1B00]  }
0x14a: {  	v3 =	vmax.f32 v51, v3;
	v51 =	vld [tilespmem:$0x1B10]  }
0x14b: {  	v0 =	vmax.f32 v48, v0;
	v48 =	vmax.f32 v55, v63;
	v55 =	vld [tilespmem:$0x1B90]  }
0x14c: {  	v63 =	vld [tilespmem:$0x1C90]  }
0x14d: {  	[tilespmem:$0x2000] =	vst v0;
	v0 =	vmax.f32 v12, v50;
	v12 =	vld [tilespmem:$0x1F6F0]  }
0x14e: {  	[tilespmem:$0x2010] =	vst v1;
	v1 =	vmax.f32 v13, v56;
	v13 =	vld [tilespmem:$0x1D00]  }
0x14f: {  	v50 =	vmax.f32 v46, v21;
	v21 =	vld [tilespmem:$0x1E00]  }
0x150: {  	v56 =	vmax.f32 v37, v27;
	v27 =	vld [tilespmem:$0x1E80]  }
0x151: {  	v37 =	vld [tilespmem:$0x1F7E0]  }
0x152: {  	v46 =	vld [tilespmem:$0x1F840]  }
0x153: {  	v0 =	vmax.f32 v48, v0;
	v48 =	vld [tilespmem:$0x1F860]  }
0x154: {  	v1 =	vmax.f32 v50, v1;
	v50 =	vld [tilespmem:$0x1F880]  }
0x155: {  	[tilespmem:$0x1F870] =	vst v4;
	v4 =	vld [tilespmem:$0x1710]  }
0x156: {  	[tilespmem:$0x2090] =	vst v3;
	v3 =	vmax.f32 v15, v60;
	v60 =	vld [tilespmem:$0x1F6D0]  }
0x157: {  	v15 =	vld [tilespmem:$0x1D10]  }
0x158: {  	[tilespmem:$0x2190] =	vst v0;
	v0 =	vmax.f32 v19, v53;
	v19 =	vld [tilespmem:$0x1D90]  }
0x159: {  	v53 =	vld [tilespmem:$0x1F8B0]  }
0x15a: {  	[tilespmem:$0x2080] =	vst v2;
	v5 =	vmax.f32 v10, v5;
	v2 =	vmax.f32 v14, v58;
	v58 =	vld [tilespmem:$0x1F6C0]  }
0x15b: {  	v6 =	vmax.f32 v11, v6;
	v5 =	vmax.f32 v59, v5;
	v59 =	vld [tilespmem:$0x1C10]  }
0x15c: {  	v6 =	vmax.f32 v61, v6;
	v61 =	vld [tilespmem:$0x1C80]  }
0x15d: {  	v14 =	vld [tilespmem:$0x1F700]  }
0x15e: {  	[tilespmem:$0x2200] =	vst v1;
	v1 =	vmax.f32 v20, v55;
	v20 =	vld [tilespmem:$0x1F730]  }
0x15f: {  	v3 =	vmax.f32 v54, v3;
	v54 =	vld [tilespmem:$0x1F8C0]  }
0x160: {  	[tilespmem:$0x2110] =	vst v5;
	v5 =	vmax.f32 v17, v49;
	v17 =	vld [tilespmem:$0x1D80]  }
0x161: {  	[tilespmem:$0x1F8A0] =	vst v4;
	v4 =	vld [tilespmem:$0x1780]  }
0x162: {  	[tilespmem:$0x2180] =	vst v6;
	v6 =	vmax.f32 v18, v51;
	v18 =	vld [tilespmem:$0x1F720]  }
0x163: {  	v49 =	vld [tilespmem:$0x1F870]  }
0x164: {  	v51 =	vld [tilespmem:$0x1F890]  }
0x165: {  	v7 =	vmax.f32 v60, v31;
	v31 =	vld [tilespmem:$0x1F7A0]  }
0x166: {  	[tilespmem:$0x1F8D0] =	vst v4;
	v4 =	vld [tilespmem:$0x1790]  }
0x167: {  	[tilespmem:$0x2280] =	vst v3;
	v3 =	vmax.f32 v24, v59;
	v24 =	vld [tilespmem:$0x1E10]  }
0x168: {  	v8 =	vmax.f32 v58, v29;
	v29 =	vld [tilespmem:$0x1F790]  }
0x169: {  	v6 =	vmax.f32 v7, v6;
	v7 =	vmax.f32 v30, v13;
	v30 =	vld [tilespmem:$0x1E90]  }
0x16a: {  	v2 =	vmax.f32 v52, v2;
	v52 =	vld [tilespmem:$0x1F8A0]  }
0x16b: {  	[tilespmem:$0x1F900] =	vst v4;
	v4 =	vld [tilespmem:$0x1900]  }
0x16c: {  	v5 =	vmax.f32 v8, v5;
	v8 =	vmax.f32 v28, v63;
	v28 =	vld [tilespmem:$0x1F780]  }
0x16d: {  	[tilespmem:$0x2310] =	vst v6;
	v6 =	vmax.f32 v32, v15;
	v32 =	vld [tilespmem:$0x1F7B0]  }
0x16e: {  	[tilespmem:$0x2300] =	vst v5;
	v5 =	vmax.f32 v12, v35;
	v35 =	vld [tilespmem:$0x1F7D0]  }
0x16f: {  	v1 =	vmax.f32 v5, v1;
	v5 =	vmax.f32 v34, v17;
	v34 =	vld [tilespmem:$0x1F7C0]  }
0x170: {  	v4 =	vmax.f32 v9, v4;
	v9 =	vmax.f32 v26, v61;
	v26 =	vld [tilespmem:$0x1F770]  }
0x171: {  	v4 =	vmax.f32 v57, v4;
	v57 =	vld [tilespmem:$0x1C00]  }
0x172: {  	[tilespmem:$0x2100] =	vst v4;
	v4 =	vmax.f32 v16, v62;
	v62 =	vld [tilespmem:$0x1F6E0]  }
0x173: {  	[tilespmem:$0x2390] =	vst v1;
	v1 =	vmax.f32 v18, v41;
	v41 =	vld [tilespmem:$0x1F800]  }
0x174: {  	v16 =	vld [tilespmem:$0x1F710]  }
0x175: {  	[tilespmem:$0x2210] =	vst v2;
	v55 =	vld [tilespmem:$0x1F8D0];
	v1 =	vmax.f32 v1, v9  }
0x176: {  	v58 =	vld [tilespmem:$0x1F900];
	[tilespmem:$0x2480] =	vst v1;
	v4 =	vmax.f32 v56, v4;
	v1 =	vmax.f32 v25, v26  }
0x177: {  	[tilespmem:$0x2290] =	vst v4;
	v2 =	vmax.f32 v22, v57;
	v22 =	vld [tilespmem:$0x1F740];
	v1 =	vmax.f32 v1, v6;
	v4 =	vmax.f32 v62, v33  }
0x178: {  	v9 =	vmax.f32 v42, v24;
	v42 =	vld [tilespmem:$0x1F810];
	[tilespmem:$0x2510] =	vst v1;
	v0 =	vmax.f32 v4, v0;
	v4 =	vmax.f32 v14, v47  }
0x179: {  	v33 =	vld [tilespmem:$0x1F00];
	[tilespmem:$0x2380] =	vst v0;
	v0 =	vmax.f32 v16, v44;
	v2 =	vmax.f32 v4, v2  }
0x17a: {  	v0 =	vmax.f32 v0, v3;
	[tilespmem:$0x2400] =	vst v2;
	v2 =	vmax.f32 v20, v38;
	v38 =	vld [tilespmem:$0x1F7F0]  }
0x17b: {  	v1 =	vmax.f32 v34, v35;
	v44 =	vld [tilespmem:$0x1F820];
	v3 =	vmax.f32 v45, v21;
	[tilespmem:$0x2410] =	vst v0;
	v2 =	vmax.f32 v2, v8  }
0x17c: {  	v45 =	vld [tilespmem:$0x1F830];
	v0 =	vmax.f32 v22, v23;
	v1 =	vmax.f32 v1, v3;
	[tilespmem:$0x2490] =	vst v2  }
0x17d: {  	v47 =	vld [tilespmem:$0x1F850];
	v0 =	vmax.f32 v0, v7;
	v2 =	vmax.f32 v28, v29;
	[tilespmem:$0x2600] =	vst v1  }
0x17e: {  	v4 =	vmax.f32 v36, v19;
	v36 =	vld [tilespmem:$0x1F10];
	[tilespmem:$0x2500] =	vst v0;
	v0 =	vmax.f32 v31, v32;
	v2 =	vmax.f32 v2, v5  }
0x17f: {  	v56 =	vld [tilespmem:$0x1F8E0];
	v0 =	vmax.f32 v0, v4;
	[tilespmem:$0x2580] =	vst v2;
	v2 =	vmax.f32 v37, v38  }
0x180: {  	v57 =	vld [tilespmem:$0x1F8F0];
	v8 =	vmax.f32 v39, v27;
	[tilespmem:$0x2590] =	vst v0;
	v0 =	vmax.f32 v41, v42;
	v2 =	vmax.f32 v2, v9  }
0x181: {  	v7 =	vmax.f32 v46, v30;
	v1 =	vmax.f32 v44, v45;
	v0 =	vmax.f32 v0, v8;
	[tilespmem:$0x2610] =	vst v2  }
0x182: {  	v6 =	vmax.f32 v49, v33;
	v1 =	vmax.f32 v1, v7;
	v2 =	vmax.f32 v47, v48;
	[tilespmem:$0x2680] =	vst v0  }
0x183: {  	v5 =	vmax.f32 v52, v36;
	v0 =	vmax.f32 v50, v51;
	[tilespmem:$0x2690] =	vst v1;
	v2 =	vmax.f32 v2, v6  }
0x184: {  	v4 =	vmax.f32 v55, v40;
	v1 =	vmax.f32 v53, v54;
	v0 =	vmax.f32 v0, v5;
	[tilespmem:$0x2700] =	vst v2  }
0x185: {  	v3 =	vmax.f32 v58, v43;
	v1 =	vmax.f32 v1, v4;
	v2 =	vmax.f32 v56, v57;
	[tilespmem:$0x2710] =	vst v0  }
0x186: {  	[tilespmem:$0x2780] =	vst v1;
	v59 =	vmax.f32 v2, v3  }
0x187: {  	s16 =	sadd.s32 $0x40000, s14;
	[tilespmem:$0x2790] =	vst v59  }
0x188: {  	[hbm4b:s16+s2] =	stream.linear.scatter [tilespmem:s10], [sflag:$0x1], $0x800, $0x38;
	[tilespmem:$0x2800] =	vst v63  }
0x189: {  	_ =	swait.ge [sflag:s6], $0x800  }
0x18a: {  	[sflag:s6] =	ssyncset.done $0x0  }
0x18b: {  	s17 =	sadd.s32 $0x200000, s13;
	[sflag:s6] =	ssyncadd.s32 $0xFFFFF800  }
0x18c: {  	[tilespmem:s2], [sflag:$0x1] =	stream.linear.gather [hbm4b:s17+s2], $0x800, $0x38;
	[tilespmem:$0x2800] =	vst v63  }
0x18d: {  	_ =	swait.ge [sflag:s6], $0x800  }
0x18e: {  	[sflag:s6] =	ssyncset.done $0x0  }
0x18f: {  	s18 =	sadd.s32 $0x240000, s13;
	[sflag:s6] =	ssyncadd.s32 $0xFFFFF800  }
0x190: {  	[tilespmem:s7], [sflag:$0x1] =	stream.linear.gather [hbm4b:s18+s2], $0x800, $0x38;
	[tilespmem:$0x2800] =	vst v63  }
0x191: {  	_ =	swait.ge [sflag:s6], $0x800  }
0x192: {  	[sflag:s6] =	ssyncset.done $0x0  }
0x193: {  	s19 =	sadd.s32 $0x280000, s13;
	[sflag:s6] =	ssyncadd.s32 $0xFFFFF800  }
0x194: {  	[tilespmem:s8], [sflag:$0x1] =	stream.linear.gather [hbm4b:s19+s2], $0x800, $0x38;
	[tilespmem:$0x2800] =	vst v63  }
0x195: {  	_ =	swait.ge [sflag:s6], $0x800  }
0x196: {  	[sflag:s6] =	ssyncset.done $0x0  }
0x197: {  	s20 =	sadd.s32 $0x2C0000, s13;
	[sflag:s6] =	ssyncadd.s32 $0xFFFFF800  }
0x198: {  	[tilespmem:s9], [sflag:$0x1] =	stream.linear.gather [hbm4b:s20+s2], $0x800, $0x38;
	[tilespmem:$0x2800] =	vst v63  }
0x199: {  	_ =	swait.ge [sflag:s6], $0x800  }
0x19a: {  	[sflag:s6] =	ssyncset.done $0x0  }
0x19b: {  	[sflag:s6] =	ssyncadd.s32 $0xFFFFF800  }
0x19c: {  	v48 =	vld [tilespmem:$0x0]  }
0x19d: {  	v49 =	vld [tilespmem:$0x10]  }
0x19e: {  	v50 =	vld [tilespmem:$0x80]  }
0x19f: {  	v51 =	vld [tilespmem:$0x90]  }
0x1a0: {  	v52 =	vld [tilespmem:$0x100]  }
0x1a1: {  	v53 =	vld [tilespmem:$0x110]  }
0x1a2: {  	v54 =	vld [tilespmem:$0x180]  }
0x1a3: {  	v55 =	vld [tilespmem:$0x190]  }
0x1a4: {  	v46 =	vld [tilespmem:$0x200]  }
0x1a5: {  	v43 =	vld [tilespmem:$0x210]  }
0x1a6: {  	v40 =	vld [tilespmem:$0x280]  }
0x1a7: {  	v37 =	vld [tilespmem:$0x290]  }
0x1a8: {  	v60 =	vld [tilespmem:$0x300]  }
0x1a9: {  	v61 =	vld [tilespmem:$0x310]  }
0x1aa: {  	v62 =	vld [tilespmem:$0x380]  }
0x1ab: {  	v63 =	vld [tilespmem:$0x390]  }
0x1ac: {  	v4 =	vld [tilespmem:$0x400]  }
0x1ad: {  	v5 =	vld [tilespmem:$0x410]  }
0x1ae: {  	v6 =	vld [tilespmem:$0x480]  }
0x1af: {  	v7 =	vld [tilespmem:$0x490]  }
0x1b0: {  	v8 =	vld [tilespmem:$0x500]  }
0x1b1: {  	v9 =	vld [tilespmem:$0x510]  }
0x1b2: {  	v10 =	vld [tilespmem:$0x580]  }
0x1b3: {  	v11 =	vld [tilespmem:$0x590]  }
0x1b4: {  	v12 =	vld [tilespmem:$0x600]  }
0x1b5: {  	v13 =	vld [tilespmem:$0x610]  }
0x1b6: {  	v14 =	vld [tilespmem:$0x680]  }
0x1b7: {  	v15 =	vld [tilespmem:$0x690]  }
0x1b8: {  	v16 =	vld [tilespmem:$0x700]  }
0x1b9: {  	v17 =	vld [tilespmem:$0x710]  }
0x1ba: {  	v18 =	vld [tilespmem:$0x780]  }
0x1bb: {  	v19 =	vld [tilespmem:$0x790]  }
0x1bc: {  	v56 =	vld [tilespmem:$0x800]  }
0x1bd: {  	v57 =	vld [tilespmem:$0x810]  }
0x1be: {  	v58 =	vld [tilespmem:$0x880]  }
0x1bf: {  	v59 =	vld [tilespmem:$0x890]  }
0x1c0: {  	v21 =	vld [tilespmem:$0xA00]  }
0x1c1: {  	v23 =	vld [tilespmem:$0xA10]  }
0x1c2: {  	v25 =	vld [tilespmem:$0xA80]  }
0x1c3: {  	v27 =	vld [tilespmem:$0xA90]  }
0x1c4: {  	v29 =	vld [tilespmem:$0xB00]  }
0x1c5: {  	v31 =	vld [tilespmem:$0xB10]  }
0x1c6: {  	v33 =	vld [tilespmem:$0xB80]  }
0x1c7: {  	v35 =	vld [tilespmem:$0xB90]  }
0x1c8: {  	v47 =	vld [tilespmem:$0xC00]  }
0x1c9: {  	v44 =	vld [tilespmem:$0xC10]  }
0x1ca: {  	v41 =	vld [tilespmem:$0xC80]  }
0x1cb: {  	v38 =	vld [tilespmem:$0xC90]  }
0x1cc: {  	v20 =	vld [tilespmem:$0xD00]  }
0x1cd: {  	v22 =	vld [tilespmem:$0xD10]  }
0x1ce: {  	v24 =	vld [tilespmem:$0xD80]  }
0x1cf: {  	v26 =	vld [tilespmem:$0xD90]  }
0x1d0: {  	v28 =	vld [tilespmem:$0xE00]  }
0x1d1: {  	v30 =	vld [tilespmem:$0xE10]  }
0x1d2: {  	v32 =	vld [tilespmem:$0xE80]  }
0x1d3: {  	v34 =	vld [tilespmem:$0xE90]  }
0x1d4: {  	v36 =	vld [tilespmem:$0xF00]  }
0x1d5: {  	v39 =	vld [tilespmem:$0xF10]  }
0x1d6: {  	v42 =	vld [tilespmem:$0xF80]  }
0x1d7: {  	v45 =	vld [tilespmem:$0xF90]  }
0x1d8: {  	v0 =	vld [tilespmem:$0x1800]  }
0x1d9: {  	v1 =	vld [tilespmem:$0x1810]  }
0x1da: {  	v2 =	vld [tilespmem:$0x1880]  }
0x1db: {  	v3 =	vld [tilespmem:$0x1890]  }
0x1dc: {  	[tilespmem:$0x1F910] =	vst v60;
	v60 =	vld [tilespmem:$0x900]  }
0x1dd: {  	[tilespmem:$0x1F920] =	vst v61;
	v61 =	vld [tilespmem:$0x910]  }
0x1de: {  	[tilespmem:$0x1F930] =	vst v62;
	v62 =	vld [tilespmem:$0x980]  }
0x1df: {  	[tilespmem:$0x1F940] =	vst v63;
	v63 =	vld [tilespmem:$0x990]  }
0x1e0: {  	[tilespmem:$0x1F960] =	vst v5;
	v5 =	vld [tilespmem:$0x1000]  }
0x1e1: {  	[tilespmem:$0x1F970] =	vst v6;
	v6 =	vld [tilespmem:$0x1010]  }
0x1e2: {  	[tilespmem:$0x1F980] =	vst v7;
	v7 =	vld [tilespmem:$0x1080]  }
0x1e3: {  	[tilespmem:$0x1F990] =	vst v8;
	v8 =	vld [tilespmem:$0x1090]  }
0x1e4: {  	[tilespmem:$0x1F9B0] =	vst v9;
	v9 =	vld [tilespmem:$0x1100]  }
0x1e5: {  	[tilespmem:$0x1F9D0] =	vst v10;
	v10 =	vld [tilespmem:$0x1110]  }
0x1e6: {  	[tilespmem:$0x1F9F0] =	vst v11;
	v11 =	vld [tilespmem:$0x1180]  }
0x1e7: {  	[tilespmem:$0x1FA10] =	vst v12;
	v12 =	vld [tilespmem:$0x1190]  }
0x1e8: {  	[tilespmem:$0x1FA30] =	vst v13;
	v13 =	vld [tilespmem:$0x1200]  }
0x1e9: {  	[tilespmem:$0x1FA50] =	vst v14;
	v14 =	vld [tilespmem:$0x1210]  }
0x1ea: {  	[tilespmem:$0x1FA70] =	vst v15;
	v15 =	vld [tilespmem:$0x1280]  }
0x1eb: {  	[tilespmem:$0x1FAA0] =	vst v16;
	v16 =	vld [tilespmem:$0x1290]  }
0x1ec: {  	[tilespmem:$0x1FAD0] =	vst v17;
	v17 =	vld [tilespmem:$0x1300]  }
0x1ed: {  	[tilespmem:$0x1FB00] =	vst v18;
	v18 =	vld [tilespmem:$0x1310]  }
0x1ee: {  	[tilespmem:$0x1FB30] =	vst v19;
	v19 =	vld [tilespmem:$0x1380]  }
0x1ef: {  	[tilespmem:$0x1F9A0] =	vst v20;
	v20 =	vld [tilespmem:$0x1390]  }
0x1f0: {  	[tilespmem:$0x1F9C0] =	vst v22;
	v22 =	vld [tilespmem:$0x1400]  }
0x1f1: {  	[tilespmem:$0x1F9E0] =	vst v24;
	v24 =	vld [tilespmem:$0x1410]  }
0x1f2: {  	[tilespmem:$0x1FA00] =	vst v26;
	v26 =	vld [tilespmem:$0x1480]  }
0x1f3: {  	[tilespmem:$0x1FA20] =	vst v28;
	v28 =	vld [tilespmem:$0x1490]  }
0x1f4: {  	[tilespmem:$0x1FA40] =	vst v30;
	v30 =	vld [tilespmem:$0x1500]  }
0x1f5: {  	[tilespmem:$0x1FA60] =	vst v32;
	v32 =	vld [tilespmem:$0x1510]  }
0x1f6: {  	[tilespmem:$0x1FA80] =	vst v34;
	v34 =	vld [tilespmem:$0x1580]  }
0x1f7: {  	[tilespmem:$0x1FAB0] =	vst v36;
	v36 =	vld [tilespmem:$0x1590]  }
0x1f8: {  	[tilespmem:$0x1FB40] =	vst v45;
	v45 =	vld [tilespmem:$0x1600]  }
0x1f9: {  	[tilespmem:$0x1F950] =	vst v4;
	v4 =	vld [tilespmem:$0x1690]  }
0x1fa: {  	[tilespmem:$0x1FB10] =	vst v42;
	v42 =	vld [tilespmem:$0x1610]  }
0x1fb: {  	[tilespmem:$0x1FAE0] =	vst v39;
	v39 =	vld [tilespmem:$0x1680]  }
0x1fc: {  	v58 =	vmax.f32 v50, v58;
	v50 =	vld [tilespmem:$0x1990]  }
0x1fd: {  	v48 =	vmax.f32 v48, v56;
	v56 =	vld [tilespmem:$0x1A00]  }
0x1fe: {  	[tilespmem:$0x1FA90] =	vst v4;
	v4 =	vld [tilespmem:$0x1700]  }
0x1ff: {  	v0 =	vmax.f32 v5, v0;
	v5 =	vld [tilespmem:$0x1910]  }
0x200: {  	v1 =	vmax.f32 v6, v1;
	v6 =	vld [tilespmem:$0x1980]  }
0x201: {  	v49 =	vmax.f32 v49, v57;
	v57 =	vmax.f32 v52, v60;
	v60 =	vld [tilespmem:$0x1A80]  }
0x202: {  	v51 =	vmax.f32 v51, v59;
	v59 =	vmax.f32 v53, v61;
	v61 =	vmax.f32 v54, v62;
	v62 =	vld [tilespmem:$0x1A90]  }
0x203: {  	v53 =	vld [tilespmem:$0x1B80]  }
0x204: {  	v52 =	vmax.f32 v43, v23;
	v23 =	vld [tilespmem:$0x1F9A0]  }
0x205: {  	v54 =	vmax.f32 v40, v25;
	v25 =	vld [tilespmem:$0x1F9B0]  }
0x206: {  	v40 =	vld [tilespmem:$0x1F80]  }
0x207: {  	v2 =	vmax.f32 v7, v2;
	v43 =	vld [tilespmem:$0x1F90]  }
0x208: {  	v2 =	vmax.f32 v58, v2;
	v58 =	vld [tilespmem:$0x1A10]  }
0x209: {  	v3 =	vmax.f32 v8, v3;
	v1 =	vmax.f32 v49, v1;
	v49 =	vld [tilespmem:$0x1B00]  }
0x20a: {  	v3 =	vmax.f32 v51, v3;
	v51 =	vld [tilespmem:$0x1B10]  }
0x20b: {  	v0 =	vmax.f32 v48, v0;
	v48 =	vmax.f32 v55, v63;
	v55 =	vld [tilespmem:$0x1B90]  }
0x20c: {  	v63 =	vld [tilespmem:$0x1C90]  }
0x20d: {  	[tilespmem:$0x2000] =	vst v0;
	v0 =	vmax.f32 v12, v50;
	v12 =	vld [tilespmem:$0x1F940]  }
0x20e: {  	[tilespmem:$0x2010] =	vst v1;
	v1 =	vmax.f32 v13, v56;
	v13 =	vld [tilespmem:$0x1D00]  }
0x20f: {  	v50 =	vmax.f32 v46, v21;
	v21 =	vld [tilespmem:$0x1E00]  }
0x210: {  	v56 =	vmax.f32 v37, v27;
	v27 =	vld [tilespmem:$0x1E80]  }
0x211: {  	v37 =	vld [tilespmem:$0x1FA30]  }
0x212: {  	v46 =	vld [tilespmem:$0x1FA90]  }
0x213: {  	v0 =	vmax.f32 v48, v0;
	v48 =	vld [tilespmem:$0x1FAB0]  }
0x214: {  	v1 =	vmax.f32 v50, v1;
	v50 =	vld [tilespmem:$0x1FAD0]  }
0x215: {  	[tilespmem:$0x1FAC0] =	vst v4;
	v4 =	vld [tilespmem:$0x1710]  }
0x216: {  	[tilespmem:$0x2090] =	vst v3;
	v3 =	vmax.f32 v15, v60;
	v60 =	vld [tilespmem:$0x1F920]  }
0x217: {  	v15 =	vld [tilespmem:$0x1D10]  }
0x218: {  	[tilespmem:$0x2190] =	vst v0;
	v0 =	vmax.f32 v19, v53;
	v19 =	vld [tilespmem:$0x1D90]  }
0x219: {  	v53 =	vld [tilespmem:$0x1FB00]  }
0x21a: {  	[tilespmem:$0x2080] =	vst v2;
	v5 =	vmax.f32 v10, v5;
	v2 =	vmax.f32 v14, v58;
	v58 =	vld [tilespmem:$0x1F910]  }
0x21b: {  	v6 =	vmax.f32 v11, v6;
	v5 =	vmax.f32 v59, v5;
	v59 =	vld [tilespmem:$0x1C10]  }
0x21c: {  	v6 =	vmax.f32 v61, v6;
	v61 =	vld [tilespmem:$0x1C80]  }
0x21d: {  	v14 =	vld [tilespmem:$0x1F950]  }
0x21e: {  	[tilespmem:$0x2200] =	vst v1;
	v1 =	vmax.f32 v20, v55;
	v20 =	vld [tilespmem:$0x1F980]  }
0x21f: {  	v3 =	vmax.f32 v54, v3;
	v54 =	vld [tilespmem:$0x1FB10]  }
0x220: {  	[tilespmem:$0x2110] =	vst v5;
	v5 =	vmax.f32 v17, v49;
	v17 =	vld [tilespmem:$0x1D80]  }
0x221: {  	[tilespmem:$0x1FAF0] =	vst v4;
	v4 =	vld [tilespmem:$0x1780]  }
0x222: {  	[tilespmem:$0x2180] =	vst v6;
	v6 =	vmax.f32 v18, v51;
	v18 =	vld [tilespmem:$0x1F970]  }
0x223: {  	v49 =	vld [tilespmem:$0x1FAC0]  }
0x224: {  	v51 =	vld [tilespmem:$0x1FAE0]  }
0x225: {  	v7 =	vmax.f32 v60, v31;
	v31 =	vld [tilespmem:$0x1F9F0]  }
0x226: {  	[tilespmem:$0x1FB20] =	vst v4;
	v4 =	vld [tilespmem:$0x1790]  }
0x227: {  	[tilespmem:$0x2280] =	vst v3;
	v3 =	vmax.f32 v24, v59;
	v24 =	vld [tilespmem:$0x1E10]  }
0x228: {  	v8 =	vmax.f32 v58, v29;
	v29 =	vld [tilespmem:$0x1F9E0]  }
0x229: {  	v6 =	vmax.f32 v7, v6;
	v7 =	vmax.f32 v30, v13;
	v30 =	vld [tilespmem:$0x1E90]  }
0x22a: {  	v2 =	vmax.f32 v52, v2;
	v52 =	vld [tilespmem:$0x1FAF0]  }
0x22b: {  	[tilespmem:$0x1FB50] =	vst v4;
	v4 =	vld [tilespmem:$0x1900]  }
0x22c: {  	v5 =	vmax.f32 v8, v5;
	v8 =	vmax.f32 v28, v63;
	v28 =	vld [tilespmem:$0x1F9D0]  }
0x22d: {  	[tilespmem:$0x2310] =	vst v6;
	v6 =	vmax.f32 v32, v15;
	v32 =	vld [tilespmem:$0x1FA00]  }
0x22e: {  	[tilespmem:$0x2300] =	vst v5;
	v5 =	vmax.f32 v12, v35;
	v35 =	vld [tilespmem:$0x1FA20]  }
0x22f: {  	v1 =	vmax.f32 v5, v1;
	v5 =	vmax.f32 v34, v17;
	v34 =	vld [tilespmem:$0x1FA10]  }
0x230: {  	v4 =	vmax.f32 v9, v4;
	v9 =	vmax.f32 v26, v61;
	v26 =	vld [tilespmem:$0x1F9C0]  }
0x231: {  	v4 =	vmax.f32 v57, v4;
	v57 =	vld [tilespmem:$0x1C00]  }
0x232: {  	[tilespmem:$0x2100] =	vst v4;
	v4 =	vmax.f32 v16, v62;
	v62 =	vld [tilespmem:$0x1F930]  }
0x233: {  	[tilespmem:$0x2390] =	vst v1;
	v1 =	vmax.f32 v18, v41;
	v41 =	vld [tilespmem:$0x1FA50]  }
0x234: {  	v16 =	vld [tilespmem:$0x1F960]  }
0x235: {  	[tilespmem:$0x2210] =	vst v2;
	v55 =	vld [tilespmem:$0x1FB20];
	v1 =	vmax.f32 v1, v9  }
0x236: {  	v58 =	vld [tilespmem:$0x1FB50];
	[tilespmem:$0x2480] =	vst v1;
	v4 =	vmax.f32 v56, v4;
	v1 =	vmax.f32 v25, v26  }
0x237: {  	[tilespmem:$0x2290] =	vst v4;
	v2 =	vmax.f32 v22, v57;
	v22 =	vld [tilespmem:$0x1F990];
	v1 =	vmax.f32 v1, v6;
	v4 =	vmax.f32 v62, v33  }
0x238: {  	v9 =	vmax.f32 v42, v24;
	v42 =	vld [tilespmem:$0x1FA60];
	[tilespmem:$0x2510] =	vst v1;
	v0 =	vmax.f32 v4, v0;
	v4 =	vmax.f32 v14, v47  }
0x239: {  	v33 =	vld [tilespmem:$0x1F00];
	[tilespmem:$0x2380] =	vst v0;
	v0 =	vmax.f32 v16, v44;
	v2 =	vmax.f32 v4, v2  }
0x23a: {  	v0 =	vmax.f32 v0, v3;
	[tilespmem:$0x2400] =	vst v2;
	v2 =	vmax.f32 v20, v38;
	v38 =	vld [tilespmem:$0x1FA40]  }
0x23b: {  	v1 =	vmax.f32 v34, v35;
	v44 =	vld [tilespmem:$0x1FA70];
	v3 =	vmax.f32 v45, v21;
	[tilespmem:$0x2410] =	vst v0;
	v2 =	vmax.f32 v2, v8  }
0x23c: {  	v45 =	vld [tilespmem:$0x1FA80];
	v0 =	vmax.f32 v22, v23;
	v1 =	vmax.f32 v1, v3;
	[tilespmem:$0x2490] =	vst v2  }
0x23d: {  	v47 =	vld [tilespmem:$0x1FAA0];
	v0 =	vmax.f32 v0, v7;
	v2 =	vmax.f32 v28, v29;
	[tilespmem:$0x2600] =	vst v1  }
0x23e: {  	v4 =	vmax.f32 v36, v19;
	v36 =	vld [tilespmem:$0x1F10];
	[tilespmem:$0x2500] =	vst v0;
	v0 =	vmax.f32 v31, v32;
	v2 =	vmax.f32 v2, v5  }
0x23f: {  	v56 =	vld [tilespmem:$0x1FB30];
	v0 =	vmax.f32 v0, v4;
	[tilespmem:$0x2580] =	vst v2;
	v2 =	vmax.f32 v37, v38  }
0x240: {  	v57 =	vld [tilespmem:$0x1FB40];
	v8 =	vmax.f32 v39, v27;
	[tilespmem:$0x2590] =	vst v0;
	v0 =	vmax.f32 v41, v42;
	v2 =	vmax.f32 v2, v9  }
0x241: {  	v7 =	vmax.f32 v46, v30;
	v1 =	vmax.f32 v44, v45;
	v0 =	vmax.f32 v0, v8;
	[tilespmem:$0x2610] =	vst v2  }
0x242: {  	v6 =	vmax.f32 v49, v33;
	v1 =	vmax.f32 v1, v7;
	v2 =	vmax.f32 v47, v48;
	[tilespmem:$0x2680] =	vst v0  }
0x243: {  	v5 =	vmax.f32 v52, v36;
	v0 =	vmax.f32 v50, v51;
	[tilespmem:$0x2690] =	vst v1;
	v2 =	vmax.f32 v2, v6  }
0x244: {  	v4 =	vmax.f32 v55, v40;
	v1 =	vmax.f32 v53, v54;
	v0 =	vmax.f32 v0, v5;
	[tilespmem:$0x2700] =	vst v2  }
0x245: {  	v3 =	vmax.f32 v58, v43;
	v1 =	vmax.f32 v1, v4;
	v2 =	vmax.f32 v56, v57;
	[tilespmem:$0x2710] =	vst v0  }
0x246: {  	[tilespmem:$0x2780] =	vst v1;
	v59 =	vmax.f32 v2, v3  }
0x247: {  	s21 =	sadd.s32 $0x80000, s14;
	[tilespmem:$0x2790] =	vst v59  }
0x248: {  	[hbm4b:s21+s2] =	stream.linear.scatter [tilespmem:s10], [sflag:$0x1], $0x800, $0x38;
	[tilespmem:$0x2800] =	vst v63  }
0x249: {  	_ =	swait.ge [sflag:s6], $0x800  }
0x24a: {  	[sflag:s6] =	ssyncset.done $0x0  }
0x24b: {  	s22 =	sadd.s32 $0x300000, s13;
	[sflag:s6] =	ssyncadd.s32 $0xFFFFF800  }
0x24c: {  	[tilespmem:s2], [sflag:$0x1] =	stream.linear.gather [hbm4b:s22+s2], $0x800, $0x38;
	[tilespmem:$0x2800] =	vst v63  }
0x24d: {  	_ =	swait.ge [sflag:s6], $0x800  }
0x24e: {  	[sflag:s6] =	ssyncset.done $0x0  }
0x24f: {  	s23 =	sadd.s32 $0x340000, s13;
	[sflag:s6] =	ssyncadd.s32 $0xFFFFF800  }
0x250: {  	[tilespmem:s7], [sflag:$0x1] =	stream.linear.gather [hbm4b:s23+s2], $0x800, $0x38;
	[tilespmem:$0x2800] =	vst v63  }
0x251: {  	_ =	swait.ge [sflag:s6], $0x800  }
0x252: {  	[sflag:s6] =	ssyncset.done $0x0  }
0x253: {  	s24 =	sadd.s32 $0x380000, s13;
	[sflag:s6] =	ssyncadd.s32 $0xFFFFF800  }
0x254: {  	[tilespmem:s8], [sflag:$0x1] =	stream.linear.gather [hbm4b:s24+s2], $0x800, $0x38;
	[tilespmem:$0x2800] =	vst v63  }
0x255: {  	_ =	swait.ge [sflag:s6], $0x800  }
0x256: {  	[sflag:s6] =	ssyncset.done $0x0  }
0x257: {  	s25 =	sadd.s32 $0x3C0000, s13;
	[sflag:s6] =	ssyncadd.s32 $0xFFFFF800  }
0x258: {  	[tilespmem:s9], [sflag:$0x1] =	stream.linear.gather [hbm4b:s25+s2], $0x800, $0x38;
	[tilespmem:$0x2800] =	vst v63  }
0x259: {  	_ =	swait.ge [sflag:s6], $0x800  }
0x25a: {  	[sflag:s6] =	ssyncset.done $0x0  }
0x25b: {  	[sflag:s6] =	ssyncadd.s32 $0xFFFFF800  }
0x25c: {  	v48 =	vld [tilespmem:$0x0]  }
0x25d: {  	v49 =	vld [tilespmem:$0x10]  }
0x25e: {  	v50 =	vld [tilespmem:$0x80]  }
0x25f: {  	v51 =	vld [tilespmem:$0x90]  }
0x260: {  	v52 =	vld [tilespmem:$0x100]  }
0x261: {  	v53 =	vld [tilespmem:$0x110]  }
0x262: {  	v54 =	vld [tilespmem:$0x180]  }
0x263: {  	v55 =	vld [tilespmem:$0x190]  }
0x264: {  	v46 =	vld [tilespmem:$0x200]  }
0x265: {  	v43 =	vld [tilespmem:$0x210]  }
0x266: {  	v40 =	vld [tilespmem:$0x280]  }
0x267: {  	v37 =	vld [tilespmem:$0x290]  }
0x268: {  	v60 =	vld [tilespmem:$0x300]  }
0x269: {  	v61 =	vld [tilespmem:$0x310]  }
0x26a: {  	v62 =	vld [tilespmem:$0x380]  }
0x26b: {  	v63 =	vld [tilespmem:$0x390]  }
0x26c: {  	v4 =	vld [tilespmem:$0x400]  }
0x26d: {  	v5 =	vld [tilespmem:$0x410]  }
0x26e: {  	v6 =	vld [tilespmem:$0x480]  }
0x26f: {  	v7 =	vld [tilespmem:$0x490]  }
0x270: {  	v8 =	vld [tilespmem:$0x500]  }
0x271: {  	v9 =	vld [tilespmem:$0x510]  }
0x272: {  	v10 =	vld [tilespmem:$0x580]  }
0x273: {  	v11 =	vld [tilespmem:$0x590]  }
0x274: {  	v12 =	vld [tilespmem:$0x600]  }
0x275: {  	v13 =	vld [tilespmem:$0x610]  }
0x276: {  	v14 =	vld [tilespmem:$0x680]  }
0x277: {  	v15 =	vld [tilespmem:$0x690]  }
0x278: {  	v16 =	vld [tilespmem:$0x700]  }
0x279: {  	v17 =	vld [tilespmem:$0x710]  }
0x27a: {  	v18 =	vld [tilespmem:$0x780]  }
0x27b: {  	v19 =	vld [tilespmem:$0x790]  }
0x27c: {  	v56 =	vld [tilespmem:$0x800]  }
0x27d: {  	v57 =	vld [tilespmem:$0x810]  }
0x27e: {  	v58 =	vld [tilespmem:$0x880]  }
0x27f: {  	v59 =	vld [tilespmem:$0x890]  }
0x280: {  	v21 =	vld [tilespmem:$0xA00]  }
0x281: {  	v23 =	vld [tilespmem:$0xA10]  }
0x282: {  	v25 =	vld [tilespmem:$0xA80]  }
0x283: {  	v27 =	vld [tilespmem:$0xA90]  }
0x284: {  	v29 =	vld [tilespmem:$0xB00]  }
0x285: {  	v31 =	vld [tilespmem:$0xB10]  }
0x286: {  	v33 =	vld [tilespmem:$0xB80]  }
0x287: {  	v35 =	vld [tilespmem:$0xB90]  }
0x288: {  	v47 =	vld [tilespmem:$0xC00]  }
0x289: {  	v44 =	vld [tilespmem:$0xC10]  }
0x28a: {  	v41 =	vld [tilespmem:$0xC80]  }
0x28b: {  	v38 =	vld [tilespmem:$0xC90]  }
0x28c: {  	v20 =	vld [tilespmem:$0xD00]  }
0x28d: {  	v22 =	vld [tilespmem:$0xD10]  }
0x28e: {  	v24 =	vld [tilespmem:$0xD80]  }
0x28f: {  	v26 =	vld [tilespmem:$0xD90]  }
0x290: {  	v28 =	vld [tilespmem:$0xE00]  }
0x291: {  	v30 =	vld [tilespmem:$0xE10]  }
0x292: {  	v32 =	vld [tilespmem:$0xE80]  }
0x293: {  	v34 =	vld [tilespmem:$0xE90]  }
0x294: {  	v36 =	vld [tilespmem:$0xF00]  }
0x295: {  	v39 =	vld [tilespmem:$0xF10]  }
0x296: {  	v42 =	vld [tilespmem:$0xF80]  }
0x297: {  	v45 =	vld [tilespmem:$0xF90]  }
0x298: {  	v0 =	vld [tilespmem:$0x1800]  }
0x299: {  	v1 =	vld [tilespmem:$0x1810]  }
0x29a: {  	v2 =	vld [tilespmem:$0x1880]  }
0x29b: {  	v3 =	vld [tilespmem:$0x1890]  }
0x29c: {  	[tilespmem:$0x1FB60] =	vst v60;
	v60 =	vld [tilespmem:$0x900]  }
0x29d: {  	[tilespmem:$0x1FB70] =	vst v61;
	v61 =	vld [tilespmem:$0x910]  }
0x29e: {  	[tilespmem:$0x1FB80] =	vst v62;
	v62 =	vld [tilespmem:$0x980]  }
0x29f: {  	[tilespmem:$0x1FB90] =	vst v63;
	v63 =	vld [tilespmem:$0x990]  }
0x2a0: {  	[tilespmem:$0x1FBB0] =	vst v5;
	v5 =	vld [tilespmem:$0x1000]  }
0x2a1: {  	[tilespmem:$0x1FBC0] =	vst v6;
	v6 =	vld [tilespmem:$0x1010]  }
0x2a2: {  	[tilespmem:$0x1FBD0] =	vst v7;
	v7 =	vld [tilespmem:$0x1080]  }
0x2a3: {  	[tilespmem:$0x1FBE0] =	vst v8;
	v8 =	vld [tilespmem:$0x1090]  }
0x2a4: {  	[tilespmem:$0x1FC00] =	vst v9;
	v9 =	vld [tilespmem:$0x1100]  }
0x2a5: {  	[tilespmem:$0x1FC20] =	vst v10;
	v10 =	vld [tilespmem:$0x1110]  }
0x2a6: {  	[tilespmem:$0x1FC40] =	vst v11;
	v11 =	vld [tilespmem:$0x1180]  }
0x2a7: {  	[tilespmem:$0x1FC60] =	vst v12;
	v12 =	vld [tilespmem:$0x1190]  }
0x2a8: {  	[tilespmem:$0x1FC80] =	vst v13;
	v13 =	vld [tilespmem:$0x1200]  }
0x2a9: {  	[tilespmem:$0x1FCA0] =	vst v14;
	v14 =	vld [tilespmem:$0x1210]  }
0x2aa: {  	[tilespmem:$0x1FCC0] =	vst v15;
	v15 =	vld [tilespmem:$0x1280]  }
0x2ab: {  	[tilespmem:$0x1FCF0] =	vst v16;
	v16 =	vld [tilespmem:$0x1290]  }
0x2ac: {  	[tilespmem:$0x1FD20] =	vst v17;
	v17 =	vld [tilespmem:$0x1300]  }
0x2ad: {  	[tilespmem:$0x1FD50] =	vst v18;
	v18 =	vld [tilespmem:$0x1310]  }
0x2ae: {  	[tilespmem:$0x1FD80] =	vst v19;
	v19 =	vld [tilespmem:$0x1380]  }
0x2af: {  	[tilespmem:$0x1FBF0] =	vst v20;
	v20 =	vld [tilespmem:$0x1390]  }
0x2b0: {  	[tilespmem:$0x1FC10] =	vst v22;
	v22 =	vld [tilespmem:$0x1400]  }
0x2b1: {  	[tilespmem:$0x1FC30] =	vst v24;
	v24 =	vld [tilespmem:$0x1410]  }
0x2b2: {  	[tilespmem:$0x1FC50] =	vst v26;
	v26 =	vld [tilespmem:$0x1480]  }
0x2b3: {  	[tilespmem:$0x1FC70] =	vst v28;
	v28 =	vld [tilespmem:$0x1490]  }
0x2b4: {  	[tilespmem:$0x1FC90] =	vst v30;
	v30 =	vld [tilespmem:$0x1500]  }
0x2b5: {  	[tilespmem:$0x1FCB0] =	vst v32;
	v32 =	vld [tilespmem:$0x1510]  }
0x2b6: {  	[tilespmem:$0x1FCD0] =	vst v34;
	v34 =	vld [tilespmem:$0x1580]  }
0x2b7: {  	[tilespmem:$0x1FD00] =	vst v36;
	v36 =	vld [tilespmem:$0x1590]  }
0x2b8: {  	[tilespmem:$0x1FD90] =	vst v45;
	v45 =	vld [tilespmem:$0x1600]  }
0x2b9: {  	[tilespmem:$0x1FBA0] =	vst v4;
	v4 =	vld [tilespmem:$0x1690]  }
0x2ba: {  	[tilespmem:$0x1FD60] =	vst v42;
	v42 =	vld [tilespmem:$0x1610]  }
0x2bb: {  	[tilespmem:$0x1FD30] =	vst v39;
	v39 =	vld [tilespmem:$0x1680]  }
0x2bc: {  	v58 =	vmax.f32 v50, v58;
	v50 =	vld [tilespmem:$0x1990]  }
0x2bd: {  	v48 =	vmax.f32 v48, v56;
	v56 =	vld [tilespmem:$0x1A00]  }
0x2be: {  	[tilespmem:$0x1FCE0] =	vst v4;
	v4 =	vld [tilespmem:$0x1700]  }
0x2bf: {  	v0 =	vmax.f32 v5, v0;
	v5 =	vld [tilespmem:$0x1910]  }
0x2c0: {  	v1 =	vmax.f32 v6, v1;
	v6 =	vld [tilespmem:$0x1980]  }
0x2c1: {  	v49 =	vmax.f32 v49, v57;
	v57 =	vmax.f32 v52, v60;
	v60 =	vld [tilespmem:$0x1A80]  }
0x2c2: {  	v51 =	vmax.f32 v51, v59;
	v59 =	vmax.f32 v53, v61;
	v61 =	vmax.f32 v54, v62;
	v62 =	vld [tilespmem:$0x1A90]  }
0x2c3: {  	v53 =	vld [tilespmem:$0x1B80]  }
0x2c4: {  	v52 =	vmax.f32 v43, v23;
	v23 =	vld [tilespmem:$0x1FBF0]  }
0x2c5: {  	v54 =	vmax.f32 v40, v25;
	v25 =	vld [tilespmem:$0x1FC00]  }
0x2c6: {  	v40 =	vld [tilespmem:$0x1F80]  }
0x2c7: {  	v2 =	vmax.f32 v7, v2;
	v43 =	vld [tilespmem:$0x1F90]  }
0x2c8: {  	v2 =	vmax.f32 v58, v2;
	v58 =	vld [tilespmem:$0x1A10]  }
0x2c9: {  	v3 =	vmax.f32 v8, v3;
	v1 =	vmax.f32 v49, v1;
	v49 =	vld [tilespmem:$0x1B00]  }
0x2ca: {  	v3 =	vmax.f32 v51, v3;
	v51 =	vld [tilespmem:$0x1B10]  }
0x2cb: {  	v0 =	vmax.f32 v48, v0;
	v48 =	vmax.f32 v55, v63;
	v55 =	vld [tilespmem:$0x1B90]  }
0x2cc: {  	v63 =	vld [tilespmem:$0x1C90]  }
0x2cd: {  	[tilespmem:$0x2000] =	vst v0;
	v0 =	vmax.f32 v12, v50;
	v12 =	vld [tilespmem:$0x1FB90]  }
0x2ce: {  	[tilespmem:$0x2010] =	vst v1;
	v1 =	vmax.f32 v13, v56;
	v13 =	vld [tilespmem:$0x1D00]  }
0x2cf: {  	v50 =	vmax.f32 v46, v21;
	v21 =	vld [tilespmem:$0x1E00]  }
0x2d0: {  	v56 =	vmax.f32 v37, v27;
	v27 =	vld [tilespmem:$0x1E80]  }
0x2d1: {  	v37 =	vld [tilespmem:$0x1FC80]  }
0x2d2: {  	v46 =	vld [tilespmem:$0x1FCE0]  }
0x2d3: {  	v0 =	vmax.f32 v48, v0;
	v48 =	vld [tilespmem:$0x1FD00]  }
0x2d4: {  	v1 =	vmax.f32 v50, v1;
	v50 =	vld [tilespmem:$0x1FD20]  }
0x2d5: {  	[tilespmem:$0x1FD10] =	vst v4;
	v4 =	vld [tilespmem:$0x1710]  }
0x2d6: {  	[tilespmem:$0x2090] =	vst v3;
	v3 =	vmax.f32 v15, v60;
	v60 =	vld [tilespmem:$0x1FB70]  }
0x2d7: {  	v15 =	vld [tilespmem:$0x1D10]  }
0x2d8: {  	[tilespmem:$0x2190] =	vst v0;
	v0 =	vmax.f32 v19, v53;
	v19 =	vld [tilespmem:$0x1D90]  }
0x2d9: {  	v53 =	vld [tilespmem:$0x1FD50]  }
0x2da: {  	[tilespmem:$0x2080] =	vst v2;
	v5 =	vmax.f32 v10, v5;
	v2 =	vmax.f32 v14, v58;
	v58 =	vld [tilespmem:$0x1FB60]  }
0x2db: {  	v6 =	vmax.f32 v11, v6;
	v5 =	vmax.f32 v59, v5;
	v59 =	vld [tilespmem:$0x1C10]  }
0x2dc: {  	v6 =	vmax.f32 v61, v6;
	v61 =	vld [tilespmem:$0x1C80]  }
0x2dd: {  	v14 =	vld [tilespmem:$0x1FBA0]  }
0x2de: {  	[tilespmem:$0x2200] =	vst v1;
	v1 =	vmax.f32 v20, v55;
	v20 =	vld [tilespmem:$0x1FBD0]  }
0x2df: {  	v3 =	vmax.f32 v54, v3;
	v54 =	vld [tilespmem:$0x1FD60]  }
0x2e0: {  	[tilespmem:$0x2110] =	vst v5;
	v5 =	vmax.f32 v17, v49;
	v17 =	vld [tilespmem:$0x1D80]  }
0x2e1: {  	[tilespmem:$0x1FD40] =	vst v4;
	v4 =	vld [tilespmem:$0x1780]  }
0x2e2: {  	[tilespmem:$0x2180] =	vst v6;
	v6 =	vmax.f32 v18, v51;
	v18 =	vld [tilespmem:$0x1FBC0]  }
0x2e3: {  	v49 =	vld [tilespmem:$0x1FD10]  }
0x2e4: {  	v51 =	vld [tilespmem:$0x1FD30]  }
0x2e5: {  	v7 =	vmax.f32 v60, v31;
	v31 =	vld [tilespmem:$0x1FC40]  }
0x2e6: {  	[tilespmem:$0x1FD70] =	vst v4;
	v4 =	vld [tilespmem:$0x1790]  }
0x2e7: {  	[tilespmem:$0x2280] =	vst v3;
	v3 =	vmax.f32 v24, v59;
	v24 =	vld [tilespmem:$0x1E10]  }
0x2e8: {  	v8 =	vmax.f32 v58, v29;
	v29 =	vld [tilespmem:$0x1FC30]  }
0x2e9: {  	v6 =	vmax.f32 v7, v6;
	v7 =	vmax.f32 v30, v13;
	v30 =	vld [tilespmem:$0x1E90]  }
0x2ea: {  	v2 =	vmax.f32 v52, v2;
	v52 =	vld [tilespmem:$0x1FD40]  }
0x2eb: {  	[tilespmem:$0x1FDA0] =	vst v4;
	v4 =	vld [tilespmem:$0x1900]  }
0x2ec: {  	v5 =	vmax.f32 v8, v5;
	v8 =	vmax.f32 v28, v63;
	v28 =	vld [tilespmem:$0x1FC20]  }
0x2ed: {  	[tilespmem:$0x2310] =	vst v6;
	v6 =	vmax.f32 v32, v15;
	v32 =	vld [tilespmem:$0x1FC50]  }
0x2ee: {  	[tilespmem:$0x2300] =	vst v5;
	v5 =	vmax.f32 v12, v35;
	v35 =	vld [tilespmem:$0x1FC70]  }
0x2ef: {  	v1 =	vmax.f32 v5, v1;
	v5 =	vmax.f32 v34, v17;
	v34 =	vld [tilespmem:$0x1FC60]  }
0x2f0: {  	v4 =	vmax.f32 v9, v4;
	v9 =	vmax.f32 v26, v61;
	v26 =	vld [tilespmem:$0x1FC10]  }
0x2f1: {  	v4 =	vmax.f32 v57, v4;
	v57 =	vld [tilespmem:$0x1C00]  }
0x2f2: {  	[tilespmem:$0x2100] =	vst v4;
	v4 =	vmax.f32 v16, v62;
	v62 =	vld [tilespmem:$0x1FB80]  }
0x2f3: {  	[tilespmem:$0x2390] =	vst v1;
	v1 =	vmax.f32 v18, v41;
	v41 =	vld [tilespmem:$0x1FCA0]  }
0x2f4: {  	v16 =	vld [tilespmem:$0x1FBB0]  }
0x2f5: {  	[tilespmem:$0x2210] =	vst v2;
	v55 =	vld [tilespmem:$0x1FD70];
	v1 =	vmax.f32 v1, v9  }
0x2f6: {  	v58 =	vld [tilespmem:$0x1FDA0];
	[tilespmem:$0x2480] =	vst v1;
	v4 =	vmax.f32 v56, v4;
	v1 =	vmax.f32 v25, v26  }
0x2f7: {  	[tilespmem:$0x2290] =	vst v4;
	v2 =	vmax.f32 v22, v57;
	v22 =	vld [tilespmem:$0x1FBE0];
	v1 =	vmax.f32 v1, v6;
	v4 =	vmax.f32 v62, v33  }
0x2f8: {  	v9 =	vmax.f32 v42, v24;
	v42 =	vld [tilespmem:$0x1FCB0];
	[tilespmem:$0x2510] =	vst v1;
	v0 =	vmax.f32 v4, v0;
	v4 =	vmax.f32 v14, v47  }
0x2f9: {  	v33 =	vld [tilespmem:$0x1F00];
	[tilespmem:$0x2380] =	vst v0;
	v0 =	vmax.f32 v16, v44;
	v2 =	vmax.f32 v4, v2  }
0x2fa: {  	v0 =	vmax.f32 v0, v3;
	[tilespmem:$0x2400] =	vst v2;
	v2 =	vmax.f32 v20, v38;
	v38 =	vld [tilespmem:$0x1FC90]  }
0x2fb: {  	v1 =	vmax.f32 v34, v35;
	v44 =	vld [tilespmem:$0x1FCC0];
	v3 =	vmax.f32 v45, v21;
	[tilespmem:$0x2410] =	vst v0;
	v2 =	vmax.f32 v2, v8  }
0x2fc: {  	v45 =	vld [tilespmem:$0x1FCD0];
	v0 =	vmax.f32 v22, v23;
	v1 =	vmax.f32 v1, v3;
	[tilespmem:$0x2490] =	vst v2  }
0x2fd: {  	v47 =	vld [tilespmem:$0x1FCF0];
	v0 =	vmax.f32 v0, v7;
	v2 =	vmax.f32 v28, v29;
	[tilespmem:$0x2600] =	vst v1  }
0x2fe: {  	v4 =	vmax.f32 v36, v19;
	v36 =	vld [tilespmem:$0x1F10];
	[tilespmem:$0x2500] =	vst v0;
	v0 =	vmax.f32 v31, v32;
	v2 =	vmax.f32 v2, v5  }
0x2ff: {  	v56 =	vld [tilespmem:$0x1FD80];
	v0 =	vmax.f32 v0, v4;
	[tilespmem:$0x2580] =	vst v2;
	v2 =	vmax.f32 v37, v38  }
0x300: {  	v57 =	vld [tilespmem:$0x1FD90];
	v8 =	vmax.f32 v39, v27;
	[tilespmem:$0x2590] =	vst v0;
	v0 =	vmax.f32 v41, v42;
	v2 =	vmax.f32 v2, v9  }
0x301: {  	v7 =	vmax.f32 v46, v30;
	v1 =	vmax.f32 v44, v45;
	v0 =	vmax.f32 v0, v8;
	[tilespmem:$0x2610] =	vst v2  }
0x302: {  	v6 =	vmax.f32 v49, v33;
	v1 =	vmax.f32 v1, v7;
	v2 =	vmax.f32 v47, v48;
	[tilespmem:$0x2680] =	vst v0  }
0x303: {  	v5 =	vmax.f32 v52, v36;
	v0 =	vmax.f32 v50, v51;
	[tilespmem:$0x2690] =	vst v1;
	v2 =	vmax.f32 v2, v6  }
0x304: {  	v4 =	vmax.f32 v55, v40;
	v1 =	vmax.f32 v53, v54;
	v0 =	vmax.f32 v0, v5;
	[tilespmem:$0x2700] =	vst v2  }
0x305: {  	v3 =	vmax.f32 v58, v43;
	v1 =	vmax.f32 v1, v4;
	v2 =	vmax.f32 v56, v57;
	[tilespmem:$0x2710] =	vst v0  }
0x306: {  	[tilespmem:$0x2780] =	vst v1;
	v59 =	vmax.f32 v2, v3  }
0x307: {  	s26 =	sadd.s32 $0xC0000, s14;
	[tilespmem:$0x2790] =	vst v59  }
0x308: {  	[hbm4b:s26+s2] =	stream.linear.scatter [tilespmem:s10], [sflag:$0x1], $0x800, $0x38;
	[tilespmem:$0x2800] =	vst v63  }
0x309: {  	_ =	swait.ge [sflag:s6], $0x800  }
0x30a: {  	[sflag:s6] =	ssyncset.done $0x0  }
0x30b: {  	s28 =	sadd.s32 $0x400000, s13;
	[sflag:s6] =	ssyncadd.s32 $0xFFFFF800  }
0x30c: {  	[tilespmem:s2], [sflag:$0x1] =	stream.linear.gather [hbm4b:s28+s2], $0x800, $0x38;
	[tilespmem:$0x2800] =	vst v63  }
0x30d: {  	_ =	swait.ge [sflag:s6], $0x800  }
0x30e: {  	[sflag:s6] =	ssyncset.done $0x0  }
0x30f: {  	s29 =	sadd.s32 $0x440000, s13;
	[sflag:s6] =	ssyncadd.s32 $0xFFFFF800  }
0x310: {  	[tilespmem:s7], [sflag:$0x1] =	stream.linear.gather [hbm4b:s29+s2], $0x800, $0x38;
	[tilespmem:$0x2800] =	vst v63  }
0x311: {  	_ =	swait.ge [sflag:s6], $0x800  }
0x312: {  	[sflag:s6] =	ssyncset.done $0x0  }
0x313: {  	s30 =	sadd.s32 $0x480000, s13;
	[sflag:s6] =	ssyncadd.s32 $0xFFFFF800  }
0x314: {  	[tilespmem:s8], [sflag:$0x1] =	stream.linear.gather [hbm4b:s30+s2], $0x800, $0x38;
	[tilespmem:$0x2800] =	vst v63  }
0x315: {  	_ =	swait.ge [sflag:s6], $0x800  }
0x316: {  	[sflag:s6] =	ssyncset.done $0x0  }
0x317: {  	s13 =	sadd.s32 $0x4C0000, s13;
	[sflag:s6] =	ssyncadd.s32 $0xFFFFF800  }
0x318: {  	[tilespmem:s9], [sflag:$0x1] =	stream.linear.gather [hbm4b:s13+s2], $0x800, $0x38;
	[tilespmem:$0x2800] =	vst v63  }
0x319: {  	_ =	swait.ge [sflag:s6], $0x800  }
0x31a: {  	[sflag:s6] =	ssyncset.done $0x0  }
0x31b: {  	[sflag:s6] =	ssyncadd.s32 $0xFFFFF800  }
0x31c: {  	v48 =	vld [tilespmem:$0x0]  }
0x31d: {  	v49 =	vld [tilespmem:$0x10]  }
0x31e: {  	v50 =	vld [tilespmem:$0x80]  }
0x31f: {  	v51 =	vld [tilespmem:$0x90]  }
0x320: {  	v52 =	vld [tilespmem:$0x100]  }
0x321: {  	v53 =	vld [tilespmem:$0x110]  }
0x322: {  	v54 =	vld [tilespmem:$0x180]  }
0x323: {  	v55 =	vld [tilespmem:$0x190]  }
0x324: {  	v46 =	vld [tilespmem:$0x200]  }
0x325: {  	v43 =	vld [tilespmem:$0x210]  }
0x326: {  	v40 =	vld [tilespmem:$0x280]  }
0x327: {  	v37 =	vld [tilespmem:$0x290]  }
0x328: {  	v60 =	vld [tilespmem:$0x300]  }
0x329: {  	v61 =	vld [tilespmem:$0x310]  }
0x32a: {  	v62 =	vld [tilespmem:$0x380]  }
0x32b: {  	v63 =	vld [tilespmem:$0x390]  }
0x32c: {  	v4 =	vld [tilespmem:$0x400]  }
0x32d: {  	v5 =	vld [tilespmem:$0x410]  }
0x32e: {  	v6 =	vld [tilespmem:$0x480]  }
0x32f: {  	v7 =	vld [tilespmem:$0x490]  }
0x330: {  	v8 =	vld [tilespmem:$0x500]  }
0x331: {  	v9 =	vld [tilespmem:$0x510]  }
0x332: {  	v10 =	vld [tilespmem:$0x580]  }
0x333: {  	v11 =	vld [tilespmem:$0x590]  }
0x334: {  	v12 =	vld [tilespmem:$0x600]  }
0x335: {  	v13 =	vld [tilespmem:$0x610]  }
0x336: {  	v14 =	vld [tilespmem:$0x680]  }
0x337: {  	v15 =	vld [tilespmem:$0x690]  }
0x338: {  	v16 =	vld [tilespmem:$0x700]  }
0x339: {  	v17 =	vld [tilespmem:$0x710]  }
0x33a: {  	v18 =	vld [tilespmem:$0x780]  }
0x33b: {  	v19 =	vld [tilespmem:$0x790]  }
0x33c: {  	v56 =	vld [tilespmem:$0x800]  }
0x33d: {  	v57 =	vld [tilespmem:$0x810]  }
0x33e: {  	v58 =	vld [tilespmem:$0x880]  }
0x33f: {  	v59 =	vld [tilespmem:$0x890]  }
0x340: {  	v21 =	vld [tilespmem:$0xA00]  }
0x341: {  	v23 =	vld [tilespmem:$0xA10]  }
0x342: {  	v25 =	vld [tilespmem:$0xA80]  }
0x343: {  	v27 =	vld [tilespmem:$0xA90]  }
0x344: {  	v29 =	vld [tilespmem:$0xB00]  }
0x345: {  	v31 =	vld [tilespmem:$0xB10]  }
0x346: {  	v33 =	vld [tilespmem:$0xB80]  }
0x347: {  	v35 =	vld [tilespmem:$0xB90]  }
0x348: {  	v47 =	vld [tilespmem:$0xC00]  }
0x349: {  	v44 =	vld [tilespmem:$0xC10]  }
0x34a: {  	v41 =	vld [tilespmem:$0xC80]  }
0x34b: {  	v38 =	vld [tilespmem:$0xC90]  }
0x34c: {  	v20 =	vld [tilespmem:$0xD00]  }
0x34d: {  	v22 =	vld [tilespmem:$0xD10]  }
0x34e: {  	v24 =	vld [tilespmem:$0xD80]  }
0x34f: {  	v26 =	vld [tilespmem:$0xD90]  }
0x350: {  	v28 =	vld [tilespmem:$0xE00]  }
0x351: {  	v30 =	vld [tilespmem:$0xE10]  }
0x352: {  	v32 =	vld [tilespmem:$0xE80]  }
0x353: {  	v34 =	vld [tilespmem:$0xE90]  }
0x354: {  	v36 =	vld [tilespmem:$0xF00]  }
0x355: {  	v39 =	vld [tilespmem:$0xF10]  }
0x356: {  	v42 =	vld [tilespmem:$0xF80]  }
0x357: {  	v45 =	vld [tilespmem:$0xF90]  }
0x358: {  	v0 =	vld [tilespmem:$0x1800]  }
0x359: {  	v1 =	vld [tilespmem:$0x1810]  }
0x35a: {  	v2 =	vld [tilespmem:$0x1880]  }
0x35b: {  	v3 =	vld [tilespmem:$0x1890]  }
0x35c: {  	[tilespmem:$0x1FDB0] =	vst v60;
	v60 =	vld [tilespmem:$0x900]  }
0x35d: {  	[tilespmem:$0x1FDC0] =	vst v61;
	v61 =	vld [tilespmem:$0x910]  }
0x35e: {  	[tilespmem:$0x1FDD0] =	vst v62;
	v62 =	vld [tilespmem:$0x980]  }
0x35f: {  	[tilespmem:$0x1FDE0] =	vst v63;
	v63 =	vld [tilespmem:$0x990]  }
0x360: {  	[tilespmem:$0x1FE00] =	vst v5;
	v5 =	vld [tilespmem:$0x1000]  }
0x361: {  	[tilespmem:$0x1FE10] =	vst v6;
	v6 =	vld [tilespmem:$0x1010]  }
0x362: {  	[tilespmem:$0x1FE20] =	vst v7;
	v7 =	vld [tilespmem:$0x1080]  }
0x363: {  	[tilespmem:$0x1FE30] =	vst v8;
	v8 =	vld [tilespmem:$0x1090]  }
0x364: {  	[tilespmem:$0x1FE50] =	vst v9;
	v9 =	vld [tilespmem:$0x1100]  }
0x365: {  	[tilespmem:$0x1FE70] =	vst v10;
	v10 =	vld [tilespmem:$0x1110]  }
0x366: {  	[tilespmem:$0x1FE90] =	vst v11;
	v11 =	vld [tilespmem:$0x1180]  }
0x367: {  	[tilespmem:$0x1FEB0] =	vst v12;
	v12 =	vld [tilespmem:$0x1190]  }
0x368: {  	[tilespmem:$0x1FED0] =	vst v13;
	v13 =	vld [tilespmem:$0x1200]  }
0x369: {  	[tilespmem:$0x1FEF0] =	vst v14;
	v14 =	vld [tilespmem:$0x1210]  }
0x36a: {  	[tilespmem:$0x1FF10] =	vst v15;
	v15 =	vld [tilespmem:$0x1280]  }
0x36b: {  	[tilespmem:$0x1FF40] =	vst v16;
	v16 =	vld [tilespmem:$0x1290]  }
0x36c: {  	[tilespmem:$0x1FF70] =	vst v17;
	v17 =	vld [tilespmem:$0x1300]  }
0x36d: {  	[tilespmem:$0x1FFA0] =	vst v18;
	v18 =	vld [tilespmem:$0x1310]  }
0x36e: {  	[tilespmem:$0x1FFD0] =	vst v19;
	v19 =	vld [tilespmem:$0x1380]  }
0x36f: {  	[tilespmem:$0x1FE40] =	vst v20;
	v20 =	vld [tilespmem:$0x1390]  }
0x370: {  	[tilespmem:$0x1FE60] =	vst v22;
	v22 =	vld [tilespmem:$0x1400]  }
0x371: {  	[tilespmem:$0x1FE80] =	vst v24;
	v24 =	vld [tilespmem:$0x1410]  }
0x372: {  	[tilespmem:$0x1FEA0] =	vst v26;
	v26 =	vld [tilespmem:$0x1480]  }
0x373: {  	[tilespmem:$0x1FEC0] =	vst v28;
	v28 =	vld [tilespmem:$0x1490]  }
0x374: {  	[tilespmem:$0x1FEE0] =	vst v30;
	v30 =	vld [tilespmem:$0x1500]  }
0x375: {  	[tilespmem:$0x1FF00] =	vst v32;
	v32 =	vld [tilespmem:$0x1510]  }
0x376: {  	[tilespmem:$0x1FF20] =	vst v34;
	v34 =	vld [tilespmem:$0x1580]  }
0x377: {  	[tilespmem:$0x1FF50] =	vst v36;
	v36 =	vld [tilespmem:$0x1590]  }
0x378: {  	[tilespmem:$0x1FFE0] =	vst v45;
	v45 =	vld [tilespmem:$0x1600]  }
0x379: {  	[tilespmem:$0x1FDF0] =	vst v4;
	v4 =	vld [tilespmem:$0x1690]  }
0x37a: {  	[tilespmem:$0x1FFB0] =	vst v42;
	v42 =	vld [tilespmem:$0x1610]  }
0x37b: {  	[tilespmem:$0x1FF80] =	vst v39;
	v39 =	vld [tilespmem:$0x1680]  }
0x37c: {  	v48 =	vmax.f32 v48, v56;
	v56 =	vld [tilespmem:$0x1990]  }
0x37d: {  	v49 =	vmax.f32 v49, v57;
	v57 =	vmax.f32 v51, v59;
	v51 =	vld [tilespmem:$0x1A90]  }
0x37e: {  	[tilespmem:$0x1FF30] =	vst v4;
	v4 =	vld [tilespmem:$0x1700]  }
0x37f: {  	v0 =	vmax.f32 v5, v0;
	v5 =	vld [tilespmem:$0x1910]  }
0x380: {  	v1 =	vmax.f32 v6, v1;
	v6 =	vld [tilespmem:$0x1980]  }
0x381: {  	v59 =	vmax.f32 v52, v60;
	v60 =	vld [tilespmem:$0x1A10]  }
0x382: {  	v52 =	vmax.f32 v55, v63;
	v55 =	vld [tilespmem:$0x1B10]  }
0x383: {  	v58 =	vmax.f32 v50, v58;
	v50 =	vmax.f32 v54, v62;
	v62 =	vld [tilespmem:$0x1FDB0]  }
0x384: {  	v63 =	vld [tilespmem:$0x1C10]  }
0x385: {  	v54 =	vmax.f32 v46, v21;
	v21 =	vld [tilespmem:$0x1FE10]  }
0x386: {  	v2 =	vmax.f32 v7, v2;
	v46 =	vld [tilespmem:$0x1FEF0]  }
0x387: {  	v2 =	vmax.f32 v58, v2;
	v58 =	vld [tilespmem:$0x1A00]  }
0x388: {  	v1 =	vmax.f32 v49, v1;
	v49 =	vld [tilespmem:$0x1A80]  }
0x389: {  	v3 =	vmax.f32 v8, v3;
	v0 =	vmax.f32 v48, v0;
	v48 =	vmax.f32 v53, v61;
	v53 =	vld [tilespmem:$0x1B00]  }
0x38a: {  	v3 =	vmax.f32 v57, v3;
	v57 =	vld [tilespmem:$0x1B80]  }
0x38b: {  	v61 =	vld [tilespmem:$0x1C00]  }
0x38c: {  	[tilespmem:$0x2000] =	vst v0;
	v0 =	vmax.f32 v12, v56;
	v12 =	vld [tilespmem:$0x1C80]  }
0x38d: {  	v56 =	vmax.f32 v43, v23;
	v23 =	vld [tilespmem:$0x1FE20]  }
0x38e: {  	v43 =	vld [tilespmem:$0x1FED0]  }
0x38f: {  	v0 =	vmax.f32 v52, v0;
	v52 =	vld [tilespmem:$0x1FF40]  }
0x390: {  	[tilespmem:$0x1FF60] =	vst v4;
	v4 =	vld [tilespmem:$0x1710]  }
0x391: {  	v6 =	vmax.f32 v11, v6;
	v11 =	vld [tilespmem:$0x1FDC0]  }
0x392: {  	[tilespmem:$0x2080] =	vst v2;
	v2 =	vmax.f32 v14, v60;
	v14 =	vld [tilespmem:$0x1C90]  }
0x393: {  	v60 =	vmax.f32 v37, v27;
	v27 =	vld [tilespmem:$0x1E10]  }
0x394: {  	v8 =	vmax.f32 v62, v29;
	v29 =	vld [tilespmem:$0x1FE60]  }
0x395: {  	v37 =	vld [tilespmem:$0x1F00]  }
0x396: {  	v62 =	vld [tilespmem:$0x1FFE0]  }
0x397: {  	[tilespmem:$0x2010] =	vst v1;
	v1 =	vmax.f32 v13, v58;
	v13 =	vld [tilespmem:$0x1FDD0]  }
0x398: {  	[tilespmem:$0x2090] =	vst v3;
	v3 =	vmax.f32 v15, v49;
	v15 =	vld [tilespmem:$0x1FDE0]  }
0x399: {  	[tilespmem:$0x2190] =	vst v0;
	v0 =	vmax.f32 v19, v57;
	v19 =	vld [tilespmem:$0x1FE00]  }
0x39a: {  	v58 =	vmax.f32 v40, v25;
	v25 =	vld [tilespmem:$0x1FE30]  }
0x39b: {  	v5 =	vmax.f32 v10, v5;
	v40 =	vld [tilespmem:$0x1FEC0]  }
0x39c: {  	v5 =	vmax.f32 v48, v5;
	v48 =	vld [tilespmem:$0x1F90]  }
0x39d: {  	v49 =	vld [tilespmem:$0x1FF10]  }
0x39e: {  	v6 =	vmax.f32 v50, v6;
	v50 =	vld [tilespmem:$0x1FF20]  }
0x39f: {  	v2 =	vmax.f32 v56, v2;
	v56 =	vld [tilespmem:$0x1FF80]  }
0x3a0: {  	[tilespmem:$0x1FF90] =	vst v4;
	v4 =	vld [tilespmem:$0x1780]  }
0x3a1: {  	[tilespmem:$0x2110] =	vst v5;
	v5 =	vmax.f32 v17, v53;
	v17 =	vld [tilespmem:$0x1FDF0]  }
0x3a2: {  	[tilespmem:$0x2180] =	vst v6;
	v6 =	vmax.f32 v18, v55;
	v18 =	vld [tilespmem:$0x1D10]  }
0x3a3: {  	[tilespmem:$0x2210] =	vst v2;
	v2 =	vmax.f32 v22, v61;
	v22 =	vld [tilespmem:$0x1D90]  }
0x3a4: {  	v53 =	vld [tilespmem:$0x1FF50]  }
0x3a5: {  	[tilespmem:$0x1FFC0] =	vst v4;
	v4 =	vld [tilespmem:$0x1790]  }
0x3a6: {  	v1 =	vmax.f32 v54, v1;
	v54 =	vld [tilespmem:$0x1FF60]  }
0x3a7: {  	v55 =	vld [tilespmem:$0x1FF70]  }
0x3a8: {  	v3 =	vmax.f32 v58, v3;
	v58 =	vld [tilespmem:$0x1FFA0]  }
0x3a9: {  	v61 =	vld [tilespmem:$0x1FFD0]  }
0x3aa: {  	[tilespmem:$0x1FFF0] =	vst v4;
	v4 =	vld [tilespmem:$0x1900]  }
0x3ab: {  	[tilespmem:$0x2280] =	vst v3;
	v5 =	vmax.f32 v8, v5;
	v3 =	vmax.f32 v24, v63;
	v24 =	vld [tilespmem:$0x1E00]  }
0x3ac: {  	[tilespmem:$0x2300] =	vst v5;
	v5 =	vmax.f32 v28, v14;
	v28 =	vld [tilespmem:$0x1FE50]  }
0x3ad: {  	v7 =	vmax.f32 v11, v31;
	v31 =	vld [tilespmem:$0x1FE70]  }
0x3ae: {  	v8 =	vmax.f32 v13, v33;
	v33 =	vld [tilespmem:$0x1E90]  }
0x3af: {  	v6 =	vmax.f32 v7, v6;
	v7 =	vmax.f32 v15, v35;
	v35 =	vld [tilespmem:$0x1FEA0];
	v4 =	vmax.f32 v9, v4  }
0x3b0: {  	v4 =	vmax.f32 v59, v4;
	v59 =	vld [tilespmem:$0x1B90]  }
0x3b1: {  	v57 =	vld [tilespmem:$0x1FF90]  }
0x3b2: {  	v0 =	vmax.f32 v8, v0;
	v8 =	vmax.f32 v17, v47;
	v47 =	vld [tilespmem:$0x1FF00];
	[tilespmem:$0x2100] =	vst v4;
	v4 =	vmax.f32 v16, v51  }
0x3b3: {  	[tilespmem:$0x2200] =	vst v1;
	v16 =	vld [tilespmem:$0x1D00];
	v4 =	vmax.f32 v60, v4  }
0x3b4: {  	[tilespmem:$0x2290] =	vst v4;
	v4 =	vmax.f32 v26, v12;
	v26 =	vld [tilespmem:$0x1FE40]  }
0x3b5: {  	[tilespmem:$0x2310] =	vst v6;
	v1 =	vmax.f32 v20, v59;
	v20 =	vld [tilespmem:$0x1D80]  }
0x3b6: {  	[tilespmem:$0x2380] =	vst v0;
	v2 =	vmax.f32 v8, v2;
	v8 =	vmax.f32 v21, v41;
	v0 =	vmax.f32 v32, v18;
	v32 =	vld [tilespmem:$0x1FE80]  }
0x3b7: {  	v41 =	vld [tilespmem:$0x1F10];
	[tilespmem:$0x2400] =	vst v2;
	v4 =	vmax.f32 v8, v4;
	v1 =	vmax.f32 v7, v1;
	v7 =	vmax.f32 v19, v44  }
0x3b8: {  	[tilespmem:$0x2480] =	vst v4;
	v3 =	vmax.f32 v7, v3;
	v7 =	vmax.f32 v23, v38;
	v38 =	vld [tilespmem:$0x1FEB0]  }
0x3b9: {  	v6 =	vmax.f32 v30, v16;
	v30 =	vld [tilespmem:$0x1E80];
	[tilespmem:$0x2390] =	vst v1  }
0x3ba: {  	[tilespmem:$0x2410] =	vst v3;
	v8 =	vmax.f32 v25, v26;
	v5 =	vmax.f32 v7, v5;
	v1 =	vmax.f32 v34, v20;
	v34 =	vld [tilespmem:$0x1FE90]  }
0x3bb: {  	v51 =	vld [tilespmem:$0x1FF30];
	v7 =	vmax.f32 v28, v29;
	v6 =	vmax.f32 v8, v6;
	[tilespmem:$0x2490] =	vst v5  }
0x3bc: {  	v44 =	vld [tilespmem:$0x1FEE0];
	v8 =	vmax.f32 v31, v32;
	v0 =	vmax.f32 v7, v0;
	[tilespmem:$0x2500] =	vst v6  }
0x3bd: {  	v60 =	vld [tilespmem:$0x1FFC0];
	v3 =	vmax.f32 v45, v24;
	[tilespmem:$0x2510] =	vst v0;
	v1 =	vmax.f32 v8, v1;
	v8 =	vmax.f32 v38, v40  }
0x3be: {  	v59 =	vld [tilespmem:$0x1FFB0];
	v5 =	vmax.f32 v39, v30;
	[tilespmem:$0x2580] =	vst v1;
	v3 =	vmax.f32 v8, v3;
	v8 =	vmax.f32 v46, v47  }
0x3bf: {  	v2 =	vmax.f32 v36, v22;
	v45 =	vld [tilespmem:$0x1F80];
	[tilespmem:$0x2600] =	vst v3;
	v5 =	vmax.f32 v8, v5;
	v7 =	vmax.f32 v34, v35  }
0x3c0: {  	v63 =	vld [tilespmem:$0x1FFF0];
	v1 =	vmax.f32 v57, v41;
	[tilespmem:$0x2680] =	vst v5;
	v5 =	vmax.f32 v55, v56;
	v2 =	vmax.f32 v7, v2  }
0x3c1: {  	v4 =	vmax.f32 v42, v27;
	v7 =	vmax.f32 v43, v44;
	v1 =	vmax.f32 v5, v1;
	[tilespmem:$0x2590] =	vst v2  }
0x3c2: {  	v6 =	vmax.f32 v51, v33;
	v4 =	vmax.f32 v7, v4;
	v7 =	vmax.f32 v49, v50;
	[tilespmem:$0x2710] =	vst v1  }
0x3c3: {  	v0 =	vmax.f32 v54, v37;
	[tilespmem:$0x2610] =	vst v4;
	v4 =	vmax.f32 v52, v53;
	v6 =	vmax.f32 v7, v6  }
0x3c4: {  	v2 =	vmax.f32 v60, v45;
	v0 =	vmax.f32 v4, v0;
	[tilespmem:$0x2690] =	vst v6;
	v4 =	vmax.f32 v58, v59  }
0x3c5: {  	v3 =	vmax.f32 v63, v48;
	[tilespmem:$0x2700] =	vst v0;
	v0 =	vmax.f32 v61, v62;
	v2 =	vmax.f32 v4, v2  }
0x3c6: {  	p0 =	sne.s32 s12, $0x1F00;
	v0 =	vmax.f32 v0, v3;
	[tilespmem:$0x2780] =	vst v2  }
.Ltmp0:
0x3c7: {  	s31 =	sadd.s32 $0x100000, s14;
	[tilespmem:$0x2790] =	vst v0;
	(pc) =	sbr.rel @p0 .LBB2_2-.Ltmp0, $4  }
0x3c8: {  	[hbm4b:s31+s2] =	stream.linear.scatter [tilespmem:s10], [sflag:$0x1], $0x800, $0x38;
	[tilespmem:$0x2800] =	vst v63  }
0x3c9: {  	_ =	swait.ge [sflag:s6], $0x800  }
0x3ca: {  	[sflag:s6] =	ssyncset.done $0x0  }
0x3cb: {  	s12 =	sadd.s32 $0x100, s12;
	[sflag:s6] =	ssyncadd.s32 $0xFFFFF800  }
0x3cc: {  	s11 =	sadd.s32 $0x1, s11  }
0x3cd: {  	p0 =	sne.s32 s11, s3  }
.Ltmp1:
0x3ce: {  	_ = 	snop;
	(pc) =	sbr.rel @p0 .LBB2_1-.Ltmp1, $1  }
0x3cf: {  	_ =	sdelay $0x3  }
0x3d0: {  	_ =	sfence.sel $0x180000  }
0x3d1: {  	[bflag:$0x0] =	sbarrier.arrive $0xFFFF  }
0x3d2: {  	p0 =	sne.s32 s1, $0x0;
	_ =	strace $0x90000047  }
0x3d3: {  	s0 =	sadd.s32 @!p0 $0x100000, s0;
	[bflag:$0x2] =	sbarrier.arrive $0xFFFF  }
0x3d4: {  	[sflag:s0] =	ssyncadd.tile.s32 @!p0 $0x1;
	_ =	shalt  }
.Lfunc_end2:
_tile_overlayer_lowered:
.L_overlay_start_2:
0x3d5: {  	(tag) =	ssettag $0x2  }
0x3d6: {  	s0 =	rddreg [dreg:$0x0];
	s2 =	stileid.u32  }
0x3d7: {  	s1 =	rddreg [dreg:$0x1];
	p0 =	sne.s32 s2, $0x0  }
0x3d8: {  	s3 =	rddreg [dreg:$0x2];
	[bflag:$0x3] =	sbarrier.arrive $0xFFFF;
	s2 =	simm.s32 @!p0 $0x1C01  }
0x3d9: {  	[timem:s3], [sflag:s2] =	dma.local @!p0 [hbm:s0], s1  }
0x3da: {  	s0 =	simm.s32 @!p0 $0x1  }
0x3db: {  	_ =	swait.ge @!p0 [sflag:s0], s1  }
0x3dc: {  	s1 =	ssub.s32 @!p0 $0x0, s1;
	[sflag:s0] =	ssyncset.done @!p0 $0x0  }
0x3dd: {  	[sflag:s0] =	ssyncadd.s32 @!p0 s1  }
0x3de: {  	[bflag:$0x3] =	sbarrier.arrive $0xFFFF  }
0x3df: {  	_ =	shalt  }

</sc_bundles>
